<compile_context>
chip_gen: v7x
topology: tpu7x:2x2x1
jax: 0.10.2.dev20260603
libtpu: 0.0.44.dev20260713+nightly
codegen_flags: <defaults>
</compile_context>

<pallas_src>
import functools

import jax
import jax.numpy as jnp
from jax import lax
from jax.experimental import pallas as pl
from jax.experimental.pallas import tpu as pltpu
from jax.experimental.pallas import tpu_sc as plsc

_NC = 2
_NS = 16
_NW = _NC * _NS
_L = 16

_B = 16384
_H = 200
_D = 64
_NCLS = 2

_HA = 128
_HB = _H - _HA
_KB = 4
_GIDX = _KB * _H
_BPW = _B // _NW
_NG = _BPW // _KB
_HALF = _NG // 2

_V = 1000000
_VBW = 128
_NFB = _V // _VBW
_FPW = _NFB // _NW
_TAIL = _V - _NFB * _VBW

_mesh = plsc.VectorSubcoreMesh(core_axis_name="c", subcore_axis_name="s")


@functools.partial(
    pl.kernel,
    mesh=_mesh,
    out_type=jax.ShapeDtypeStruct((_B // 2, 2 * _D), jnp.float32),
    scratch_types=[
        pltpu.VMEM((_KB, _HA), jnp.int32),
        pltpu.VMEM((_KB, _HA), jnp.int32),
        pltpu.VMEM((_KB, _HA), jnp.int32),
        pltpu.VMEM((_KB, _HA), jnp.int32),
        pltpu.VMEM((_GIDX, _D), jnp.float32),
        pltpu.VMEM((_GIDX, _D), jnp.float32),
        pltpu.VMEM((_HALF * _KB // 2, 2 * _D), jnp.float32),
        pltpu.SemaphoreType.DMA,
        pltpu.SemaphoreType.DMA,
        pltpu.SemaphoreType.DMA,
        pltpu.SemaphoreType.DMA,
    ],
    compiler_params=pltpu.CompilerParams(use_tc_tiling_on_sc=False),
)
def _emb_pool(xa_hbm, xb_hbm, tab_hbm, out_hbm,
              idxa_0, idxa_1, idxb_0, idxb_1, rows_a, rows_b, pooled_v,
              sem_ga, sem_gb, sem_ia, sem_ib):
    wid = lax.axis_index("s") * _NC + lax.axis_index("c")
    xrow0 = wid * _BPW
    neg = jnp.full((_L,), -jnp.inf, jnp.float32)
    idxa_bufs = (idxa_0, idxa_1)
    idxb_bufs = (idxb_0, idxb_1)
    rows_bufs = (rows_a, rows_b)
    sem_g = (sem_ga, sem_gb)
    sem_i = (sem_ia, sem_ib)

    def idx_copies(g, par):
        r0 = xrow0 + g * _KB
        return [
            pltpu.make_async_copy(
                xa_hbm.at[pl.ds(r0, _KB), :], idxa_bufs[par], sem_i[par]),
            pltpu.make_async_copy(
                xb_hbm.at[pl.ds(r0, _KB), :], idxb_bufs[par], sem_i[par]),
        ]

    def gather_copies(par):
        cps = []
        for e in range(_KB):
            cps.append(pltpu.make_async_copy(
                tab_hbm.at[idxa_bufs[par].at[e, pl.ds(0, _HA)]],
                rows_bufs[par].at[pl.ds(e * _H, _HA)], sem_g[par]))
            cps.append(pltpu.make_async_copy(
                tab_hbm.at[idxb_bufs[par].at[e, pl.ds(0, _HB)]],
                rows_bufs[par].at[pl.ds(e * _H + _HA, _HB)], sem_g[par]))
        return cps

    def compute(g, par):
        rows_v = rows_bufs[par]

        def rbody(i, acc):
            nxt = []
            for e in range(_KB):
                row = e * _H + 2 * i
                ae = []
                for c in range(_D // _L):
                    v0 = rows_v[row, pl.ds(c * _L, _L)]
                    v1 = rows_v[row + 1, pl.ds(c * _L, _L)]
                    ae.append(jnp.maximum(acc[e][c], jnp.maximum(v0, v1)))
                nxt.append(tuple(ae))
            return tuple(nxt)

        acc0 = tuple(tuple(neg for _ in range(_D // _L)) for _ in range(_KB))
        acc = lax.fori_loop(0, _H // 2, rbody, acc0)
        prow = (g & (_HALF - 1)) * (_KB // 2)
        for e in range(_KB):
            for c in range(_D // _L):
                col = (e % 2) * _D + c * _L
                pooled_v[prow + e // 2, pl.ds(col, _L)] = acc[e][c]

    for cp in idx_copies(0, 0):
        cp.start()
    for cp in idx_copies(0, 0):
        cp.wait()
    for cp in gather_copies(0):
        cp.start()
    for cp in idx_copies(1, 1):
        cp.start()

    def pair(gp, carry):
        for par in (0, 1):
            g = 2 * gp + par
            nxt = 1 - par
            for cp in idx_copies(g + 1, nxt):
                cp.wait()
            for cp in gather_copies(nxt):
                cp.start()
            for cp in gather_copies(par):
                cp.wait()
            for cp in idx_copies(g + 2, par):
                cp.start()
            compute(g, par)

            @pl.when(g == _HALF - 1)
            def _():
                pltpu.sync_copy(
                    pooled_v,
                    out_hbm.at[pl.ds(wid * (_BPW // 2), _HALF * _KB // 2), :])
        return carry

    lax.fori_loop(0, (_NG - 2) // 2, pair, 0)

    for cp in gather_copies(0):
        cp.wait()
    for cp in idx_copies(_NG - 1, 1):
        cp.wait()
    for cp in gather_copies(1):
        cp.start()
    compute(_NG - 2, 0)
    for cp in gather_copies(1):
        cp.wait()
    compute(_NG - 1, 1)
    pltpu.sync_copy(
        pooled_v,
        out_hbm.at[pl.ds(wid * (_BPW // 2) + _HALF * _KB // 2,
                         _HALF * _KB // 2), :])


def _proj_body(p_ref, w_ref, b_ref, o_ref):
    o_ref[:] = (jnp.dot(p_ref[:], w_ref[:], preferred_element_type=jnp.float32)
                + b_ref[:])


_TPB = 16384


def _tpad_body(t_ref, o_ref):
    t = jnp.swapaxes(t_ref[:], 0, 1)
    o_ref[:] = jnp.concatenate(
        [t, jnp.zeros((_TPB, _D), jnp.float32)], axis=1)


def _transpose_pad(tabt):
    grid = (_V + _TPB - 1) // _TPB
    return pl.pallas_call(
        _tpad_body,
        grid=(grid,),
        in_specs=[pl.BlockSpec((_D, _TPB), lambda j: (0, j))],
        out_specs=pl.BlockSpec((_TPB, 2 * _D), lambda j: (j, 0)),
        out_shape=jax.ShapeDtypeStruct((_V, 2 * _D), jnp.float32),
    )(tabt)


def kernel(x, emb_table, W, b):
    xa = (x[:, :_HA].astype(jnp.int32) * 2)
    xb = jnp.pad(x[:, _HA:].astype(jnp.int32) * 2, ((0, 0), (0, _HA - _HB)))
    tab2 = _transpose_pad(emb_table.T).reshape(2 * _V, _D)
    pooled2 = _emb_pool(xa, xb, tab2)
    w2 = jnp.zeros((2 * _D, 2 * _NCLS), jnp.float32)
    w2 = w2.at[:_D, :_NCLS].set(W.T).at[_D:, _NCLS:].set(W.T)
    b2 = jnp.concatenate([b, b]).reshape(1, 2 * _NCLS)
    out2 = pl.pallas_call(
        _proj_body,
        out_shape=jax.ShapeDtypeStruct((_B // 2, 2 * _NCLS), jnp.float32),
    )(pooled2, w2, b2)
    return out2.reshape(_B, _NCLS)

# --- scband reference (transcript-rebuilt; emitter-appended) ---
"""Pipeline reference for scband-model-1941325218247 (READ-ONLY COPY).

The authoritative reference and input builder live on the scoring server;
editing this copy changes nothing except your own understanding.
"""

import jax, jax.numpy as jnp
import numpy as np

VOCAB = 1000000
EMBED_DIM = 64
N_CLASSES = 2
BATCH = 16384
HIST = 200

def setup_inputs(seed: int = 0) -> dict:
    key = jax.random.key(seed)
    k1, k2, k3, k4 = jax.random.split(key, 4)
    x = jax.random.randint(k1, (BATCH, HIST), 0, VOCAB, dtype=jnp.int64 if jax.config.jax_enable_x64 else jnp.int32)
    emb_table = jax.random.normal(k2, (VOCAB, EMBED_DIM), dtype=jnp.float32)
    W = jax.random.normal(k3, (N_CLASSES, EMBED_DIM), dtype=jnp.float32) * 0.05
    b = jax.random.normal(k4, (N_CLASSES,), dtype=jnp.float32) * 0.05
    return {"x": x, "emb_table": emb_table, "W": W, "b": b}

def reference(x, emb_table, W, b):
    # nn.Embedding lookup: gather rows of the table
    embedded = jnp.take(emb_table, x, axis=0)  # [B, L, D]
    # max pooling over the sequence dimension (torch.max(..., dim=1)[0])
    pooled = jnp.max(embedded, axis=1)  # [B, D]
    # linear projection with bias
    projected = pooled @ W.T + b  # [B, n_classes]
    return projected

if __name__ == "__main__":
    import jax
    _d = setup_inputs()
    print(jax.jit(kernel)(*tuple(_d.values())))

</pallas_src>

<mosaic_0001>
#map = affine_map<(d0, d1) -> (0, 0)>
module attributes {stable_mosaic.version = 14 : i64} {
  func.func @_emb_pool(%arg0: i32, %arg1: i32, %arg2: memref<16384x128xi32, #tpu.memory_space<hbm>>, %arg3: memref<16384x128xi32, #tpu.memory_space<hbm>>, %arg4: memref<2000000x64xf32, #tpu.memory_space<hbm>>, %arg5: memref<8192x128xf32, #tpu.memory_space<hbm>>, %arg6: memref<4x128xi32, #tpu.memory_space<vmem>>, %arg7: memref<4x128xi32, #tpu.memory_space<vmem>>, %arg8: memref<4x128xi32, #tpu.memory_space<vmem>>, %arg9: memref<4x128xi32, #tpu.memory_space<vmem>>, %arg10: memref<800x64xf32, #tpu.memory_space<vmem>>, %arg11: memref<800x64xf32, #tpu.memory_space<vmem>>, %arg12: memref<128x128xf32, #tpu.memory_space<vmem>>, %arg13: memref<!tpu.dma_semaphore, #tpu.memory_space<semaphore_mem>>, %arg14: memref<!tpu.dma_semaphore, #tpu.memory_space<semaphore_mem>>, %arg15: memref<!tpu.dma_semaphore, #tpu.memory_space<semaphore_mem>>, %arg16: memref<!tpu.dma_semaphore, #tpu.memory_space<semaphore_mem>>) attributes {dimension_semantics = [#tpu.dimension_semantics<core_parallel>, #tpu.dimension_semantics<subcore_parallel>], iteration_bounds = array<i64: 2, 16>, scalar_prefetch = 0 : i64, scratch_operands = 11 : i64, tpu.core_type = #tpu.core_type<sc_vector_subcore>, window_params = [{transform_indices = #map}, {transform_indices = #map}, {transform_indices = #map}, {transform_indices = #map}]} {
    %mul3A = arith.constant 2 : i32
    %mul3A_0 = arith.muli %arg1, %mul3A : i32
    %add3A = arith.addi %mul3A_0, %arg0 : i32
    %mul3A_1 = arith.constant 512 : i32
    %mul3A_2 = arith.muli %add3A, %mul3A_1 : i32
    %broadcast_in_dim3A = arith.constant 0xFF800000 : f32
    %broadcast_in_dim3A_3 = vector.broadcast %broadcast_in_dim3A : f32 to vector<16xf32>
    %add3A_4 = arith.constant 0 : i32
    %add3A_5 = arith.addi %mul3A_2, %add3A_4 : i32
    %dma_start3A = arith.constant 0 : i32
    %dma_start3A_6 = tpu.memref_slice %arg2[%add3A_5, %dma_start3A] : memref<16384x128xi32, #tpu.memory_space<hbm>> -> memref<4x128xi32, #tpu.memory_space<hbm>>
    %dma_start3A_7 = arith.constant 0 : i32
    %dma_start3A_8 = tpu.memref_slice %arg2[%add3A_5, %dma_start3A_7] : memref<16384x128xi32, #tpu.memory_space<hbm>> -> memref<4x128xi32, #tpu.memory_space<hbm>>
    tpu.enqueue_dma source(%dma_start3A_8 : memref<4x128xi32, #tpu.memory_space<hbm>>) target(%arg6 : memref<4x128xi32, #tpu.memory_space<vmem>>) target_semaphore(%arg15 : memref<!tpu.dma_semaphore, #tpu.memory_space<semaphore_mem>>)
    %dma_start3A_9 = arith.constant 0 : i32
    %dma_start3A_10 = tpu.memref_slice %arg3[%add3A_5, %dma_start3A_9] : memref<16384x128xi32, #tpu.memory_space<hbm>> -> memref<4x128xi32, #tpu.memory_space<hbm>>
    %dma_start3A_11 = arith.constant 0 : i32
    %dma_start3A_12 = tpu.memref_slice %arg3[%add3A_5, %dma_start3A_11] : memref<16384x128xi32, #tpu.memory_space<hbm>> -> memref<4x128xi32, #tpu.memory_space<hbm>>
    tpu.enqueue_dma source(%dma_start3A_12 : memref<4x128xi32, #tpu.memory_space<hbm>>) target(%arg8 : memref<4x128xi32, #tpu.memory_space<vmem>>) target_semaphore(%arg15 : memref<!tpu.dma_semaphore, #tpu.memory_space<semaphore_mem>>)
    %add3A_13 = arith.constant 0 : i32
    %add3A_14 = arith.addi %mul3A_2, %add3A_13 : i32
    %dma_wait3A = arith.constant 0 : i32
    %dma_wait3A_15 = tpu.memref_slice %arg2[%add3A_14, %dma_wait3A] : memref<16384x128xi32, #tpu.memory_space<hbm>> -> memref<4x128xi32, #tpu.memory_space<hbm>>
    %dma_wait3A_16 = arith.constant 0 : i32
    %dma_wait3A_17 = tpu.memref_slice %arg2[%add3A_14, %dma_wait3A_16] : memref<16384x128xi32, #tpu.memory_space<hbm>> -> memref<4x128xi32, #tpu.memory_space<hbm>>
    tpu.wait_dma2 semaphore(%arg15 : memref<!tpu.dma_semaphore, #tpu.memory_space<semaphore_mem>>) src(%dma_wait3A_17 : memref<4x128xi32, #tpu.memory_space<hbm>>) dst(%arg6 : memref<4x128xi32, #tpu.memory_space<vmem>>)
    %dma_wait3A_18 = arith.constant 0 : i32
    %dma_wait3A_19 = tpu.memref_slice %arg3[%add3A_14, %dma_wait3A_18] : memref<16384x128xi32, #tpu.memory_space<hbm>> -> memref<4x128xi32, #tpu.memory_space<hbm>>
    %dma_wait3A_20 = arith.constant 0 : i32
    %dma_wait3A_21 = tpu.memref_slice %arg3[%add3A_14, %dma_wait3A_20] : memref<16384x128xi32, #tpu.memory_space<hbm>> -> memref<4x128xi32, #tpu.memory_space<hbm>>
    tpu.wait_dma2 semaphore(%arg15 : memref<!tpu.dma_semaphore, #tpu.memory_space<semaphore_mem>>) src(%dma_wait3A_21 : memref<4x128xi32, #tpu.memory_space<hbm>>) dst(%arg8 : memref<4x128xi32, #tpu.memory_space<vmem>>)
    %dma_start3A_22 = arith.constant 0 : i32
    %dma_start3A_23 = arith.constant 0 : i32
    %dma_start3A_24 = arith.constant 0 : i32
    %dma_start3A_25 = tpu.memref_slice %arg10[%dma_start3A_23, %dma_start3A_24] : memref<800x64xf32, #tpu.memory_space<vmem>> -> memref<128x64xf32, #tpu.memory_space<vmem>>
    %dma_start3A_26 = arith.constant 0 : i32
    %dma_start3A_27 = tpu.memref_slice %arg6[%dma_start3A_22, %dma_start3A_26] : memref<4x128xi32, #tpu.memory_space<vmem>> -> memref<1x128xi32, #tpu.memory_space<vmem>>
    %dma_start3A_28 = tpu.memref_squeeze %dma_start3A_27 : memref<1x128xi32, #tpu.memory_space<vmem>> -> memref<128xi32, #tpu.memory_space<vmem>>
    %dma_start3A_29 = arith.constant 0 : i32
    %dma_start3A_30 = arith.constant 0 : i32
    %dma_start3A_31 = tpu.memref_slice %arg4[%dma_start3A_29, %dma_start3A_30] : memref<2000000x64xf32, #tpu.memory_space<hbm>> -> memref<2000000x64xf32, #tpu.memory_space<hbm>>
    tpu.enqueue_indirect_dma source(%dma_start3A_31 : memref<2000000x64xf32, #tpu.memory_space<hbm>>) target(%dma_start3A_25 : memref<128x64xf32, #tpu.memory_space<vmem>>) offsets(%dma_start3A_28 : memref<128xi32, #tpu.memory_space<vmem>>) semaphore(%arg13 : memref<!tpu.dma_semaphore, #tpu.memory_space<semaphore_mem>>)
    %dma_start3A_32 = arith.constant 0 : i32
    %dma_start3A_33 = arith.constant 128 : i32
    %dma_start3A_34 = arith.constant 0 : i32
    %dma_start3A_35 = tpu.memref_slice %arg10[%dma_start3A_33, %dma_start3A_34] : memref<800x64xf32, #tpu.memory_space<vmem>> -> memref<72x64xf32, #tpu.memory_space<vmem>>
    %dma_start3A_36 = arith.constant 0 : i32
    %dma_start3A_37 = tpu.memref_slice %arg8[%dma_start3A_32, %dma_start3A_36] : memref<4x128xi32, #tpu.memory_space<vmem>> -> memref<1x72xi32, #tpu.memory_space<vmem>>
    %dma_start3A_38 = tpu.memref_squeeze %dma_start3A_37 : memref<1x72xi32, #tpu.memory_space<vmem>> -> memref<72xi32, #tpu.memory_space<vmem>>
    %dma_start3A_39 = arith.constant 0 : i32
    %dma_start3A_40 = arith.constant 0 : i32
    %dma_start3A_41 = tpu.memref_slice %arg4[%dma_start3A_39, %dma_start3A_40] : memref<2000000x64xf32, #tpu.memory_space<hbm>> -> memref<2000000x64xf32, #tpu.memory_space<hbm>>
    tpu.enqueue_indirect_dma source(%dma_start3A_41 : memref<2000000x64xf32, #tpu.memory_space<hbm>>) target(%dma_start3A_35 : memref<72x64xf32, #tpu.memory_space<vmem>>) offsets(%dma_start3A_38 : memref<72xi32, #tpu.memory_space<vmem>>) semaphore(%arg13 : memref<!tpu.dma_semaphore, #tpu.memory_space<semaphore_mem>>)
    %dma_start3A_42 = arith.constant 1 : i32
    %dma_start3A_43 = arith.constant 200 : i32
    %dma_start3A_44 = arith.constant 0 : i32
    %dma_start3A_45 = tpu.memref_slice %arg10[%dma_start3A_43, %dma_start3A_44] : memref<800x64xf32, #tpu.memory_space<vmem>> -> memref<128x64xf32, #tpu.memory_space<vmem>>
    %dma_start3A_46 = arith.constant 0 : i32
    %dma_start3A_47 = tpu.memref_slice %arg6[%dma_start3A_42, %dma_start3A_46] : memref<4x128xi32, #tpu.memory_space<vmem>> -> memref<1x128xi32, #tpu.memory_space<vmem>>
    %dma_start3A_48 = tpu.memref_squeeze %dma_start3A_47 : memref<1x128xi32, #tpu.memory_space<vmem>> -> memref<128xi32, #tpu.memory_space<vmem>>
    %dma_start3A_49 = arith.constant 0 : i32
    %dma_start3A_50 = arith.constant 0 : i32
    %dma_start3A_51 = tpu.memref_slice %arg4[%dma_start3A_49, %dma_start3A_50] : memref<2000000x64xf32, #tpu.memory_space<hbm>> -> memref<2000000x64xf32, #tpu.memory_space<hbm>>
    tpu.enqueue_indirect_dma source(%dma_start3A_51 : memref<2000000x64xf32, #tpu.memory_space<hbm>>) target(%dma_start3A_45 : memref<128x64xf32, #tpu.memory_space<vmem>>) offsets(%dma_start3A_48 : memref<128xi32, #tpu.memory_space<vmem>>) semaphore(%arg13 : memref<!tpu.dma_semaphore, #tpu.memory_space<semaphore_mem>>)
    %dma_start3A_52 = arith.constant 1 : i32
    %dma_start3A_53 = arith.constant 328 : i32
    %dma_start3A_54 = arith.constant 0 : i32
    %dma_start3A_55 = tpu.memref_slice %arg10[%dma_start3A_53, %dma_start3A_54] : memref<800x64xf32, #tpu.memory_space<vmem>> -> memref<72x64xf32, #tpu.memory_space<vmem>>
    %dma_start3A_56 = arith.constant 0 : i32
    %dma_start3A_57 = tpu.memref_slice %arg8[%dma_start3A_52, %dma_start3A_56] : memref<4x128xi32, #tpu.memory_space<vmem>> -> memref<1x72xi32, #tpu.memory_space<vmem>>
    %dma_start3A_58 = tpu.memref_squeeze %dma_start3A_57 : memref<1x72xi32, #tpu.memory_space<vmem>> -> memref<72xi32, #tpu.memory_space<vmem>>
    %dma_start3A_59 = arith.constant 0 : i32
    %dma_start3A_60 = arith.constant 0 : i32
    %dma_start3A_61 = tpu.memref_slice %arg4[%dma_start3A_59, %dma_start3A_60] : memref<2000000x64xf32, #tpu.memory_space<hbm>> -> memref<2000000x64xf32, #tpu.memory_space<hbm>>
    tpu.enqueue_indirect_dma source(%dma_start3A_61 : memref<2000000x64xf32, #tpu.memory_space<hbm>>) target(%dma_start3A_55 : memref<72x64xf32, #tpu.memory_space<vmem>>) offsets(%dma_start3A_58 : memref<72xi32, #tpu.memory_space<vmem>>) semaphore(%arg13 : memref<!tpu.dma_semaphore, #tpu.memory_space<semaphore_mem>>)
    %dma_start3A_62 = arith.constant 2 : i32
    %dma_start3A_63 = arith.constant 400 : i32
    %dma_start3A_64 = arith.constant 0 : i32
    %dma_start3A_65 = tpu.memref_slice %arg10[%dma_start3A_63, %dma_start3A_64] : memref<800x64xf32, #tpu.memory_space<vmem>> -> memref<128x64xf32, #tpu.memory_space<vmem>>
    %dma_start3A_66 = arith.constant 0 : i32
    %dma_start3A_67 = tpu.memref_slice %arg6[%dma_start3A_62, %dma_start3A_66] : memref<4x128xi32, #tpu.memory_space<vmem>> -> memref<1x128xi32, #tpu.memory_space<vmem>>
    %dma_start3A_68 = tpu.memref_squeeze %dma_start3A_67 : memref<1x128xi32, #tpu.memory_space<vmem>> -> memref<128xi32, #tpu.memory_space<vmem>>
    %dma_start3A_69 = arith.constant 0 : i32
    %dma_start3A_70 = arith.constant 0 : i32
    %dma_start3A_71 = tpu.memref_slice %arg4[%dma_start3A_69, %dma_start3A_70] : memref<2000000x64xf32, #tpu.memory_space<hbm>> -> memref<2000000x64xf32, #tpu.memory_space<hbm>>
    tpu.enqueue_indirect_dma source(%dma_start3A_71 : memref<2000000x64xf32, #tpu.memory_space<hbm>>) target(%dma_start3A_65 : memref<128x64xf32, #tpu.memory_space<vmem>>) offsets(%dma_start3A_68 : memref<128xi32, #tpu.memory_space<vmem>>) semaphore(%arg13 : memref<!tpu.dma_semaphore, #tpu.memory_space<semaphore_mem>>)
    %dma_start3A_72 = arith.constant 2 : i32
    %dma_start3A_73 = arith.constant 528 : i32
    %dma_start3A_74 = arith.constant 0 : i32
    %dma_start3A_75 = tpu.memref_slice %arg10[%dma_start3A_73, %dma_start3A_74] : memref<800x64xf32, #tpu.memory_space<vmem>> -> memref<72x64xf32, #tpu.memory_space<vmem>>
    %dma_start3A_76 = arith.constant 0 : i32
    %dma_start3A_77 = tpu.memref_slice %arg8[%dma_start3A_72, %dma_start3A_76] : memref<4x128xi32, #tpu.memory_space<vmem>> -> memref<1x72xi32, #tpu.memory_space<vmem>>
    %dma_start3A_78 = tpu.memref_squeeze %dma_start3A_77 : memref<1x72xi32, #tpu.memory_space<vmem>> -> memref<72xi32, #tpu.memory_space<vmem>>
    %dma_start3A_79 = arith.constant 0 : i32
    %dma_start3A_80 = arith.constant 0 : i32
    %dma_start3A_81 = tpu.memref_slice %arg4[%dma_start3A_79, %dma_start3A_80] : memref<2000000x64xf32, #tpu.memory_space<hbm>> -> memref<2000000x64xf32, #tpu.memory_space<hbm>>
    tpu.enqueue_indirect_dma source(%dma_start3A_81 : memref<2000000x64xf32, #tpu.memory_space<hbm>>) target(%dma_start3A_75 : memref<72x64xf32, #tpu.memory_space<vmem>>) offsets(%dma_start3A_78 : memref<72xi32, #tpu.memory_space<vmem>>) semaphore(%arg13 : memref<!tpu.dma_semaphore, #tpu.memory_space<semaphore_mem>>)
    %dma_start3A_82 = arith.constant 3 : i32
    %dma_start3A_83 = arith.constant 600 : i32
    %dma_start3A_84 = arith.constant 0 : i32
    %dma_start3A_85 = tpu.memref_slice %arg10[%dma_start3A_83, %dma_start3A_84] : memref<800x64xf32, #tpu.memory_space<vmem>> -> memref<128x64xf32, #tpu.memory_space<vmem>>
    %dma_start3A_86 = arith.constant 0 : i32
    %dma_start3A_87 = tpu.memref_slice %arg6[%dma_start3A_82, %dma_start3A_86] : memref<4x128xi32, #tpu.memory_space<vmem>> -> memref<1x128xi32, #tpu.memory_space<vmem>>
    %dma_start3A_88 = tpu.memref_squeeze %dma_start3A_87 : memref<1x128xi32, #tpu.memory_space<vmem>> -> memref<128xi32, #tpu.memory_space<vmem>>
    %dma_start3A_89 = arith.constant 0 : i32
    %dma_start3A_90 = arith.constant 0 : i32
    %dma_start3A_91 = tpu.memref_slice %arg4[%dma_start3A_89, %dma_start3A_90] : memref<2000000x64xf32, #tpu.memory_space<hbm>> -> memref<2000000x64xf32, #tpu.memory_space<hbm>>
    tpu.enqueue_indirect_dma source(%dma_start3A_91 : memref<2000000x64xf32, #tpu.memory_space<hbm>>) target(%dma_start3A_85 : memref<128x64xf32, #tpu.memory_space<vmem>>) offsets(%dma_start3A_88 : memref<128xi32, #tpu.memory_space<vmem>>) semaphore(%arg13 : memref<!tpu.dma_semaphore, #tpu.memory_space<semaphore_mem>>)
    %dma_start3A_92 = arith.constant 3 : i32
    %dma_start3A_93 = arith.constant 728 : i32
    %dma_start3A_94 = arith.constant 0 : i32
    %dma_start3A_95 = tpu.memref_slice %arg10[%dma_start3A_93, %dma_start3A_94] : memref<800x64xf32, #tpu.memory_space<vmem>> -> memref<72x64xf32, #tpu.memory_space<vmem>>
    %dma_start3A_96 = arith.constant 0 : i32
    %dma_start3A_97 = tpu.memref_slice %arg8[%dma_start3A_92, %dma_start3A_96] : memref<4x128xi32, #tpu.memory_space<vmem>> -> memref<1x72xi32, #tpu.memory_space<vmem>>
    %dma_start3A_98 = tpu.memref_squeeze %dma_start3A_97 : memref<1x72xi32, #tpu.memory_space<vmem>> -> memref<72xi32, #tpu.memory_space<vmem>>
    %dma_start3A_99 = arith.constant 0 : i32
    %dma_start3A_100 = arith.constant 0 : i32
    %dma_start3A_101 = tpu.memref_slice %arg4[%dma_start3A_99, %dma_start3A_100] : memref<2000000x64xf32, #tpu.memory_space<hbm>> -> memref<2000000x64xf32, #tpu.memory_space<hbm>>
    tpu.enqueue_indirect_dma source(%dma_start3A_101 : memref<2000000x64xf32, #tpu.memory_space<hbm>>) target(%dma_start3A_95 : memref<72x64xf32, #tpu.memory_space<vmem>>) offsets(%dma_start3A_98 : memref<72xi32, #tpu.memory_space<vmem>>) semaphore(%arg13 : memref<!tpu.dma_semaphore, #tpu.memory_space<semaphore_mem>>)
    %add3A_102 = arith.constant 4 : i32
    %add3A_103 = arith.addi %mul3A_2, %add3A_102 : i32
    %dma_start3A_104 = arith.constant 0 : i32
    %dma_start3A_105 = tpu.memref_slice %arg2[%add3A_103, %dma_start3A_104] : memref<16384x128xi32, #tpu.memory_space<hbm>> -> memref<4x128xi32, #tpu.memory_space<hbm>>
    %dma_start3A_106 = arith.constant 0 : i32
    %dma_start3A_107 = tpu.memref_slice %arg2[%add3A_103, %dma_start3A_106] : memref<16384x128xi32, #tpu.memory_space<hbm>> -> memref<4x128xi32, #tpu.memory_space<hbm>>
    tpu.enqueue_dma source(%dma_start3A_107 : memref<4x128xi32, #tpu.memory_space<hbm>>) target(%arg7 : memref<4x128xi32, #tpu.memory_space<vmem>>) target_semaphore(%arg16 : memref<!tpu.dma_semaphore, #tpu.memory_space<semaphore_mem>>)
    %dma_start3A_108 = arith.constant 0 : i32
    %dma_start3A_109 = tpu.memref_slice %arg3[%add3A_103, %dma_start3A_108] : memref<16384x128xi32, #tpu.memory_space<hbm>> -> memref<4x128xi32, #tpu.memory_space<hbm>>
    %dma_start3A_110 = arith.constant 0 : i32
    %dma_start3A_111 = tpu.memref_slice %arg3[%add3A_103, %dma_start3A_110] : memref<16384x128xi32, #tpu.memory_space<hbm>> -> memref<4x128xi32, #tpu.memory_space<hbm>>
    tpu.enqueue_dma source(%dma_start3A_111 : memref<4x128xi32, #tpu.memory_space<hbm>>) target(%arg9 : memref<4x128xi32, #tpu.memory_space<vmem>>) target_semaphore(%arg16 : memref<!tpu.dma_semaphore, #tpu.memory_space<semaphore_mem>>)
    %scan3A = arith.constant 0 : i32
    %scan3A_112 = arith.constant 0 : i32
    %scan3A_113 = arith.constant 63 : i32
    %scan3A_114 = arith.addi %scan3A_112, %scan3A_113 : i32
    %scan3A_115 = arith.constant 1 : i32
    scf.for %scan3A_574 = %scan3A_112 to %scan3A_114 step %scan3A_115  : i32 {
      %mul3A_575 = arith.constant 2 : i32
      %mul3A_576 = arith.muli %mul3A_575, %scan3A_574 : i32
      %add3A_577 = arith.constant 0 : i32
      %add3A_578 = arith.addi %mul3A_576, %add3A_577 : i32
      %add3A_579 = arith.constant 1 : i32
      %add3A_580 = arith.addi %add3A_578, %add3A_579 : i32
      %mul3A_581 = arith.constant 4 : i32
      %mul3A_582 = arith.muli %add3A_580, %mul3A_581 : i32
      %add3A_583 = arith.addi %mul3A_2, %mul3A_582 : i32
      %dma_wait3A_584 = arith.constant 0 : i32
      %dma_wait3A_585 = tpu.memref_slice %arg2[%add3A_583, %dma_wait3A_584] : memref<16384x128xi32, #tpu.memory_space<hbm>> -> memref<4x128xi32, #tpu.memory_space<hbm>>
      %dma_wait3A_586 = arith.constant 0 : i32
      %dma_wait3A_587 = tpu.memref_slice %arg2[%add3A_583, %dma_wait3A_586] : memref<16384x128xi32, #tpu.memory_space<hbm>> -> memref<4x128xi32, #tpu.memory_space<hbm>>
      tpu.wait_dma2 semaphore(%arg16 : memref<!tpu.dma_semaphore, #tpu.memory_space<semaphore_mem>>) src(%dma_wait3A_587 : memref<4x128xi32, #tpu.memory_space<hbm>>) dst(%arg7 : memref<4x128xi32, #tpu.memory_space<vmem>>)
      %dma_wait3A_588 = arith.constant 0 : i32
      %dma_wait3A_589 = tpu.memref_slice %arg3[%add3A_583, %dma_wait3A_588] : memref<16384x128xi32, #tpu.memory_space<hbm>> -> memref<4x128xi32, #tpu.memory_space<hbm>>
      %dma_wait3A_590 = arith.constant 0 : i32
      %dma_wait3A_591 = tpu.memref_slice %arg3[%add3A_583, %dma_wait3A_590] : memref<16384x128xi32, #tpu.memory_space<hbm>> -> memref<4x128xi32, #tpu.memory_space<hbm>>
      tpu.wait_dma2 semaphore(%arg16 : memref<!tpu.dma_semaphore, #tpu.memory_space<semaphore_mem>>) src(%dma_wait3A_591 : memref<4x128xi32, #tpu.memory_space<hbm>>) dst(%arg9 : memref<4x128xi32, #tpu.memory_space<vmem>>)
      %dma_start3A_592 = arith.constant 0 : i32
      %dma_start3A_593 = arith.constant 0 : i32
      %dma_start3A_594 = arith.constant 0 : i32
      %dma_start3A_595 = tpu.memref_slice %arg11[%dma_start3A_593, %dma_start3A_594] : memref<800x64xf32, #tpu.memory_space<vmem>> -> memref<128x64xf32, #tpu.memory_space<vmem>>
      %dma_start3A_596 = arith.constant 0 : i32
      %dma_start3A_597 = tpu.memref_slice %arg7[%dma_start3A_592, %dma_start3A_596] : memref<4x128xi32, #tpu.memory_space<vmem>> -> memref<1x128xi32, #tpu.memory_space<vmem>>
      %dma_start3A_598 = tpu.memref_squeeze %dma_start3A_597 : memref<1x128xi32, #tpu.memory_space<vmem>> -> memref<128xi32, #tpu.memory_space<vmem>>
      %dma_start3A_599 = arith.constant 0 : i32
      %dma_start3A_600 = arith.constant 0 : i32
      %dma_start3A_601 = tpu.memref_slice %arg4[%dma_start3A_599, %dma_start3A_600] : memref<2000000x64xf32, #tpu.memory_space<hbm>> -> memref<2000000x64xf32, #tpu.memory_space<hbm>>
      tpu.enqueue_indirect_dma source(%dma_start3A_601 : memref<2000000x64xf32, #tpu.memory_space<hbm>>) target(%dma_start3A_595 : memref<128x64xf32, #tpu.memory_space<vmem>>) offsets(%dma_start3A_598 : memref<128xi32, #tpu.memory_space<vmem>>) semaphore(%arg14 : memref<!tpu.dma_semaphore, #tpu.memory_space<semaphore_mem>>)
      %dma_start3A_602 = arith.constant 0 : i32
      %dma_start3A_603 = arith.constant 128 : i32
      %dma_start3A_604 = arith.constant 0 : i32
      %dma_start3A_605 = tpu.memref_slice %arg11[%dma_start3A_603, %dma_start3A_604] : memref<800x64xf32, #tpu.memory_space<vmem>> -> memref<72x64xf32, #tpu.memory_space<vmem>>
      %dma_start3A_606 = arith.constant 0 : i32
      %dma_start3A_607 = tpu.memref_slice %arg9[%dma_start3A_602, %dma_start3A_606] : memref<4x128xi32, #tpu.memory_space<vmem>> -> memref<1x72xi32, #tpu.memory_space<vmem>>
      %dma_start3A_608 = tpu.memref_squeeze %dma_start3A_607 : memref<1x72xi32, #tpu.memory_space<vmem>> -> memref<72xi32, #tpu.memory_space<vmem>>
      %dma_start3A_609 = arith.constant 0 : i32
      %dma_start3A_610 = arith.constant 0 : i32
      %dma_start3A_611 = tpu.memref_slice %arg4[%dma_start3A_609, %dma_start3A_610] : memref<2000000x64xf32, #tpu.memory_space<hbm>> -> memref<2000000x64xf32, #tpu.memory_space<hbm>>
      tpu.enqueue_indirect_dma source(%dma_start3A_611 : memref<2000000x64xf32, #tpu.memory_space<hbm>>) target(%dma_start3A_605 : memref<72x64xf32, #tpu.memory_space<vmem>>) offsets(%dma_start3A_608 : memref<72xi32, #tpu.memory_space<vmem>>) semaphore(%arg14 : memref<!tpu.dma_semaphore, #tpu.memory_space<semaphore_mem>>)
      %dma_start3A_612 = arith.constant 1 : i32
      %dma_start3A_613 = arith.constant 200 : i32
      %dma_start3A_614 = arith.constant 0 : i32
      %dma_start3A_615 = tpu.memref_slice %arg11[%dma_start3A_613, %dma_start3A_614] : memref<800x64xf32, #tpu.memory_space<vmem>> -> memref<128x64xf32, #tpu.memory_space<vmem>>
      %dma_start3A_616 = arith.constant 0 : i32
      %dma_start3A_617 = tpu.memref_slice %arg7[%dma_start3A_612, %dma_start3A_616] : memref<4x128xi32, #tpu.memory_space<vmem>> -> memref<1x128xi32, #tpu.memory_space<vmem>>
      %dma_start3A_618 = tpu.memref_squeeze %dma_start3A_617 : memref<1x128xi32, #tpu.memory_space<vmem>> -> memref<128xi32, #tpu.memory_space<vmem>>
      %dma_start3A_619 = arith.constant 0 : i32
      %dma_start3A_620 = arith.constant 0 : i32
      %dma_start3A_621 = tpu.memref_slice %arg4[%dma_start3A_619, %dma_start3A_620] : memref<2000000x64xf32, #tpu.memory_space<hbm>> -> memref<2000000x64xf32, #tpu.memory_space<hbm>>
      tpu.enqueue_indirect_dma source(%dma_start3A_621 : memref<2000000x64xf32, #tpu.memory_space<hbm>>) target(%dma_start3A_615 : memref<128x64xf32, #tpu.memory_space<vmem>>) offsets(%dma_start3A_618 : memref<128xi32, #tpu.memory_space<vmem>>) semaphore(%arg14 : memref<!tpu.dma_semaphore, #tpu.memory_space<semaphore_mem>>)
      %dma_start3A_622 = arith.constant 1 : i32
      %dma_start3A_623 = arith.constant 328 : i32
      %dma_start3A_624 = arith.constant 0 : i32
      %dma_start3A_625 = tpu.memref_slice %arg11[%dma_start3A_623, %dma_start3A_624] : memref<800x64xf32, #tpu.memory_space<vmem>> -> memref<72x64xf32, #tpu.memory_space<vmem>>
      %dma_start3A_626 = arith.constant 0 : i32
      %dma_start3A_627 = tpu.memref_slice %arg9[%dma_start3A_622, %dma_start3A_626] : memref<4x128xi32, #tpu.memory_space<vmem>> -> memref<1x72xi32, #tpu.memory_space<vmem>>
      %dma_start3A_628 = tpu.memref_squeeze %dma_start3A_627 : memref<1x72xi32, #tpu.memory_space<vmem>> -> memref<72xi32, #tpu.memory_space<vmem>>
      %dma_start3A_629 = arith.constant 0 : i32
      %dma_start3A_630 = arith.constant 0 : i32
      %dma_start3A_631 = tpu.memref_slice %arg4[%dma_start3A_629, %dma_start3A_630] : memref<2000000x64xf32, #tpu.memory_space<hbm>> -> memref<2000000x64xf32, #tpu.memory_space<hbm>>
      tpu.enqueue_indirect_dma source(%dma_start3A_631 : memref<2000000x64xf32, #tpu.memory_space<hbm>>) target(%dma_start3A_625 : memref<72x64xf32, #tpu.memory_space<vmem>>) offsets(%dma_start3A_628 : memref<72xi32, #tpu.memory_space<vmem>>) semaphore(%arg14 : memref<!tpu.dma_semaphore, #tpu.memory_space<semaphore_mem>>)
      %dma_start3A_632 = arith.constant 2 : i32
      %dma_start3A_633 = arith.constant 400 : i32
      %dma_start3A_634 = arith.constant 0 : i32
      %dma_start3A_635 = tpu.memref_slice %arg11[%dma_start3A_633, %dma_start3A_634] : memref<800x64xf32, #tpu.memory_space<vmem>> -> memref<128x64xf32, #tpu.memory_space<vmem>>
      %dma_start3A_636 = arith.constant 0 : i32
      %dma_start3A_637 = tpu.memref_slice %arg7[%dma_start3A_632, %dma_start3A_636] : memref<4x128xi32, #tpu.memory_space<vmem>> -> memref<1x128xi32, #tpu.memory_space<vmem>>
      %dma_start3A_638 = tpu.memref_squeeze %dma_start3A_637 : memref<1x128xi32, #tpu.memory_space<vmem>> -> memref<128xi32, #tpu.memory_space<vmem>>
      %dma_start3A_639 = arith.constant 0 : i32
      %dma_start3A_640 = arith.constant 0 : i32
      %dma_start3A_641 = tpu.memref_slice %arg4[%dma_start3A_639, %dma_start3A_640] : memref<2000000x64xf32, #tpu.memory_space<hbm>> -> memref<2000000x64xf32, #tpu.memory_space<hbm>>
      tpu.enqueue_indirect_dma source(%dma_start3A_641 : memref<2000000x64xf32, #tpu.memory_space<hbm>>) target(%dma_start3A_635 : memref<128x64xf32, #tpu.memory_space<vmem>>) offsets(%dma_start3A_638 : memref<128xi32, #tpu.memory_space<vmem>>) semaphore(%arg14 : memref<!tpu.dma_semaphore, #tpu.memory_space<semaphore_mem>>)
      %dma_start3A_642 = arith.constant 2 : i32
      %dma_start3A_643 = arith.constant 528 : i32
      %dma_start3A_644 = arith.constant 0 : i32
      %dma_start3A_645 = tpu.memref_slice %arg11[%dma_start3A_643, %dma_start3A_644] : memref<800x64xf32, #tpu.memory_space<vmem>> -> memref<72x64xf32, #tpu.memory_space<vmem>>
      %dma_start3A_646 = arith.constant 0 : i32
      %dma_start3A_647 = tpu.memref_slice %arg9[%dma_start3A_642, %dma_start3A_646] : memref<4x128xi32, #tpu.memory_space<vmem>> -> memref<1x72xi32, #tpu.memory_space<vmem>>
      %dma_start3A_648 = tpu.memref_squeeze %dma_start3A_647 : memref<1x72xi32, #tpu.memory_space<vmem>> -> memref<72xi32, #tpu.memory_space<vmem>>
      %dma_start3A_649 = arith.constant 0 : i32
      %dma_start3A_650 = arith.constant 0 : i32
      %dma_start3A_651 = tpu.memref_slice %arg4[%dma_start3A_649, %dma_start3A_650] : memref<2000000x64xf32, #tpu.memory_space<hbm>> -> memref<2000000x64xf32, #tpu.memory_space<hbm>>
      tpu.enqueue_indirect_dma source(%dma_start3A_651 : memref<2000000x64xf32, #tpu.memory_space<hbm>>) target(%dma_start3A_645 : memref<72x64xf32, #tpu.memory_space<vmem>>) offsets(%dma_start3A_648 : memref<72xi32, #tpu.memory_space<vmem>>) semaphore(%arg14 : memref<!tpu.dma_semaphore, #tpu.memory_space<semaphore_mem>>)
      %dma_start3A_652 = arith.constant 3 : i32
      %dma_start3A_653 = arith.constant 600 : i32
      %dma_start3A_654 = arith.constant 0 : i32
      %dma_start3A_655 = tpu.memref_slice %arg11[%dma_start3A_653, %dma_start3A_654] : memref<800x64xf32, #tpu.memory_space<vmem>> -> memref<128x64xf32, #tpu.memory_space<vmem>>
      %dma_start3A_656 = arith.constant 0 : i32
      %dma_start3A_657 = tpu.memref_slice %arg7[%dma_start3A_652, %dma_start3A_656] : memref<4x128xi32, #tpu.memory_space<vmem>> -> memref<1x128xi32, #tpu.memory_space<vmem>>
      %dma_start3A_658 = tpu.memref_squeeze %dma_start3A_657 : memref<1x128xi32, #tpu.memory_space<vmem>> -> memref<128xi32, #tpu.memory_space<vmem>>
      %dma_start3A_659 = arith.constant 0 : i32
      %dma_start3A_660 = arith.constant 0 : i32
      %dma_start3A_661 = tpu.memref_slice %arg4[%dma_start3A_659, %dma_start3A_660] : memref<2000000x64xf32, #tpu.memory_space<hbm>> -> memref<2000000x64xf32, #tpu.memory_space<hbm>>
      tpu.enqueue_indirect_dma source(%dma_start3A_661 : memref<2000000x64xf32, #tpu.memory_space<hbm>>) target(%dma_start3A_655 : memref<128x64xf32, #tpu.memory_space<vmem>>) offsets(%dma_start3A_658 : memref<128xi32, #tpu.memory_space<vmem>>) semaphore(%arg14 : memref<!tpu.dma_semaphore, #tpu.memory_space<semaphore_mem>>)
      %dma_start3A_662 = arith.constant 3 : i32
      %dma_start3A_663 = arith.constant 728 : i32
      %dma_start3A_664 = arith.constant 0 : i32
      %dma_start3A_665 = tpu.memref_slice %arg11[%dma_start3A_663, %dma_start3A_664] : memref<800x64xf32, #tpu.memory_space<vmem>> -> memref<72x64xf32, #tpu.memory_space<vmem>>
      %dma_start3A_666 = arith.constant 0 : i32
      %dma_start3A_667 = tpu.memref_slice %arg9[%dma_start3A_662, %dma_start3A_666] : memref<4x128xi32, #tpu.memory_space<vmem>> -> memref<1x72xi32, #tpu.memory_space<vmem>>
      %dma_start3A_668 = tpu.memref_squeeze %dma_start3A_667 : memref<1x72xi32, #tpu.memory_space<vmem>> -> memref<72xi32, #tpu.memory_space<vmem>>
      %dma_start3A_669 = arith.constant 0 : i32
      %dma_start3A_670 = arith.constant 0 : i32
      %dma_start3A_671 = tpu.memref_slice %arg4[%dma_start3A_669, %dma_start3A_670] : memref<2000000x64xf32, #tpu.memory_space<hbm>> -> memref<2000000x64xf32, #tpu.memory_space<hbm>>
      tpu.enqueue_indirect_dma source(%dma_start3A_671 : memref<2000000x64xf32, #tpu.memory_space<hbm>>) target(%dma_start3A_665 : memref<72x64xf32, #tpu.memory_space<vmem>>) offsets(%dma_start3A_668 : memref<72xi32, #tpu.memory_space<vmem>>) semaphore(%arg14 : memref<!tpu.dma_semaphore, #tpu.memory_space<semaphore_mem>>)
      %dma_wait3A_672 = arith.constant 0 : i32
      %dma_wait3A_673 = arith.constant 0 : i32
      %dma_wait3A_674 = arith.constant 0 : i32
      %dma_wait3A_675 = tpu.memref_slice %arg10[%dma_wait3A_673, %dma_wait3A_674] : memref<800x64xf32, #tpu.memory_space<vmem>> -> memref<128x64xf32, #tpu.memory_space<vmem>>
      %dma_wait3A_676 = arith.constant 0 : i32
      %dma_wait3A_677 = tpu.memref_slice %arg6[%dma_wait3A_672, %dma_wait3A_676] : memref<4x128xi32, #tpu.memory_space<vmem>> -> memref<1x128xi32, #tpu.memory_space<vmem>>
      %dma_wait3A_678 = tpu.memref_squeeze %dma_wait3A_677 : memref<1x128xi32, #tpu.memory_space<vmem>> -> memref<128xi32, #tpu.memory_space<vmem>>
      %dma_wait3A_679 = arith.constant 0 : i32
      %dma_wait3A_680 = arith.constant 0 : i32
      %dma_wait3A_681 = tpu.memref_slice %arg4[%dma_wait3A_679, %dma_wait3A_680] : memref<2000000x64xf32, #tpu.memory_space<hbm>> -> memref<2000000x64xf32, #tpu.memory_space<hbm>>
      tpu.wait_indirect_dma semaphore(%arg13 : memref<!tpu.dma_semaphore, #tpu.memory_space<semaphore_mem>>) src(%dma_wait3A_681 : memref<2000000x64xf32, #tpu.memory_space<hbm>>) dst(%dma_wait3A_675 : memref<128x64xf32, #tpu.memory_space<vmem>>)
      %dma_wait3A_682 = arith.constant 0 : i32
      %dma_wait3A_683 = arith.constant 128 : i32
      %dma_wait3A_684 = arith.constant 0 : i32
      %dma_wait3A_685 = tpu.memref_slice %arg10[%dma_wait3A_683, %dma_wait3A_684] : memref<800x64xf32, #tpu.memory_space<vmem>> -> memref<72x64xf32, #tpu.memory_space<vmem>>
      %dma_wait3A_686 = arith.constant 0 : i32
      %dma_wait3A_687 = tpu.memref_slice %arg8[%dma_wait3A_682, %dma_wait3A_686] : memref<4x128xi32, #tpu.memory_space<vmem>> -> memref<1x72xi32, #tpu.memory_space<vmem>>
      %dma_wait3A_688 = tpu.memref_squeeze %dma_wait3A_687 : memref<1x72xi32, #tpu.memory_space<vmem>> -> memref<72xi32, #tpu.memory_space<vmem>>
      %dma_wait3A_689 = arith.constant 0 : i32
      %dma_wait3A_690 = arith.constant 0 : i32
      %dma_wait3A_691 = tpu.memref_slice %arg4[%dma_wait3A_689, %dma_wait3A_690] : memref<2000000x64xf32, #tpu.memory_space<hbm>> -> memref<2000000x64xf32, #tpu.memory_space<hbm>>
      tpu.wait_indirect_dma semaphore(%arg13 : memref<!tpu.dma_semaphore, #tpu.memory_space<semaphore_mem>>) src(%dma_wait3A_691 : memref<2000000x64xf32, #tpu.memory_space<hbm>>) dst(%dma_wait3A_685 : memref<72x64xf32, #tpu.memory_space<vmem>>)
      %dma_wait3A_692 = arith.constant 1 : i32
      %dma_wait3A_693 = arith.constant 200 : i32
      %dma_wait3A_694 = arith.constant 0 : i32
      %dma_wait3A_695 = tpu.memref_slice %arg10[%dma_wait3A_693, %dma_wait3A_694] : memref<800x64xf32, #tpu.memory_space<vmem>> -> memref<128x64xf32, #tpu.memory_space<vmem>>
      %dma_wait3A_696 = arith.constant 0 : i32
      %dma_wait3A_697 = tpu.memref_slice %arg6[%dma_wait3A_692, %dma_wait3A_696] : memref<4x128xi32, #tpu.memory_space<vmem>> -> memref<1x128xi32, #tpu.memory_space<vmem>>
      %dma_wait3A_698 = tpu.memref_squeeze %dma_wait3A_697 : memref<1x128xi32, #tpu.memory_space<vmem>> -> memref<128xi32, #tpu.memory_space<vmem>>
      %dma_wait3A_699 = arith.constant 0 : i32
      %dma_wait3A_700 = arith.constant 0 : i32
      %dma_wait3A_701 = tpu.memref_slice %arg4[%dma_wait3A_699, %dma_wait3A_700] : memref<2000000x64xf32, #tpu.memory_space<hbm>> -> memref<2000000x64xf32, #tpu.memory_space<hbm>>
      tpu.wait_indirect_dma semaphore(%arg13 : memref<!tpu.dma_semaphore, #tpu.memory_space<semaphore_mem>>) src(%dma_wait3A_701 : memref<2000000x64xf32, #tpu.memory_space<hbm>>) dst(%dma_wait3A_695 : memref<128x64xf32, #tpu.memory_space<vmem>>)
      %dma_wait3A_702 = arith.constant 1 : i32
      %dma_wait3A_703 = arith.constant 328 : i32
      %dma_wait3A_704 = arith.constant 0 : i32
      %dma_wait3A_705 = tpu.memref_slice %arg10[%dma_wait3A_703, %dma_wait3A_704] : memref<800x64xf32, #tpu.memory_space<vmem>> -> memref<72x64xf32, #tpu.memory_space<vmem>>
      %dma_wait3A_706 = arith.constant 0 : i32
      %dma_wait3A_707 = tpu.memref_slice %arg8[%dma_wait3A_702, %dma_wait3A_706] : memref<4x128xi32, #tpu.memory_space<vmem>> -> memref<1x72xi32, #tpu.memory_space<vmem>>
      %dma_wait3A_708 = tpu.memref_squeeze %dma_wait3A_707 : memref<1x72xi32, #tpu.memory_space<vmem>> -> memref<72xi32, #tpu.memory_space<vmem>>
      %dma_wait3A_709 = arith.constant 0 : i32
      %dma_wait3A_710 = arith.constant 0 : i32
      %dma_wait3A_711 = tpu.memref_slice %arg4[%dma_wait3A_709, %dma_wait3A_710] : memref<2000000x64xf32, #tpu.memory_space<hbm>> -> memref<2000000x64xf32, #tpu.memory_space<hbm>>
      tpu.wait_indirect_dma semaphore(%arg13 : memref<!tpu.dma_semaphore, #tpu.memory_space<semaphore_mem>>) src(%dma_wait3A_711 : memref<2000000x64xf32, #tpu.memory_space<hbm>>) dst(%dma_wait3A_705 : memref<72x64xf32, #tpu.memory_space<vmem>>)
      %dma_wait3A_712 = arith.constant 2 : i32
      %dma_wait3A_713 = arith.constant 400 : i32
      %dma_wait3A_714 = arith.constant 0 : i32
      %dma_wait3A_715 = tpu.memref_slice %arg10[%dma_wait3A_713, %dma_wait3A_714] : memref<800x64xf32, #tpu.memory_space<vmem>> -> memref<128x64xf32, #tpu.memory_space<vmem>>
      %dma_wait3A_716 = arith.constant 0 : i32
      %dma_wait3A_717 = tpu.memref_slice %arg6[%dma_wait3A_712, %dma_wait3A_716] : memref<4x128xi32, #tpu.memory_space<vmem>> -> memref<1x128xi32, #tpu.memory_space<vmem>>
      %dma_wait3A_718 = tpu.memref_squeeze %dma_wait3A_717 : memref<1x128xi32, #tpu.memory_space<vmem>> -> memref<128xi32, #tpu.memory_space<vmem>>
      %dma_wait3A_719 = arith.constant 0 : i32
      %dma_wait3A_720 = arith.constant 0 : i32
      %dma_wait3A_721 = tpu.memref_slice %arg4[%dma_wait3A_719, %dma_wait3A_720] : memref<2000000x64xf32, #tpu.memory_space<hbm>> -> memref<2000000x64xf32, #tpu.memory_space<hbm>>
      tpu.wait_indirect_dma semaphore(%arg13 : memref<!tpu.dma_semaphore, #tpu.memory_space<semaphore_mem>>) src(%dma_wait3A_721 : memref<2000000x64xf32, #tpu.memory_space<hbm>>) dst(%dma_wait3A_715 : memref<128x64xf32, #tpu.memory_space<vmem>>)
      %dma_wait3A_722 = arith.constant 2 : i32
      %dma_wait3A_723 = arith.constant 528 : i32
      %dma_wait3A_724 = arith.constant 0 : i32
      %dma_wait3A_725 = tpu.memref_slice %arg10[%dma_wait3A_723, %dma_wait3A_724] : memref<800x64xf32, #tpu.memory_space<vmem>> -> memref<72x64xf32, #tpu.memory_space<vmem>>
      %dma_wait3A_726 = arith.constant 0 : i32
      %dma_wait3A_727 = tpu.memref_slice %arg8[%dma_wait3A_722, %dma_wait3A_726] : memref<4x128xi32, #tpu.memory_space<vmem>> -> memref<1x72xi32, #tpu.memory_space<vmem>>
      %dma_wait3A_728 = tpu.memref_squeeze %dma_wait3A_727 : memref<1x72xi32, #tpu.memory_space<vmem>> -> memref<72xi32, #tpu.memory_space<vmem>>
      %dma_wait3A_729 = arith.constant 0 : i32
      %dma_wait3A_730 = arith.constant 0 : i32
      %dma_wait3A_731 = tpu.memref_slice %arg4[%dma_wait3A_729, %dma_wait3A_730] : memref<2000000x64xf32, #tpu.memory_space<hbm>> -> memref<2000000x64xf32, #tpu.memory_space<hbm>>
      tpu.wait_indirect_dma semaphore(%arg13 : memref<!tpu.dma_semaphore, #tpu.memory_space<semaphore_mem>>) src(%dma_wait3A_731 : memref<2000000x64xf32, #tpu.memory_space<hbm>>) dst(%dma_wait3A_725 : memref<72x64xf32, #tpu.memory_space<vmem>>)
      %dma_wait3A_732 = arith.constant 3 : i32
      %dma_wait3A_733 = arith.constant 600 : i32
      %dma_wait3A_734 = arith.constant 0 : i32
      %dma_wait3A_735 = tpu.memref_slice %arg10[%dma_wait3A_733, %dma_wait3A_734] : memref<800x64xf32, #tpu.memory_space<vmem>> -> memref<128x64xf32, #tpu.memory_space<vmem>>
      %dma_wait3A_736 = arith.constant 0 : i32
      %dma_wait3A_737 = tpu.memref_slice %arg6[%dma_wait3A_732, %dma_wait3A_736] : memref<4x128xi32, #tpu.memory_space<vmem>> -> memref<1x128xi32, #tpu.memory_space<vmem>>
      %dma_wait3A_738 = tpu.memref_squeeze %dma_wait3A_737 : memref<1x128xi32, #tpu.memory_space<vmem>> -> memref<128xi32, #tpu.memory_space<vmem>>
      %dma_wait3A_739 = arith.constant 0 : i32
      %dma_wait3A_740 = arith.constant 0 : i32
      %dma_wait3A_741 = tpu.memref_slice %arg4[%dma_wait3A_739, %dma_wait3A_740] : memref<2000000x64xf32, #tpu.memory_space<hbm>> -> memref<2000000x64xf32, #tpu.memory_space<hbm>>
      tpu.wait_indirect_dma semaphore(%arg13 : memref<!tpu.dma_semaphore, #tpu.memory_space<semaphore_mem>>) src(%dma_wait3A_741 : memref<2000000x64xf32, #tpu.memory_space<hbm>>) dst(%dma_wait3A_735 : memref<128x64xf32, #tpu.memory_space<vmem>>)
      %dma_wait3A_742 = arith.constant 3 : i32
      %dma_wait3A_743 = arith.constant 728 : i32
      %dma_wait3A_744 = arith.constant 0 : i32
      %dma_wait3A_745 = tpu.memref_slice %arg10[%dma_wait3A_743, %dma_wait3A_744] : memref<800x64xf32, #tpu.memory_space<vmem>> -> memref<72x64xf32, #tpu.memory_space<vmem>>
      %dma_wait3A_746 = arith.constant 0 : i32
      %dma_wait3A_747 = tpu.memref_slice %arg8[%dma_wait3A_742, %dma_wait3A_746] : memref<4x128xi32, #tpu.memory_space<vmem>> -> memref<1x72xi32, #tpu.memory_space<vmem>>
      %dma_wait3A_748 = tpu.memref_squeeze %dma_wait3A_747 : memref<1x72xi32, #tpu.memory_space<vmem>> -> memref<72xi32, #tpu.memory_space<vmem>>
      %dma_wait3A_749 = arith.constant 0 : i32
      %dma_wait3A_750 = arith.constant 0 : i32
      %dma_wait3A_751 = tpu.memref_slice %arg4[%dma_wait3A_749, %dma_wait3A_750] : memref<2000000x64xf32, #tpu.memory_space<hbm>> -> memref<2000000x64xf32, #tpu.memory_space<hbm>>
      tpu.wait_indirect_dma semaphore(%arg13 : memref<!tpu.dma_semaphore, #tpu.memory_space<semaphore_mem>>) src(%dma_wait3A_751 : memref<2000000x64xf32, #tpu.memory_space<hbm>>) dst(%dma_wait3A_745 : memref<72x64xf32, #tpu.memory_space<vmem>>)
      %add3A_752 = arith.constant 2 : i32
      %add3A_753 = arith.addi %add3A_578, %add3A_752 : i32
      %mul3A_754 = arith.constant 4 : i32
      %mul3A_755 = arith.muli %add3A_753, %mul3A_754 : i32
      %add3A_756 = arith.addi %mul3A_2, %mul3A_755 : i32
      %dma_start3A_757 = arith.constant 0 : i32
      %dma_start3A_758 = tpu.memref_slice %arg2[%add3A_756, %dma_start3A_757] : memref<16384x128xi32, #tpu.memory_space<hbm>> -> memref<4x128xi32, #tpu.memory_space<hbm>>
      %dma_start3A_759 = arith.constant 0 : i32
      %dma_start3A_760 = tpu.memref_slice %arg2[%add3A_756, %dma_start3A_759] : memref<16384x128xi32, #tpu.memory_space<hbm>> -> memref<4x128xi32, #tpu.memory_space<hbm>>
      tpu.enqueue_dma source(%dma_start3A_760 : memref<4x128xi32, #tpu.memory_space<hbm>>) target(%arg6 : memref<4x128xi32, #tpu.memory_space<vmem>>) target_semaphore(%arg15 : memref<!tpu.dma_semaphore, #tpu.memory_space<semaphore_mem>>)
      %dma_start3A_761 = arith.constant 0 : i32
      %dma_start3A_762 = tpu.memref_slice %arg3[%add3A_756, %dma_start3A_761] : memref<16384x128xi32, #tpu.memory_space<hbm>> -> memref<4x128xi32, #tpu.memory_space<hbm>>
      %dma_start3A_763 = arith.constant 0 : i32
      %dma_start3A_764 = tpu.memref_slice %arg3[%add3A_756, %dma_start3A_763] : memref<16384x128xi32, #tpu.memory_space<hbm>> -> memref<4x128xi32, #tpu.memory_space<hbm>>
      tpu.enqueue_dma source(%dma_start3A_764 : memref<4x128xi32, #tpu.memory_space<hbm>>) target(%arg8 : memref<4x128xi32, #tpu.memory_space<vmem>>) target_semaphore(%arg15 : memref<!tpu.dma_semaphore, #tpu.memory_space<semaphore_mem>>)
      %scan3A_765 = arith.constant 0 : i32
      %scan3A_766 = arith.constant 100 : i32
      %scan3A_767 = arith.addi %scan3A_765, %scan3A_766 : i32
      %scan3A_768 = arith.constant 1 : i32
      %scan3A_769:16 = scf.for %scan3A_1205 = %scan3A_765 to %scan3A_767 step %scan3A_768 iter_args(%scan3A_1206 = %broadcast_in_dim3A_3, %scan3A_1207 = %broadcast_in_dim3A_3, %scan3A_1208 = %broadcast_in_dim3A_3, %scan3A_1209 = %broadcast_in_dim3A_3, %scan3A_1210 = %broadcast_in_dim3A_3, %scan3A_1211 = %broadcast_in_dim3A_3, %scan3A_1212 = %broadcast_in_dim3A_3, %scan3A_1213 = %broadcast_in_dim3A_3, %scan3A_1214 = %broadcast_in_dim3A_3, %scan3A_1215 = %broadcast_in_dim3A_3, %scan3A_1216 = %broadcast_in_dim3A_3, %scan3A_1217 = %broadcast_in_dim3A_3, %scan3A_1218 = %broadcast_in_dim3A_3, %scan3A_1219 = %broadcast_in_dim3A_3, %scan3A_1220 = %broadcast_in_dim3A_3, %scan3A_1221 = %broadcast_in_dim3A_3) -> (vector<16xf32>, vector<16xf32>, vector<16xf32>, vector<16xf32>, vector<16xf32>, vector<16xf32>, vector<16xf32>, vector<16xf32>, vector<16xf32>, vector<16xf32>, vector<16xf32>, vector<16xf32>, vector<16xf32>, vector<16xf32>, vector<16xf32>, vector<16xf32>)  : i32 {
        %mul3A_1222 = arith.constant 2 : i32
        %mul3A_1223 = arith.muli %mul3A_1222, %scan3A_1205 : i32
        %add3A_1224 = arith.constant 0 : i32
        %add3A_1225 = arith.addi %add3A_1224, %mul3A_1223 : i32
        %get3A = arith.index_cast %add3A_1225 : i32 to index
        %get3A_1226 = arith.constant 0 : index
        %get3A_1227 = tpu.vector_load %arg10[%get3A, %get3A_1226] {strides = array<i32>} : memref<800x64xf32, #tpu.memory_space<vmem>>, vector<1x16xf32>,
        %get3A_1228 = vector.shape_cast %get3A_1227 : vector<1x16xf32> to vector<16xf32>
        %add3A_1229 = arith.constant 1 : i32
        %add3A_1230 = arith.addi %add3A_1225, %add3A_1229 : i32
        %get3A_1231 = arith.index_cast %add3A_1230 : i32 to index
        %get3A_1232 = arith.constant 0 : index
        %get3A_1233 = tpu.vector_load %arg10[%get3A_1231, %get3A_1232] {strides = array<i32>} : memref<800x64xf32, #tpu.memory_space<vmem>>, vector<1x16xf32>,
        %get3A_1234 = vector.shape_cast %get3A_1233 : vector<1x16xf32> to vector<16xf32>
        %max3A = arith.maximumf %get3A_1228, %get3A_1234 : vector<16xf32>
        %max3A_1235 = arith.maximumf %scan3A_1206, %max3A : vector<16xf32>
        %get3A_1236 = arith.index_cast %add3A_1225 : i32 to index
        %get3A_1237 = arith.constant 16 : index
        %get3A_1238 = tpu.vector_load %arg10[%get3A_1236, %get3A_1237] {strides = array<i32>} : memref<800x64xf32, #tpu.memory_space<vmem>>, vector<1x16xf32>,
        %get3A_1239 = vector.shape_cast %get3A_1238 : vector<1x16xf32> to vector<16xf32>
        %add3A_1240 = arith.constant 1 : i32
        %add3A_1241 = arith.addi %add3A_1225, %add3A_1240 : i32
        %get3A_1242 = arith.index_cast %add3A_1241 : i32 to index
        %get3A_1243 = arith.constant 16 : index
        %get3A_1244 = tpu.vector_load %arg10[%get3A_1242, %get3A_1243] {strides = array<i32>} : memref<800x64xf32, #tpu.memory_space<vmem>>, vector<1x16xf32>,
        %get3A_1245 = vector.shape_cast %get3A_1244 : vector<1x16xf32> to vector<16xf32>
        %max3A_1246 = arith.maximumf %get3A_1239, %get3A_1245 : vector<16xf32>
        %max3A_1247 = arith.maximumf %scan3A_1207, %max3A_1246 : vector<16xf32>
        %get3A_1248 = arith.index_cast %add3A_1225 : i32 to index
        %get3A_1249 = arith.constant 32 : index
        %get3A_1250 = tpu.vector_load %arg10[%get3A_1248, %get3A_1249] {strides = array<i32>} : memref<800x64xf32, #tpu.memory_space<vmem>>, vector<1x16xf32>,
        %get3A_1251 = vector.shape_cast %get3A_1250 : vector<1x16xf32> to vector<16xf32>
        %add3A_1252 = arith.constant 1 : i32
        %add3A_1253 = arith.addi %add3A_1225, %add3A_1252 : i32
        %get3A_1254 = arith.index_cast %add3A_1253 : i32 to index
        %get3A_1255 = arith.constant 32 : index
        %get3A_1256 = tpu.vector_load %arg10[%get3A_1254, %get3A_1255] {strides = array<i32>} : memref<800x64xf32, #tpu.memory_space<vmem>>, vector<1x16xf32>,
        %get3A_1257 = vector.shape_cast %get3A_1256 : vector<1x16xf32> to vector<16xf32>
        %max3A_1258 = arith.maximumf %get3A_1251, %get3A_1257 : vector<16xf32>
        %max3A_1259 = arith.maximumf %scan3A_1208, %max3A_1258 : vector<16xf32>
        %get3A_1260 = arith.index_cast %add3A_1225 : i32 to index
        %get3A_1261 = arith.constant 48 : index
        %get3A_1262 = tpu.vector_load %arg10[%get3A_1260, %get3A_1261] {strides = array<i32>} : memref<800x64xf32, #tpu.memory_space<vmem>>, vector<1x16xf32>,
        %get3A_1263 = vector.shape_cast %get3A_1262 : vector<1x16xf32> to vector<16xf32>
        %add3A_1264 = arith.constant 1 : i32
        %add3A_1265 = arith.addi %add3A_1225, %add3A_1264 : i32
        %get3A_1266 = arith.index_cast %add3A_1265 : i32 to index
        %get3A_1267 = arith.constant 48 : index
        %get3A_1268 = tpu.vector_load %arg10[%get3A_1266, %get3A_1267] {strides = array<i32>} : memref<800x64xf32, #tpu.memory_space<vmem>>, vector<1x16xf32>,
        %get3A_1269 = vector.shape_cast %get3A_1268 : vector<1x16xf32> to vector<16xf32>
        %max3A_1270 = arith.maximumf %get3A_1263, %get3A_1269 : vector<16xf32>
        %max3A_1271 = arith.maximumf %scan3A_1209, %max3A_1270 : vector<16xf32>
        %mul3A_1272 = arith.constant 2 : i32
        %mul3A_1273 = arith.muli %mul3A_1272, %scan3A_1205 : i32
        %add3A_1274 = arith.constant 200 : i32
        %add3A_1275 = arith.addi %add3A_1274, %mul3A_1273 : i32
        %get3A_1276 = arith.index_cast %add3A_1275 : i32 to index
        %get3A_1277 = arith.constant 0 : index
        %get3A_1278 = tpu.vector_load %arg10[%get3A_1276, %get3A_1277] {strides = array<i32>} : memref<800x64xf32, #tpu.memory_space<vmem>>, vector<1x16xf32>,
        %get3A_1279 = vector.shape_cast %get3A_1278 : vector<1x16xf32> to vector<16xf32>
        %add3A_1280 = arith.constant 1 : i32
        %add3A_1281 = arith.addi %add3A_1275, %add3A_1280 : i32
        %get3A_1282 = arith.index_cast %add3A_1281 : i32 to index
        %get3A_1283 = arith.constant 0 : index
        %get3A_1284 = tpu.vector_load %arg10[%get3A_1282, %get3A_1283] {strides = array<i32>} : memref<800x64xf32, #tpu.memory_space<vmem>>, vector<1x16xf32>,
        %get3A_1285 = vector.shape_cast %get3A_1284 : vector<1x16xf32> to vector<16xf32>
        %max3A_1286 = arith.maximumf %get3A_1279, %get3A_1285 : vector<16xf32>
        %max3A_1287 = arith.maximumf %scan3A_1210, %max3A_1286 : vector<16xf32>
        %get3A_1288 = arith.index_cast %add3A_1275 : i32 to index
        %get3A_1289 = arith.constant 16 : index
        %get3A_1290 = tpu.vector_load %arg10[%get3A_1288, %get3A_1289] {strides = array<i32>} : memref<800x64xf32, #tpu.memory_space<vmem>>, vector<1x16xf32>,
        %get3A_1291 = vector.shape_cast %get3A_1290 : vector<1x16xf32> to vector<16xf32>
        %add3A_1292 = arith.constant 1 : i32
        %add3A_1293 = arith.addi %add3A_1275, %add3A_1292 : i32
        %get3A_1294 = arith.index_cast %add3A_1293 : i32 to index
        %get3A_1295 = arith.constant 16 : index
        %get3A_1296 = tpu.vector_load %arg10[%get3A_1294, %get3A_1295] {strides = array<i32>} : memref<800x64xf32, #tpu.memory_space<vmem>>, vector<1x16xf32>,
        %get3A_1297 = vector.shape_cast %get3A_1296 : vector<1x16xf32> to vector<16xf32>
        %max3A_1298 = arith.maximumf %get3A_1291, %get3A_1297 : vector<16xf32>
        %max3A_1299 = arith.maximumf %scan3A_1211, %max3A_1298 : vector<16xf32>
        %get3A_1300 = arith.index_cast %add3A_1275 : i32 to index
        %get3A_1301 = arith.constant 32 : index
        %get3A_1302 = tpu.vector_load %arg10[%get3A_1300, %get3A_1301] {strides = array<i32>} : memref<800x64xf32, #tpu.memory_space<vmem>>, vector<1x16xf32>,
        %get3A_1303 = vector.shape_cast %get3A_1302 : vector<1x16xf32> to vector<16xf32>
        %add3A_1304 = arith.constant 1 : i32
        %add3A_1305 = arith.addi %add3A_1275, %add3A_1304 : i32
        %get3A_1306 = arith.index_cast %add3A_1305 : i32 to index
        %get3A_1307 = arith.constant 32 : index
        %get3A_1308 = tpu.vector_load %arg10[%get3A_1306, %get3A_1307] {strides = array<i32>} : memref<800x64xf32, #tpu.memory_space<vmem>>, vector<1x16xf32>,
        %get3A_1309 = vector.shape_cast %get3A_1308 : vector<1x16xf32> to vector<16xf32>
        %max3A_1310 = arith.maximumf %get3A_1303, %get3A_1309 : vector<16xf32>
        %max3A_1311 = arith.maximumf %scan3A_1212, %max3A_1310 : vector<16xf32>
        %get3A_1312 = arith.index_cast %add3A_1275 : i32 to index
        %get3A_1313 = arith.constant 48 : index
        %get3A_1314 = tpu.vector_load %arg10[%get3A_1312, %get3A_1313] {strides = array<i32>} : memref<800x64xf32, #tpu.memory_space<vmem>>, vector<1x16xf32>,
        %get3A_1315 = vector.shape_cast %get3A_1314 : vector<1x16xf32> to vector<16xf32>
        %add3A_1316 = arith.constant 1 : i32
        %add3A_1317 = arith.addi %add3A_1275, %add3A_1316 : i32
        %get3A_1318 = arith.index_cast %add3A_1317 : i32 to index
        %get3A_1319 = arith.constant 48 : index
        %get3A_1320 = tpu.vector_load %arg10[%get3A_1318, %get3A_1319] {strides = array<i32>} : memref<800x64xf32, #tpu.memory_space<vmem>>, vector<1x16xf32>,
        %get3A_1321 = vector.shape_cast %get3A_1320 : vector<1x16xf32> to vector<16xf32>
        %max3A_1322 = arith.maximumf %get3A_1315, %get3A_1321 : vector<16xf32>
        %max3A_1323 = arith.maximumf %scan3A_1213, %max3A_1322 : vector<16xf32>
        %mul3A_1324 = arith.constant 2 : i32
        %mul3A_1325 = arith.muli %mul3A_1324, %scan3A_1205 : i32
        %add3A_1326 = arith.constant 400 : i32
        %add3A_1327 = arith.addi %add3A_1326, %mul3A_1325 : i32
        %get3A_1328 = arith.index_cast %add3A_1327 : i32 to index
        %get3A_1329 = arith.constant 0 : index
        %get3A_1330 = tpu.vector_load %arg10[%get3A_1328, %get3A_1329] {strides = array<i32>} : memref<800x64xf32, #tpu.memory_space<vmem>>, vector<1x16xf32>,
        %get3A_1331 = vector.shape_cast %get3A_1330 : vector<1x16xf32> to vector<16xf32>
        %add3A_1332 = arith.constant 1 : i32
        %add3A_1333 = arith.addi %add3A_1327, %add3A_1332 : i32
        %get3A_1334 = arith.index_cast %add3A_1333 : i32 to index
        %get3A_1335 = arith.constant 0 : index
        %get3A_1336 = tpu.vector_load %arg10[%get3A_1334, %get3A_1335] {strides = array<i32>} : memref<800x64xf32, #tpu.memory_space<vmem>>, vector<1x16xf32>,
        %get3A_1337 = vector.shape_cast %get3A_1336 : vector<1x16xf32> to vector<16xf32>
        %max3A_1338 = arith.maximumf %get3A_1331, %get3A_1337 : vector<16xf32>
        %max3A_1339 = arith.maximumf %scan3A_1214, %max3A_1338 : vector<16xf32>
        %get3A_1340 = arith.index_cast %add3A_1327 : i32 to index
        %get3A_1341 = arith.constant 16 : index
        %get3A_1342 = tpu.vector_load %arg10[%get3A_1340, %get3A_1341] {strides = array<i32>} : memref<800x64xf32, #tpu.memory_space<vmem>>, vector<1x16xf32>,
        %get3A_1343 = vector.shape_cast %get3A_1342 : vector<1x16xf32> to vector<16xf32>
        %add3A_1344 = arith.constant 1 : i32
        %add3A_1345 = arith.addi %add3A_1327, %add3A_1344 : i32
        %get3A_1346 = arith.index_cast %add3A_1345 : i32 to index
        %get3A_1347 = arith.constant 16 : index
        %get3A_1348 = tpu.vector_load %arg10[%get3A_1346, %get3A_1347] {strides = array<i32>} : memref<800x64xf32, #tpu.memory_space<vmem>>, vector<1x16xf32>,
        %get3A_1349 = vector.shape_cast %get3A_1348 : vector<1x16xf32> to vector<16xf32>
        %max3A_1350 = arith.maximumf %get3A_1343, %get3A_1349 : vector<16xf32>
        %max3A_1351 = arith.maximumf %scan3A_1215, %max3A_1350 : vector<16xf32>
        %get3A_1352 = arith.index_cast %add3A_1327 : i32 to index
        %get3A_1353 = arith.constant 32 : index
        %get3A_1354 = tpu.vector_load %arg10[%get3A_1352, %get3A_1353] {strides = array<i32>} : memref<800x64xf32, #tpu.memory_space<vmem>>, vector<1x16xf32>,
        %get3A_1355 = vector.shape_cast %get3A_1354 : vector<1x16xf32> to vector<16xf32>
        %add3A_1356 = arith.constant 1 : i32
        %add3A_1357 = arith.addi %add3A_1327, %add3A_1356 : i32
        %get3A_1358 = arith.index_cast %add3A_1357 : i32 to index
        %get3A_1359 = arith.constant 32 : index
        %get3A_1360 = tpu.vector_load %arg10[%get3A_1358, %get3A_1359] {strides = array<i32>} : memref<800x64xf32, #tpu.memory_space<vmem>>, vector<1x16xf32>,
        %get3A_1361 = vector.shape_cast %get3A_1360 : vector<1x16xf32> to vector<16xf32>
        %max3A_1362 = arith.maximumf %get3A_1355, %get3A_1361 : vector<16xf32>
        %max3A_1363 = arith.maximumf %scan3A_1216, %max3A_1362 : vector<16xf32>
        %get3A_1364 = arith.index_cast %add3A_1327 : i32 to index
        %get3A_1365 = arith.constant 48 : index
        %get3A_1366 = tpu.vector_load %arg10[%get3A_1364, %get3A_1365] {strides = array<i32>} : memref<800x64xf32, #tpu.memory_space<vmem>>, vector<1x16xf32>,
        %get3A_1367 = vector.shape_cast %get3A_1366 : vector<1x16xf32> to vector<16xf32>
        %add3A_1368 = arith.constant 1 : i32
        %add3A_1369 = arith.addi %add3A_1327, %add3A_1368 : i32
        %get3A_1370 = arith.index_cast %add3A_1369 : i32 to index
        %get3A_1371 = arith.constant 48 : index
        %get3A_1372 = tpu.vector_load %arg10[%get3A_1370, %get3A_1371] {strides = array<i32>} : memref<800x64xf32, #tpu.memory_space<vmem>>, vector<1x16xf32>,
        %get3A_1373 = vector.shape_cast %get3A_1372 : vector<1x16xf32> to vector<16xf32>
        %max3A_1374 = arith.maximumf %get3A_1367, %get3A_1373 : vector<16xf32>
        %max3A_1375 = arith.maximumf %scan3A_1217, %max3A_1374 : vector<16xf32>
        %mul3A_1376 = arith.constant 2 : i32
        %mul3A_1377 = arith.muli %mul3A_1376, %scan3A_1205 : i32
        %add3A_1378 = arith.constant 600 : i32
        %add3A_1379 = arith.addi %add3A_1378, %mul3A_1377 : i32
        %get3A_1380 = arith.index_cast %add3A_1379 : i32 to index
        %get3A_1381 = arith.constant 0 : index
        %get3A_1382 = tpu.vector_load %arg10[%get3A_1380, %get3A_1381] {strides = array<i32>} : memref<800x64xf32, #tpu.memory_space<vmem>>, vector<1x16xf32>,
        %get3A_1383 = vector.shape_cast %get3A_1382 : vector<1x16xf32> to vector<16xf32>
        %add3A_1384 = arith.constant 1 : i32
        %add3A_1385 = arith.addi %add3A_1379, %add3A_1384 : i32
        %get3A_1386 = arith.index_cast %add3A_1385 : i32 to index
        %get3A_1387 = arith.constant 0 : index
        %get3A_1388 = tpu.vector_load %arg10[%get3A_1386, %get3A_1387] {strides = array<i32>} : memref<800x64xf32, #tpu.memory_space<vmem>>, vector<1x16xf32>,
        %get3A_1389 = vector.shape_cast %get3A_1388 : vector<1x16xf32> to vector<16xf32>
        %max3A_1390 = arith.maximumf %get3A_1383, %get3A_1389 : vector<16xf32>
        %max3A_1391 = arith.maximumf %scan3A_1218, %max3A_1390 : vector<16xf32>
        %get3A_1392 = arith.index_cast %add3A_1379 : i32 to index
        %get3A_1393 = arith.constant 16 : index
        %get3A_1394 = tpu.vector_load %arg10[%get3A_1392, %get3A_1393] {strides = array<i32>} : memref<800x64xf32, #tpu.memory_space<vmem>>, vector<1x16xf32>,
        %get3A_1395 = vector.shape_cast %get3A_1394 : vector<1x16xf32> to vector<16xf32>
        %add3A_1396 = arith.constant 1 : i32
        %add3A_1397 = arith.addi %add3A_1379, %add3A_1396 : i32
        %get3A_1398 = arith.index_cast %add3A_1397 : i32 to index
        %get3A_1399 = arith.constant 16 : index
        %get3A_1400 = tpu.vector_load %arg10[%get3A_1398, %get3A_1399] {strides = array<i32>} : memref<800x64xf32, #tpu.memory_space<vmem>>, vector<1x16xf32>,
        %get3A_1401 = vector.shape_cast %get3A_1400 : vector<1x16xf32> to vector<16xf32>
        %max3A_1402 = arith.maximumf %get3A_1395, %get3A_1401 : vector<16xf32>
        %max3A_1403 = arith.maximumf %scan3A_1219, %max3A_1402 : vector<16xf32>
        %get3A_1404 = arith.index_cast %add3A_1379 : i32 to index
        %get3A_1405 = arith.constant 32 : index
        %get3A_1406 = tpu.vector_load %arg10[%get3A_1404, %get3A_1405] {strides = array<i32>} : memref<800x64xf32, #tpu.memory_space<vmem>>, vector<1x16xf32>,
        %get3A_1407 = vector.shape_cast %get3A_1406 : vector<1x16xf32> to vector<16xf32>
        %add3A_1408 = arith.constant 1 : i32
        %add3A_1409 = arith.addi %add3A_1379, %add3A_1408 : i32
        %get3A_1410 = arith.index_cast %add3A_1409 : i32 to index
        %get3A_1411 = arith.constant 32 : index
        %get3A_1412 = tpu.vector_load %arg10[%get3A_1410, %get3A_1411] {strides = array<i32>} : memref<800x64xf32, #tpu.memory_space<vmem>>, vector<1x16xf32>,
        %get3A_1413 = vector.shape_cast %get3A_1412 : vector<1x16xf32> to vector<16xf32>
        %max3A_1414 = arith.maximumf %get3A_1407, %get3A_1413 : vector<16xf32>
        %max3A_1415 = arith.maximumf %scan3A_1220, %max3A_1414 : vector<16xf32>
        %get3A_1416 = arith.index_cast %add3A_1379 : i32 to index
        %get3A_1417 = arith.constant 48 : index
        %get3A_1418 = tpu.vector_load %arg10[%get3A_1416, %get3A_1417] {strides = array<i32>} : memref<800x64xf32, #tpu.memory_space<vmem>>, vector<1x16xf32>,
        %get3A_1419 = vector.shape_cast %get3A_1418 : vector<1x16xf32> to vector<16xf32>
        %add3A_1420 = arith.constant 1 : i32
        %add3A_1421 = arith.addi %add3A_1379, %add3A_1420 : i32
        %get3A_1422 = arith.index_cast %add3A_1421 : i32 to index
        %get3A_1423 = arith.constant 48 : index
        %get3A_1424 = tpu.vector_load %arg10[%get3A_1422, %get3A_1423] {strides = array<i32>} : memref<800x64xf32, #tpu.memory_space<vmem>>, vector<1x16xf32>,
        %get3A_1425 = vector.shape_cast %get3A_1424 : vector<1x16xf32> to vector<16xf32>
        %max3A_1426 = arith.maximumf %get3A_1419, %get3A_1425 : vector<16xf32>
        %max3A_1427 = arith.maximumf %scan3A_1221, %max3A_1426 : vector<16xf32>
        scf.yield %max3A_1235, %max3A_1247, %max3A_1259, %max3A_1271, %max3A_1287, %max3A_1299, %max3A_1311, %max3A_1323, %max3A_1339, %max3A_1351, %max3A_1363, %max3A_1375, %max3A_1391, %max3A_1403, %max3A_1415, %max3A_1427 : vector<16xf32>, vector<16xf32>, vector<16xf32>, vector<16xf32>, vector<16xf32>, vector<16xf32>, vector<16xf32>, vector<16xf32>, vector<16xf32>, vector<16xf32>, vector<16xf32>, vector<16xf32>, vector<16xf32>, vector<16xf32>, vector<16xf32>, vector<16xf32>
      }
      %scan3A_770 = arith.constant 100 : i32
      %and3A = arith.constant 63 : i32
      %and3A_771 = arith.andi %add3A_578, %and3A : i32
      %mul3A_772 = arith.constant 2 : i32
      %mul3A_773 = arith.muli %and3A_771, %mul3A_772 : i32
      %add3A_774 = arith.constant 0 : i32
      %add3A_775 = arith.addi %mul3A_773, %add3A_774 : i32
      %swap3A_776 = arith.index_cast %add3A_775 : i32 to index
      %swap3A_777 = arith.constant 0 : index
      %swap3A_778 = tpu.vector_load %arg12[%swap3A_776, %swap3A_777] {strides = array<i32>} : memref<128x128xf32, #tpu.memory_space<vmem>>, vector<1x16xf32>,
      %swap3A_779 = vector.shape_cast %swap3A_778 : vector<1x16xf32> to vector<16xf32>
      %swap3A_780 = vector.shape_cast %scan3A_769#0 : vector<16xf32> to vector<1x16xf32>
      tpu.vector_store %arg12[%swap3A_776, %swap3A_777], %swap3A_780 {strides = array<i32>} : memref<128x128xf32, #tpu.memory_space<vmem>>, vector<1x16xf32>,
      %add3A_781 = arith.constant 0 : i32
      %add3A_782 = arith.addi %mul3A_773, %add3A_781 : i32
      %swap3A_783 = arith.index_cast %add3A_782 : i32 to index
      %swap3A_784 = arith.constant 16 : index
      %swap3A_785 = tpu.vector_load %arg12[%swap3A_783, %swap3A_784] {strides = array<i32>} : memref<128x128xf32, #tpu.memory_space<vmem>>, vector<1x16xf32>,
      %swap3A_786 = vector.shape_cast %swap3A_785 : vector<1x16xf32> to vector<16xf32>
      %swap3A_787 = vector.shape_cast %scan3A_769#1 : vector<16xf32> to vector<1x16xf32>
      tpu.vector_store %arg12[%swap3A_783, %swap3A_784], %swap3A_787 {strides = array<i32>} : memref<128x128xf32, #tpu.memory_space<vmem>>, vector<1x16xf32>,
      %add3A_788 = arith.constant 0 : i32
      %add3A_789 = arith.addi %mul3A_773, %add3A_788 : i32
      %swap3A_790 = arith.index_cast %add3A_789 : i32 to index
      %swap3A_791 = arith.constant 32 : index
      %swap3A_792 = tpu.vector_load %arg12[%swap3A_790, %swap3A_791] {strides = array<i32>} : memref<128x128xf32, #tpu.memory_space<vmem>>, vector<1x16xf32>,
      %swap3A_793 = vector.shape_cast %swap3A_792 : vector<1x16xf32> to vector<16xf32>
      %swap3A_794 = vector.shape_cast %scan3A_769#2 : vector<16xf32> to vector<1x16xf32>
      tpu.vector_store %arg12[%swap3A_790, %swap3A_791], %swap3A_794 {strides = array<i32>} : memref<128x128xf32, #tpu.memory_space<vmem>>, vector<1x16xf32>,
      %add3A_795 = arith.constant 0 : i32
      %add3A_796 = arith.addi %mul3A_773, %add3A_795 : i32
      %swap3A_797 = arith.index_cast %add3A_796 : i32 to index
      %swap3A_798 = arith.constant 48 : index
      %swap3A_799 = tpu.vector_load %arg12[%swap3A_797, %swap3A_798] {strides = array<i32>} : memref<128x128xf32, #tpu.memory_space<vmem>>, vector<1x16xf32>,
      %swap3A_800 = vector.shape_cast %swap3A_799 : vector<1x16xf32> to vector<16xf32>
      %swap3A_801 = vector.shape_cast %scan3A_769#3 : vector<16xf32> to vector<1x16xf32>
      tpu.vector_store %arg12[%swap3A_797, %swap3A_798], %swap3A_801 {strides = array<i32>} : memref<128x128xf32, #tpu.memory_space<vmem>>, vector<1x16xf32>,
      %add3A_802 = arith.constant 0 : i32
      %add3A_803 = arith.addi %mul3A_773, %add3A_802 : i32
      %swap3A_804 = arith.index_cast %add3A_803 : i32 to index
      %swap3A_805 = arith.constant 64 : index
      %swap3A_806 = tpu.vector_load %arg12[%swap3A_804, %swap3A_805] {strides = array<i32>} : memref<128x128xf32, #tpu.memory_space<vmem>>, vector<1x16xf32>,
      %swap3A_807 = vector.shape_cast %swap3A_806 : vector<1x16xf32> to vector<16xf32>
      %swap3A_808 = vector.shape_cast %scan3A_769#4 : vector<16xf32> to vector<1x16xf32>
      tpu.vector_store %arg12[%swap3A_804, %swap3A_805], %swap3A_808 {strides = array<i32>} : memref<128x128xf32, #tpu.memory_space<vmem>>, vector<1x16xf32>,
      %add3A_809 = arith.constant 0 : i32
      %add3A_810 = arith.addi %mul3A_773, %add3A_809 : i32
      %swap3A_811 = arith.index_cast %add3A_810 : i32 to index
      %swap3A_812 = arith.constant 80 : index
      %swap3A_813 = tpu.vector_load %arg12[%swap3A_811, %swap3A_812] {strides = array<i32>} : memref<128x128xf32, #tpu.memory_space<vmem>>, vector<1x16xf32>,
      %swap3A_814 = vector.shape_cast %swap3A_813 : vector<1x16xf32> to vector<16xf32>
      %swap3A_815 = vector.shape_cast %scan3A_769#5 : vector<16xf32> to vector<1x16xf32>
      tpu.vector_store %arg12[%swap3A_811, %swap3A_812], %swap3A_815 {strides = array<i32>} : memref<128x128xf32, #tpu.memory_space<vmem>>, vector<1x16xf32>,
      %add3A_816 = arith.constant 0 : i32
      %add3A_817 = arith.addi %mul3A_773, %add3A_816 : i32
      %swap3A_818 = arith.index_cast %add3A_817 : i32 to index
      %swap3A_819 = arith.constant 96 : index
      %swap3A_820 = tpu.vector_load %arg12[%swap3A_818, %swap3A_819] {strides = array<i32>} : memref<128x128xf32, #tpu.memory_space<vmem>>, vector<1x16xf32>,
      %swap3A_821 = vector.shape_cast %swap3A_820 : vector<1x16xf32> to vector<16xf32>
      %swap3A_822 = vector.shape_cast %scan3A_769#6 : vector<16xf32> to vector<1x16xf32>
      tpu.vector_store %arg12[%swap3A_818, %swap3A_819], %swap3A_822 {strides = array<i32>} : memref<128x128xf32, #tpu.memory_space<vmem>>, vector<1x16xf32>,
      %add3A_823 = arith.constant 0 : i32
      %add3A_824 = arith.addi %mul3A_773, %add3A_823 : i32
      %swap3A_825 = arith.index_cast %add3A_824 : i32 to index
      %swap3A_826 = arith.constant 112 : index
      %swap3A_827 = tpu.vector_load %arg12[%swap3A_825, %swap3A_826] {strides = array<i32>} : memref<128x128xf32, #tpu.memory_space<vmem>>, vector<1x16xf32>,
      %swap3A_828 = vector.shape_cast %swap3A_827 : vector<1x16xf32> to vector<16xf32>
      %swap3A_829 = vector.shape_cast %scan3A_769#7 : vector<16xf32> to vector<1x16xf32>
      tpu.vector_store %arg12[%swap3A_825, %swap3A_826], %swap3A_829 {strides = array<i32>} : memref<128x128xf32, #tpu.memory_space<vmem>>, vector<1x16xf32>,
      %add3A_830 = arith.constant 1 : i32
      %add3A_831 = arith.addi %mul3A_773, %add3A_830 : i32
      %swap3A_832 = arith.index_cast %add3A_831 : i32 to index
      %swap3A_833 = arith.constant 0 : index
      %swap3A_834 = tpu.vector_load %arg12[%swap3A_832, %swap3A_833] {strides = array<i32>} : memref<128x128xf32, #tpu.memory_space<vmem>>, vector<1x16xf32>,
      %swap3A_835 = vector.shape_cast %swap3A_834 : vector<1x16xf32> to vector<16xf32>
      %swap3A_836 = vector.shape_cast %scan3A_769#8 : vector<16xf32> to vector<1x16xf32>
      tpu.vector_store %arg12[%swap3A_832, %swap3A_833], %swap3A_836 {strides = array<i32>} : memref<128x128xf32, #tpu.memory_space<vmem>>, vector<1x16xf32>,
      %add3A_837 = arith.constant 1 : i32
      %add3A_838 = arith.addi %mul3A_773, %add3A_837 : i32
      %swap3A_839 = arith.index_cast %add3A_838 : i32 to index
      %swap3A_840 = arith.constant 16 : index
      %swap3A_841 = tpu.vector_load %arg12[%swap3A_839, %swap3A_840] {strides = array<i32>} : memref<128x128xf32, #tpu.memory_space<vmem>>, vector<1x16xf32>,
      %swap3A_842 = vector.shape_cast %swap3A_841 : vector<1x16xf32> to vector<16xf32>
      %swap3A_843 = vector.shape_cast %scan3A_769#9 : vector<16xf32> to vector<1x16xf32>
      tpu.vector_store %arg12[%swap3A_839, %swap3A_840], %swap3A_843 {strides = array<i32>} : memref<128x128xf32, #tpu.memory_space<vmem>>, vector<1x16xf32>,
      %add3A_844 = arith.constant 1 : i32
      %add3A_845 = arith.addi %mul3A_773, %add3A_844 : i32
      %swap3A_846 = arith.index_cast %add3A_845 : i32 to index
      %swap3A_847 = arith.constant 32 : index
      %swap3A_848 = tpu.vector_load %arg12[%swap3A_846, %swap3A_847] {strides = array<i32>} : memref<128x128xf32, #tpu.memory_space<vmem>>, vector<1x16xf32>,
      %swap3A_849 = vector.shape_cast %swap3A_848 : vector<1x16xf32> to vector<16xf32>
      %swap3A_850 = vector.shape_cast %scan3A_769#10 : vector<16xf32> to vector<1x16xf32>
      tpu.vector_store %arg12[%swap3A_846, %swap3A_847], %swap3A_850 {strides = array<i32>} : memref<128x128xf32, #tpu.memory_space<vmem>>, vector<1x16xf32>,
      %add3A_851 = arith.constant 1 : i32
      %add3A_852 = arith.addi %mul3A_773, %add3A_851 : i32
      %swap3A_853 = arith.index_cast %add3A_852 : i32 to index
      %swap3A_854 = arith.constant 48 : index
      %swap3A_855 = tpu.vector_load %arg12[%swap3A_853, %swap3A_854] {strides = array<i32>} : memref<128x128xf32, #tpu.memory_space<vmem>>, vector<1x16xf32>,
      %swap3A_856 = vector.shape_cast %swap3A_855 : vector<1x16xf32> to vector<16xf32>
      %swap3A_857 = vector.shape_cast %scan3A_769#11 : vector<16xf32> to vector<1x16xf32>
      tpu.vector_store %arg12[%swap3A_853, %swap3A_854], %swap3A_857 {strides = array<i32>} : memref<128x128xf32, #tpu.memory_space<vmem>>, vector<1x16xf32>,
      %add3A_858 = arith.constant 1 : i32
      %add3A_859 = arith.addi %mul3A_773, %add3A_858 : i32
      %swap3A_860 = arith.index_cast %add3A_859 : i32 to index
      %swap3A_861 = arith.constant 64 : index
      %swap3A_862 = tpu.vector_load %arg12[%swap3A_860, %swap3A_861] {strides = array<i32>} : memref<128x128xf32, #tpu.memory_space<vmem>>, vector<1x16xf32>,
      %swap3A_863 = vector.shape_cast %swap3A_862 : vector<1x16xf32> to vector<16xf32>
      %swap3A_864 = vector.shape_cast %scan3A_769#12 : vector<16xf32> to vector<1x16xf32>
      tpu.vector_store %arg12[%swap3A_860, %swap3A_861], %swap3A_864 {strides = array<i32>} : memref<128x128xf32, #tpu.memory_space<vmem>>, vector<1x16xf32>,
      %add3A_865 = arith.constant 1 : i32
      %add3A_866 = arith.addi %mul3A_773, %add3A_865 : i32
      %swap3A_867 = arith.index_cast %add3A_866 : i32 to index
      %swap3A_868 = arith.constant 80 : index
      %swap3A_869 = tpu.vector_load %arg12[%swap3A_867, %swap3A_868] {strides = array<i32>} : memref<128x128xf32, #tpu.memory_space<vmem>>, vector<1x16xf32>,
      %swap3A_870 = vector.shape_cast %swap3A_869 : vector<1x16xf32> to vector<16xf32>
      %swap3A_871 = vector.shape_cast %scan3A_769#13 : vector<16xf32> to vector<1x16xf32>
      tpu.vector_store %arg12[%swap3A_867, %swap3A_868], %swap3A_871 {strides = array<i32>} : memref<128x128xf32, #tpu.memory_space<vmem>>, vector<1x16xf32>,
      %add3A_872 = arith.constant 1 : i32
      %add3A_873 = arith.addi %mul3A_773, %add3A_872 : i32
      %swap3A_874 = arith.index_cast %add3A_873 : i32 to index
      %swap3A_875 = arith.constant 96 : index
      %swap3A_876 = tpu.vector_load %arg12[%swap3A_874, %swap3A_875] {strides = array<i32>} : memref<128x128xf32, #tpu.memory_space<vmem>>, vector<1x16xf32>,
      %swap3A_877 = vector.shape_cast %swap3A_876 : vector<1x16xf32> to vector<16xf32>
      %swap3A_878 = vector.shape_cast %scan3A_769#14 : vector<16xf32> to vector<1x16xf32>
      tpu.vector_store %arg12[%swap3A_874, %swap3A_875], %swap3A_878 {strides = array<i32>} : memref<128x128xf32, #tpu.memory_space<vmem>>, vector<1x16xf32>,
      %add3A_879 = arith.constant 1 : i32
      %add3A_880 = arith.addi %mul3A_773, %add3A_879 : i32
      %swap3A_881 = arith.index_cast %add3A_880 : i32 to index
      %swap3A_882 = arith.constant 112 : index
      %swap3A_883 = tpu.vector_load %arg12[%swap3A_881, %swap3A_882] {strides = array<i32>} : memref<128x128xf32, #tpu.memory_space<vmem>>, vector<1x16xf32>,
      %swap3A_884 = vector.shape_cast %swap3A_883 : vector<1x16xf32> to vector<16xf32>
      %swap3A_885 = vector.shape_cast %scan3A_769#15 : vector<16xf32> to vector<1x16xf32>
      tpu.vector_store %arg12[%swap3A_881, %swap3A_882], %swap3A_885 {strides = array<i32>} : memref<128x128xf32, #tpu.memory_space<vmem>>, vector<1x16xf32>,
      %eq3A = arith.constant 63 : i32
      %eq3A_886 = arith.cmpi eq, %add3A_578, %eq3A : i32
      %convert_element_type3A = arith.extui %eq3A_886 : i1 to i32
      %cond3A = arith.constant 0 : i32
      %cond3A_887 = arith.cmpi ne, %convert_element_type3A, %cond3A : i32
      scf.if %cond3A_887 {
        %mul3A_1205 = arith.constant 256 : i32
        %mul3A_1206 = arith.muli %add3A, %mul3A_1205 : i32
        "tpu.region"() ({
          %run_scoped3A = tpu.sem_alloc : memref<!tpu.dma_semaphore, #tpu.memory_space<semaphore_mem>>
          %dma_start3A_1207 = arith.constant 0 : i32
          %dma_start3A_1208 = tpu.memref_slice %arg5[%mul3A_1206, %dma_start3A_1207] : memref<8192x128xf32, #tpu.memory_space<hbm>> -> memref<128x128xf32, #tpu.memory_space<hbm>>
          %dma_start3A_1209 = arith.constant 0 : i32
          %dma_start3A_1210 = tpu.memref_slice %arg5[%mul3A_1206, %dma_start3A_1209] : memref<8192x128xf32, #tpu.memory_space<hbm>> -> memref<128x128xf32, #tpu.memory_space<hbm>>
          tpu.enqueue_dma source(%arg12 : memref<128x128xf32, #tpu.memory_space<vmem>>) target(%dma_start3A_1210 : memref<128x128xf32, #tpu.memory_space<hbm>>) target_semaphore(%run_scoped3A : memref<!tpu.dma_semaphore, #tpu.memory_space<semaphore_mem>>)
          %dma_wait3A_1211 = arith.constant 0 : i32
          %dma_wait3A_1212 = tpu.memref_slice %arg5[%mul3A_1206, %dma_wait3A_1211] : memref<8192x128xf32, #tpu.memory_space<hbm>> -> memref<128x128xf32, #tpu.memory_space<hbm>>
          %dma_wait3A_1213 = arith.constant 0 : i32
          %dma_wait3A_1214 = tpu.memref_slice %arg5[%mul3A_1206, %dma_wait3A_1213] : memref<8192x128xf32, #tpu.memory_space<hbm>> -> memref<128x128xf32, #tpu.memory_space<hbm>>
          tpu.wait_dma2 semaphore(%run_scoped3A : memref<!tpu.dma_semaphore, #tpu.memory_space<semaphore_mem>>) src(%arg12 : memref<128x128xf32, #tpu.memory_space<vmem>>) dst(%dma_wait3A_1214 : memref<128x128xf32, #tpu.memory_space<hbm>>)
          tpu.yield
        }) : () -> ()
      } else {
      }
      %mul3A_888 = arith.constant 2 : i32
      %mul3A_889 = arith.muli %mul3A_888, %scan3A_574 : i32
      %add3A_890 = arith.constant 1 : i32
      %add3A_891 = arith.addi %mul3A_889, %add3A_890 : i32
      %add3A_892 = arith.constant 1 : i32
      %add3A_893 = arith.addi %add3A_891, %add3A_892 : i32
      %mul3A_894 = arith.constant 4 : i32
      %mul3A_895 = arith.muli %add3A_893, %mul3A_894 : i32
      %add3A_896 = arith.addi %mul3A_2, %mul3A_895 : i32
      %dma_wait3A_897 = arith.constant 0 : i32
      %dma_wait3A_898 = tpu.memref_slice %arg2[%add3A_896, %dma_wait3A_897] : memref<16384x128xi32, #tpu.memory_space<hbm>> -> memref<4x128xi32, #tpu.memory_space<hbm>>
      %dma_wait3A_899 = arith.constant 0 : i32
      %dma_wait3A_900 = tpu.memref_slice %arg2[%add3A_896, %dma_wait3A_899] : memref<16384x128xi32, #tpu.memory_space<hbm>> -> memref<4x128xi32, #tpu.memory_space<hbm>>
      tpu.wait_dma2 semaphore(%arg15 : memref<!tpu.dma_semaphore, #tpu.memory_space<semaphore_mem>>) src(%dma_wait3A_900 : memref<4x128xi32, #tpu.memory_space<hbm>>) dst(%arg6 : memref<4x128xi32, #tpu.memory_space<vmem>>)
      %dma_wait3A_901 = arith.constant 0 : i32
      %dma_wait3A_902 = tpu.memref_slice %arg3[%add3A_896, %dma_wait3A_901] : memref<16384x128xi32, #tpu.memory_space<hbm>> -> memref<4x128xi32, #tpu.memory_space<hbm>>
      %dma_wait3A_903 = arith.constant 0 : i32
      %dma_wait3A_904 = tpu.memref_slice %arg3[%add3A_896, %dma_wait3A_903] : memref<16384x128xi32, #tpu.memory_space<hbm>> -> memref<4x128xi32, #tpu.memory_space<hbm>>
      tpu.wait_dma2 semaphore(%arg15 : memref<!tpu.dma_semaphore, #tpu.memory_space<semaphore_mem>>) src(%dma_wait3A_904 : memref<4x128xi32, #tpu.memory_space<hbm>>) dst(%arg8 : memref<4x128xi32, #tpu.memory_space<vmem>>)
      %dma_start3A_905 = arith.constant 0 : i32
      %dma_start3A_906 = arith.constant 0 : i32
      %dma_start3A_907 = arith.constant 0 : i32
      %dma_start3A_908 = tpu.memref_slice %arg10[%dma_start3A_906, %dma_start3A_907] : memref<800x64xf32, #tpu.memory_space<vmem>> -> memref<128x64xf32, #tpu.memory_space<vmem>>
      %dma_start3A_909 = arith.constant 0 : i32
      %dma_start3A_910 = tpu.memref_slice %arg6[%dma_start3A_905, %dma_start3A_909] : memref<4x128xi32, #tpu.memory_space<vmem>> -> memref<1x128xi32, #tpu.memory_space<vmem>>
      %dma_start3A_911 = tpu.memref_squeeze %dma_start3A_910 : memref<1x128xi32, #tpu.memory_space<vmem>> -> memref<128xi32, #tpu.memory_space<vmem>>
      %dma_start3A_912 = arith.constant 0 : i32
      %dma_start3A_913 = arith.constant 0 : i32
      %dma_start3A_914 = tpu.memref_slice %arg4[%dma_start3A_912, %dma_start3A_913] : memref<2000000x64xf32, #tpu.memory_space<hbm>> -> memref<2000000x64xf32, #tpu.memory_space<hbm>>
      tpu.enqueue_indirect_dma source(%dma_start3A_914 : memref<2000000x64xf32, #tpu.memory_space<hbm>>) target(%dma_start3A_908 : memref<128x64xf32, #tpu.memory_space<vmem>>) offsets(%dma_start3A_911 : memref<128xi32, #tpu.memory_space<vmem>>) semaphore(%arg13 : memref<!tpu.dma_semaphore, #tpu.memory_space<semaphore_mem>>)
      %dma_start3A_915 = arith.constant 0 : i32
      %dma_start3A_916 = arith.constant 128 : i32
      %dma_start3A_917 = arith.constant 0 : i32
      %dma_start3A_918 = tpu.memref_slice %arg10[%dma_start3A_916, %dma_start3A_917] : memref<800x64xf32, #tpu.memory_space<vmem>> -> memref<72x64xf32, #tpu.memory_space<vmem>>
      %dma_start3A_919 = arith.constant 0 : i32
      %dma_start3A_920 = tpu.memref_slice %arg8[%dma_start3A_915, %dma_start3A_919] : memref<4x128xi32, #tpu.memory_space<vmem>> -> memref<1x72xi32, #tpu.memory_space<vmem>>
      %dma_start3A_921 = tpu.memref_squeeze %dma_start3A_920 : memref<1x72xi32, #tpu.memory_space<vmem>> -> memref<72xi32, #tpu.memory_space<vmem>>
      %dma_start3A_922 = arith.constant 0 : i32
      %dma_start3A_923 = arith.constant 0 : i32
      %dma_start3A_924 = tpu.memref_slice %arg4[%dma_start3A_922, %dma_start3A_923] : memref<2000000x64xf32, #tpu.memory_space<hbm>> -> memref<2000000x64xf32, #tpu.memory_space<hbm>>
      tpu.enqueue_indirect_dma source(%dma_start3A_924 : memref<2000000x64xf32, #tpu.memory_space<hbm>>) target(%dma_start3A_918 : memref<72x64xf32, #tpu.memory_space<vmem>>) offsets(%dma_start3A_921 : memref<72xi32, #tpu.memory_space<vmem>>) semaphore(%arg13 : memref<!tpu.dma_semaphore, #tpu.memory_space<semaphore_mem>>)
      %dma_start3A_925 = arith.constant 1 : i32
      %dma_start3A_926 = arith.constant 200 : i32
      %dma_start3A_927 = arith.constant 0 : i32
      %dma_start3A_928 = tpu.memref_slice %arg10[%dma_start3A_926, %dma_start3A_927] : memref<800x64xf32, #tpu.memory_space<vmem>> -> memref<128x64xf32, #tpu.memory_space<vmem>>
      %dma_start3A_929 = arith.constant 0 : i32
      %dma_start3A_930 = tpu.memref_slice %arg6[%dma_start3A_925, %dma_start3A_929] : memref<4x128xi32, #tpu.memory_space<vmem>> -> memref<1x128xi32, #tpu.memory_space<vmem>>
      %dma_start3A_931 = tpu.memref_squeeze %dma_start3A_930 : memref<1x128xi32, #tpu.memory_space<vmem>> -> memref<128xi32, #tpu.memory_space<vmem>>
      %dma_start3A_932 = arith.constant 0 : i32
      %dma_start3A_933 = arith.constant 0 : i32
      %dma_start3A_934 = tpu.memref_slice %arg4[%dma_start3A_932, %dma_start3A_933] : memref<2000000x64xf32, #tpu.memory_space<hbm>> -> memref<2000000x64xf32, #tpu.memory_space<hbm>>
      tpu.enqueue_indirect_dma source(%dma_start3A_934 : memref<2000000x64xf32, #tpu.memory_space<hbm>>) target(%dma_start3A_928 : memref<128x64xf32, #tpu.memory_space<vmem>>) offsets(%dma_start3A_931 : memref<128xi32, #tpu.memory_space<vmem>>) semaphore(%arg13 : memref<!tpu.dma_semaphore, #tpu.memory_space<semaphore_mem>>)
      %dma_start3A_935 = arith.constant 1 : i32
      %dma_start3A_936 = arith.constant 328 : i32
      %dma_start3A_937 = arith.constant 0 : i32
      %dma_start3A_938 = tpu.memref_slice %arg10[%dma_start3A_936, %dma_start3A_937] : memref<800x64xf32, #tpu.memory_space<vmem>> -> memref<72x64xf32, #tpu.memory_space<vmem>>
      %dma_start3A_939 = arith.constant 0 : i32
      %dma_start3A_940 = tpu.memref_slice %arg8[%dma_start3A_935, %dma_start3A_939] : memref<4x128xi32, #tpu.memory_space<vmem>> -> memref<1x72xi32, #tpu.memory_space<vmem>>
      %dma_start3A_941 = tpu.memref_squeeze %dma_start3A_940 : memref<1x72xi32, #tpu.memory_space<vmem>> -> memref<72xi32, #tpu.memory_space<vmem>>
      %dma_start3A_942 = arith.constant 0 : i32
      %dma_start3A_943 = arith.constant 0 : i32
      %dma_start3A_944 = tpu.memref_slice %arg4[%dma_start3A_942, %dma_start3A_943] : memref<2000000x64xf32, #tpu.memory_space<hbm>> -> memref<2000000x64xf32, #tpu.memory_space<hbm>>
      tpu.enqueue_indirect_dma source(%dma_start3A_944 : memref<2000000x64xf32, #tpu.memory_space<hbm>>) target(%dma_start3A_938 : memref<72x64xf32, #tpu.memory_space<vmem>>) offsets(%dma_start3A_941 : memref<72xi32, #tpu.memory_space<vmem>>) semaphore(%arg13 : memref<!tpu.dma_semaphore, #tpu.memory_space<semaphore_mem>>)
      %dma_start3A_945 = arith.constant 2 : i32
      %dma_start3A_946 = arith.constant 400 : i32
      %dma_start3A_947 = arith.constant 0 : i32
      %dma_start3A_948 = tpu.memref_slice %arg10[%dma_start3A_946, %dma_start3A_947] : memref<800x64xf32, #tpu.memory_space<vmem>> -> memref<128x64xf32, #tpu.memory_space<vmem>>
      %dma_start3A_949 = arith.constant 0 : i32
      %dma_start3A_950 = tpu.memref_slice %arg6[%dma_start3A_945, %dma_start3A_949] : memref<4x128xi32, #tpu.memory_space<vmem>> -> memref<1x128xi32, #tpu.memory_space<vmem>>
      %dma_start3A_951 = tpu.memref_squeeze %dma_start3A_950 : memref<1x128xi32, #tpu.memory_space<vmem>> -> memref<128xi32, #tpu.memory_space<vmem>>
      %dma_start3A_952 = arith.constant 0 : i32
      %dma_start3A_953 = arith.constant 0 : i32
      %dma_start3A_954 = tpu.memref_slice %arg4[%dma_start3A_952, %dma_start3A_953] : memref<2000000x64xf32, #tpu.memory_space<hbm>> -> memref<2000000x64xf32, #tpu.memory_space<hbm>>
      tpu.enqueue_indirect_dma source(%dma_start3A_954 : memref<2000000x64xf32, #tpu.memory_space<hbm>>) target(%dma_start3A_948 : memref<128x64xf32, #tpu.memory_space<vmem>>) offsets(%dma_start3A_951 : memref<128xi32, #tpu.memory_space<vmem>>) semaphore(%arg13 : memref<!tpu.dma_semaphore, #tpu.memory_space<semaphore_mem>>)
      %dma_start3A_955 = arith.constant 2 : i32
      %dma_start3A_956 = arith.constant 528 : i32
      %dma_start3A_957 = arith.constant 0 : i32
      %dma_start3A_958 = tpu.memref_slice %arg10[%dma_start3A_956, %dma_start3A_957] : memref<800x64xf32, #tpu.memory_space<vmem>> -> memref<72x64xf32, #tpu.memory_space<vmem>>
      %dma_start3A_959 = arith.constant 0 : i32
      %dma_start3A_960 = tpu.memref_slice %arg8[%dma_start3A_955, %dma_start3A_959] : memref<4x128xi32, #tpu.memory_space<vmem>> -> memref<1x72xi32, #tpu.memory_space<vmem>>
      %dma_start3A_961 = tpu.memref_squeeze %dma_start3A_960 : memref<1x72xi32, #tpu.memory_space<vmem>> -> memref<72xi32, #tpu.memory_space<vmem>>
      %dma_start3A_962 = arith.constant 0 : i32
      %dma_start3A_963 = arith.constant 0 : i32
      %dma_start3A_964 = tpu.memref_slice %arg4[%dma_start3A_962, %dma_start3A_963] : memref<2000000x64xf32, #tpu.memory_space<hbm>> -> memref<2000000x64xf32, #tpu.memory_space<hbm>>
      tpu.enqueue_indirect_dma source(%dma_start3A_964 : memref<2000000x64xf32, #tpu.memory_space<hbm>>) target(%dma_start3A_958 : memref<72x64xf32, #tpu.memory_space<vmem>>) offsets(%dma_start3A_961 : memref<72xi32, #tpu.memory_space<vmem>>) semaphore(%arg13 : memref<!tpu.dma_semaphore, #tpu.memory_space<semaphore_mem>>)
      %dma_start3A_965 = arith.constant 3 : i32
      %dma_start3A_966 = arith.constant 600 : i32
      %dma_start3A_967 = arith.constant 0 : i32
      %dma_start3A_968 = tpu.memref_slice %arg10[%dma_start3A_966, %dma_start3A_967] : memref<800x64xf32, #tpu.memory_space<vmem>> -> memref<128x64xf32, #tpu.memory_space<vmem>>
      %dma_start3A_969 = arith.constant 0 : i32
      %dma_start3A_970 = tpu.memref_slice %arg6[%dma_start3A_965, %dma_start3A_969] : memref<4x128xi32, #tpu.memory_space<vmem>> -> memref<1x128xi32, #tpu.memory_space<vmem>>
      %dma_start3A_971 = tpu.memref_squeeze %dma_start3A_970 : memref<1x128xi32, #tpu.memory_space<vmem>> -> memref<128xi32, #tpu.memory_space<vmem>>
      %dma_start3A_972 = arith.constant 0 : i32
      %dma_start3A_973 = arith.constant 0 : i32
      %dma_start3A_974 = tpu.memref_slice %arg4[%dma_start3A_972, %dma_start3A_973] : memref<2000000x64xf32, #tpu.memory_space<hbm>> -> memref<2000000x64xf32, #tpu.memory_space<hbm>>
      tpu.enqueue_indirect_dma source(%dma_start3A_974 : memref<2000000x64xf32, #tpu.memory_space<hbm>>) target(%dma_start3A_968 : memref<128x64xf32, #tpu.memory_space<vmem>>) offsets(%dma_start3A_971 : memref<128xi32, #tpu.memory_space<vmem>>) semaphore(%arg13 : memref<!tpu.dma_semaphore, #tpu.memory_space<semaphore_mem>>)
      %dma_start3A_975 = arith.constant 3 : i32
      %dma_start3A_976 = arith.constant 728 : i32
      %dma_start3A_977 = arith.constant 0 : i32
      %dma_start3A_978 = tpu.memref_slice %arg10[%dma_start3A_976, %dma_start3A_977] : memref<800x64xf32, #tpu.memory_space<vmem>> -> memref<72x64xf32, #tpu.memory_space<vmem>>
      %dma_start3A_979 = arith.constant 0 : i32
      %dma_start3A_980 = tpu.memref_slice %arg8[%dma_start3A_975, %dma_start3A_979] : memref<4x128xi32, #tpu.memory_space<vmem>> -> memref<1x72xi32, #tpu.memory_space<vmem>>
      %dma_start3A_981 = tpu.memref_squeeze %dma_start3A_980 : memref<1x72xi32, #tpu.memory_space<vmem>> -> memref<72xi32, #tpu.memory_space<vmem>>
      %dma_start3A_982 = arith.constant 0 : i32
      %dma_start3A_983 = arith.constant 0 : i32
      %dma_start3A_984 = tpu.memref_slice %arg4[%dma_start3A_982, %dma_start3A_983] : memref<2000000x64xf32, #tpu.memory_space<hbm>> -> memref<2000000x64xf32, #tpu.memory_space<hbm>>
      tpu.enqueue_indirect_dma source(%dma_start3A_984 : memref<2000000x64xf32, #tpu.memory_space<hbm>>) target(%dma_start3A_978 : memref<72x64xf32, #tpu.memory_space<vmem>>) offsets(%dma_start3A_981 : memref<72xi32, #tpu.memory_space<vmem>>) semaphore(%arg13 : memref<!tpu.dma_semaphore, #tpu.memory_space<semaphore_mem>>)
      %dma_wait3A_985 = arith.constant 0 : i32
      %dma_wait3A_986 = arith.constant 0 : i32
      %dma_wait3A_987 = arith.constant 0 : i32
      %dma_wait3A_988 = tpu.memref_slice %arg11[%dma_wait3A_986, %dma_wait3A_987] : memref<800x64xf32, #tpu.memory_space<vmem>> -> memref<128x64xf32, #tpu.memory_space<vmem>>
      %dma_wait3A_989 = arith.constant 0 : i32
      %dma_wait3A_990 = tpu.memref_slice %arg7[%dma_wait3A_985, %dma_wait3A_989] : memref<4x128xi32, #tpu.memory_space<vmem>> -> memref<1x128xi32, #tpu.memory_space<vmem>>
      %dma_wait3A_991 = tpu.memref_squeeze %dma_wait3A_990 : memref<1x128xi32, #tpu.memory_space<vmem>> -> memref<128xi32, #tpu.memory_space<vmem>>
      %dma_wait3A_992 = arith.constant 0 : i32
      %dma_wait3A_993 = arith.constant 0 : i32
      %dma_wait3A_994 = tpu.memref_slice %arg4[%dma_wait3A_992, %dma_wait3A_993] : memref<2000000x64xf32, #tpu.memory_space<hbm>> -> memref<2000000x64xf32, #tpu.memory_space<hbm>>
      tpu.wait_indirect_dma semaphore(%arg14 : memref<!tpu.dma_semaphore, #tpu.memory_space<semaphore_mem>>) src(%dma_wait3A_994 : memref<2000000x64xf32, #tpu.memory_space<hbm>>) dst(%dma_wait3A_988 : memref<128x64xf32, #tpu.memory_space<vmem>>)
      %dma_wait3A_995 = arith.constant 0 : i32
      %dma_wait3A_996 = arith.constant 128 : i32
      %dma_wait3A_997 = arith.constant 0 : i32
      %dma_wait3A_998 = tpu.memref_slice %arg11[%dma_wait3A_996, %dma_wait3A_997] : memref<800x64xf32, #tpu.memory_space<vmem>> -> memref<72x64xf32, #tpu.memory_space<vmem>>
      %dma_wait3A_999 = arith.constant 0 : i32
      %dma_wait3A_1000 = tpu.memref_slice %arg9[%dma_wait3A_995, %dma_wait3A_999] : memref<4x128xi32, #tpu.memory_space<vmem>> -> memref<1x72xi32, #tpu.memory_space<vmem>>
      %dma_wait3A_1001 = tpu.memref_squeeze %dma_wait3A_1000 : memref<1x72xi32, #tpu.memory_space<vmem>> -> memref<72xi32, #tpu.memory_space<vmem>>
      %dma_wait3A_1002 = arith.constant 0 : i32
      %dma_wait3A_1003 = arith.constant 0 : i32
      %dma_wait3A_1004 = tpu.memref_slice %arg4[%dma_wait3A_1002, %dma_wait3A_1003] : memref<2000000x64xf32, #tpu.memory_space<hbm>> -> memref<2000000x64xf32, #tpu.memory_space<hbm>>
      tpu.wait_indirect_dma semaphore(%arg14 : memref<!tpu.dma_semaphore, #tpu.memory_space<semaphore_mem>>) src(%dma_wait3A_1004 : memref<2000000x64xf32, #tpu.memory_space<hbm>>) dst(%dma_wait3A_998 : memref<72x64xf32, #tpu.memory_space<vmem>>)
      %dma_wait3A_1005 = arith.constant 1 : i32
      %dma_wait3A_1006 = arith.constant 200 : i32
      %dma_wait3A_1007 = arith.constant 0 : i32
      %dma_wait3A_1008 = tpu.memref_slice %arg11[%dma_wait3A_1006, %dma_wait3A_1007] : memref<800x64xf32, #tpu.memory_space<vmem>> -> memref<128x64xf32, #tpu.memory_space<vmem>>
      %dma_wait3A_1009 = arith.constant 0 : i32
      %dma_wait3A_1010 = tpu.memref_slice %arg7[%dma_wait3A_1005, %dma_wait3A_1009] : memref<4x128xi32, #tpu.memory_space<vmem>> -> memref<1x128xi32, #tpu.memory_space<vmem>>
      %dma_wait3A_1011 = tpu.memref_squeeze %dma_wait3A_1010 : memref<1x128xi32, #tpu.memory_space<vmem>> -> memref<128xi32, #tpu.memory_space<vmem>>
      %dma_wait3A_1012 = arith.constant 0 : i32
      %dma_wait3A_1013 = arith.constant 0 : i32
      %dma_wait3A_1014 = tpu.memref_slice %arg4[%dma_wait3A_1012, %dma_wait3A_1013] : memref<2000000x64xf32, #tpu.memory_space<hbm>> -> memref<2000000x64xf32, #tpu.memory_space<hbm>>
      tpu.wait_indirect_dma semaphore(%arg14 : memref<!tpu.dma_semaphore, #tpu.memory_space<semaphore_mem>>) src(%dma_wait3A_1014 : memref<2000000x64xf32, #tpu.memory_space<hbm>>) dst(%dma_wait3A_1008 : memref<128x64xf32, #tpu.memory_space<vmem>>)
      %dma_wait3A_1015 = arith.constant 1 : i32
      %dma_wait3A_1016 = arith.constant 328 : i32
      %dma_wait3A_1017 = arith.constant 0 : i32
      %dma_wait3A_1018 = tpu.memref_slice %arg11[%dma_wait3A_1016, %dma_wait3A_1017] : memref<800x64xf32, #tpu.memory_space<vmem>> -> memref<72x64xf32, #tpu.memory_space<vmem>>
      %dma_wait3A_1019 = arith.constant 0 : i32
      %dma_wait3A_1020 = tpu.memref_slice %arg9[%dma_wait3A_1015, %dma_wait3A_1019] : memref<4x128xi32, #tpu.memory_space<vmem>> -> memref<1x72xi32, #tpu.memory_space<vmem>>
      %dma_wait3A_1021 = tpu.memref_squeeze %dma_wait3A_1020 : memref<1x72xi32, #tpu.memory_space<vmem>> -> memref<72xi32, #tpu.memory_space<vmem>>
      %dma_wait3A_1022 = arith.constant 0 : i32
      %dma_wait3A_1023 = arith.constant 0 : i32
      %dma_wait3A_1024 = tpu.memref_slice %arg4[%dma_wait3A_1022, %dma_wait3A_1023] : memref<2000000x64xf32, #tpu.memory_space<hbm>> -> memref<2000000x64xf32, #tpu.memory_space<hbm>>
      tpu.wait_indirect_dma semaphore(%arg14 : memref<!tpu.dma_semaphore, #tpu.memory_space<semaphore_mem>>) src(%dma_wait3A_1024 : memref<2000000x64xf32, #tpu.memory_space<hbm>>) dst(%dma_wait3A_1018 : memref<72x64xf32, #tpu.memory_space<vmem>>)
      %dma_wait3A_1025 = arith.constant 2 : i32
      %dma_wait3A_1026 = arith.constant 400 : i32
      %dma_wait3A_1027 = arith.constant 0 : i32
      %dma_wait3A_1028 = tpu.memref_slice %arg11[%dma_wait3A_1026, %dma_wait3A_1027] : memref<800x64xf32, #tpu.memory_space<vmem>> -> memref<128x64xf32, #tpu.memory_space<vmem>>
      %dma_wait3A_1029 = arith.constant 0 : i32
      %dma_wait3A_1030 = tpu.memref_slice %arg7[%dma_wait3A_1025, %dma_wait3A_1029] : memref<4x128xi32, #tpu.memory_space<vmem>> -> memref<1x128xi32, #tpu.memory_space<vmem>>
      %dma_wait3A_1031 = tpu.memref_squeeze %dma_wait3A_1030 : memref<1x128xi32, #tpu.memory_space<vmem>> -> memref<128xi32, #tpu.memory_space<vmem>>
      %dma_wait3A_1032 = arith.constant 0 : i32
      %dma_wait3A_1033 = arith.constant 0 : i32
      %dma_wait3A_1034 = tpu.memref_slice %arg4[%dma_wait3A_1032, %dma_wait3A_1033] : memref<2000000x64xf32, #tpu.memory_space<hbm>> -> memref<2000000x64xf32, #tpu.memory_space<hbm>>
      tpu.wait_indirect_dma semaphore(%arg14 : memref<!tpu.dma_semaphore, #tpu.memory_space<semaphore_mem>>) src(%dma_wait3A_1034 : memref<2000000x64xf32, #tpu.memory_space<hbm>>) dst(%dma_wait3A_1028 : memref<128x64xf32, #tpu.memory_space<vmem>>)
      %dma_wait3A_1035 = arith.constant 2 : i32
      %dma_wait3A_1036 = arith.constant 528 : i32
      %dma_wait3A_1037 = arith.constant 0 : i32
      %dma_wait3A_1038 = tpu.memref_slice %arg11[%dma_wait3A_1036, %dma_wait3A_1037] : memref<800x64xf32, #tpu.memory_space<vmem>> -> memref<72x64xf32, #tpu.memory_space<vmem>>
      %dma_wait3A_1039 = arith.constant 0 : i32
      %dma_wait3A_1040 = tpu.memref_slice %arg9[%dma_wait3A_1035, %dma_wait3A_1039] : memref<4x128xi32, #tpu.memory_space<vmem>> -> memref<1x72xi32, #tpu.memory_space<vmem>>
      %dma_wait3A_1041 = tpu.memref_squeeze %dma_wait3A_1040 : memref<1x72xi32, #tpu.memory_space<vmem>> -> memref<72xi32, #tpu.memory_space<vmem>>
      %dma_wait3A_1042 = arith.constant 0 : i32
      %dma_wait3A_1043 = arith.constant 0 : i32
      %dma_wait3A_1044 = tpu.memref_slice %arg4[%dma_wait3A_1042, %dma_wait3A_1043] : memref<2000000x64xf32, #tpu.memory_space<hbm>> -> memref<2000000x64xf32, #tpu.memory_space<hbm>>
      tpu.wait_indirect_dma semaphore(%arg14 : memref<!tpu.dma_semaphore, #tpu.memory_space<semaphore_mem>>) src(%dma_wait3A_1044 : memref<2000000x64xf32, #tpu.memory_space<hbm>>) dst(%dma_wait3A_1038 : memref<72x64xf32, #tpu.memory_space<vmem>>)
      %dma_wait3A_1045 = arith.constant 3 : i32
      %dma_wait3A_1046 = arith.constant 600 : i32
      %dma_wait3A_1047 = arith.constant 0 : i32
      %dma_wait3A_1048 = tpu.memref_slice %arg11[%dma_wait3A_1046, %dma_wait3A_1047] : memref<800x64xf32, #tpu.memory_space<vmem>> -> memref<128x64xf32, #tpu.memory_space<vmem>>
      %dma_wait3A_1049 = arith.constant 0 : i32
      %dma_wait3A_1050 = tpu.memref_slice %arg7[%dma_wait3A_1045, %dma_wait3A_1049] : memref<4x128xi32, #tpu.memory_space<vmem>> -> memref<1x128xi32, #tpu.memory_space<vmem>>
      %dma_wait3A_1051 = tpu.memref_squeeze %dma_wait3A_1050 : memref<1x128xi32, #tpu.memory_space<vmem>> -> memref<128xi32, #tpu.memory_space<vmem>>
      %dma_wait3A_1052 = arith.constant 0 : i32
      %dma_wait3A_1053 = arith.constant 0 : i32
      %dma_wait3A_1054 = tpu.memref_slice %arg4[%dma_wait3A_1052, %dma_wait3A_1053] : memref<2000000x64xf32, #tpu.memory_space<hbm>> -> memref<2000000x64xf32, #tpu.memory_space<hbm>>
      tpu.wait_indirect_dma semaphore(%arg14 : memref<!tpu.dma_semaphore, #tpu.memory_space<semaphore_mem>>) src(%dma_wait3A_1054 : memref<2000000x64xf32, #tpu.memory_space<hbm>>) dst(%dma_wait3A_1048 : memref<128x64xf32, #tpu.memory_space<vmem>>)
      %dma_wait3A_1055 = arith.constant 3 : i32
      %dma_wait3A_1056 = arith.constant 728 : i32
      %dma_wait3A_1057 = arith.constant 0 : i32
      %dma_wait3A_1058 = tpu.memref_slice %arg11[%dma_wait3A_1056, %dma_wait3A_1057] : memref<800x64xf32, #tpu.memory_space<vmem>> -> memref<72x64xf32, #tpu.memory_space<vmem>>
      %dma_wait3A_1059 = arith.constant 0 : i32
      %dma_wait3A_1060 = tpu.memref_slice %arg9[%dma_wait3A_1055, %dma_wait3A_1059] : memref<4x128xi32, #tpu.memory_space<vmem>> -> memref<1x72xi32, #tpu.memory_space<vmem>>
      %dma_wait3A_1061 = tpu.memref_squeeze %dma_wait3A_1060 : memref<1x72xi32, #tpu.memory_space<vmem>> -> memref<72xi32, #tpu.memory_space<vmem>>
      %dma_wait3A_1062 = arith.constant 0 : i32
      %dma_wait3A_1063 = arith.constant 0 : i32
      %dma_wait3A_1064 = tpu.memref_slice %arg4[%dma_wait3A_1062, %dma_wait3A_1063] : memref<2000000x64xf32, #tpu.memory_space<hbm>> -> memref<2000000x64xf32, #tpu.memory_space<hbm>>
      tpu.wait_indirect_dma semaphore(%arg14 : memref<!tpu.dma_semaphore, #tpu.memory_space<semaphore_mem>>) src(%dma_wait3A_1064 : memref<2000000x64xf32, #tpu.memory_space<hbm>>) dst(%dma_wait3A_1058 : memref<72x64xf32, #tpu.memory_space<vmem>>)
      %add3A_1065 = arith.constant 2 : i32
      %add3A_1066 = arith.addi %add3A_891, %add3A_1065 : i32
      %mul3A_1067 = arith.constant 4 : i32
      %mul3A_1068 = arith.muli %add3A_1066, %mul3A_1067 : i32
      %add3A_1069 = arith.addi %mul3A_2, %mul3A_1068 : i32
      %dma_start3A_1070 = arith.constant 0 : i32
      %dma_start3A_1071 = tpu.memref_slice %arg2[%add3A_1069, %dma_start3A_1070] : memref<16384x128xi32, #tpu.memory_space<hbm>> -> memref<4x128xi32, #tpu.memory_space<hbm>>
      %dma_start3A_1072 = arith.constant 0 : i32
      %dma_start3A_1073 = tpu.memref_slice %arg2[%add3A_1069, %dma_start3A_1072] : memref<16384x128xi32, #tpu.memory_space<hbm>> -> memref<4x128xi32, #tpu.memory_space<hbm>>
      tpu.enqueue_dma source(%dma_start3A_1073 : memref<4x128xi32, #tpu.memory_space<hbm>>) target(%arg7 : memref<4x128xi32, #tpu.memory_space<vmem>>) target_semaphore(%arg16 : memref<!tpu.dma_semaphore, #tpu.memory_space<semaphore_mem>>)
      %dma_start3A_1074 = arith.constant 0 : i32
      %dma_start3A_1075 = tpu.memref_slice %arg3[%add3A_1069, %dma_start3A_1074] : memref<16384x128xi32, #tpu.memory_space<hbm>> -> memref<4x128xi32, #tpu.memory_space<hbm>>
      %dma_start3A_1076 = arith.constant 0 : i32
      %dma_start3A_1077 = tpu.memref_slice %arg3[%add3A_1069, %dma_start3A_1076] : memref<16384x128xi32, #tpu.memory_space<hbm>> -> memref<4x128xi32, #tpu.memory_space<hbm>>
      tpu.enqueue_dma source(%dma_start3A_1077 : memref<4x128xi32, #tpu.memory_space<hbm>>) target(%arg9 : memref<4x128xi32, #tpu.memory_space<vmem>>) target_semaphore(%arg16 : memref<!tpu.dma_semaphore, #tpu.memory_space<semaphore_mem>>)
      %scan3A_1078 = arith.constant 0 : i32
      %scan3A_1079 = arith.constant 100 : i32
      %scan3A_1080 = arith.addi %scan3A_1078, %scan3A_1079 : i32
      %scan3A_1081 = arith.constant 1 : i32
      %scan3A_1082:16 = scf.for %scan3A_1205 = %scan3A_1078 to %scan3A_1080 step %scan3A_1081 iter_args(%scan3A_1206 = %broadcast_in_dim3A_3, %scan3A_1207 = %broadcast_in_dim3A_3, %scan3A_1208 = %broadcast_in_dim3A_3, %scan3A_1209 = %broadcast_in_dim3A_3, %scan3A_1210 = %broadcast_in_dim3A_3, %scan3A_1211 = %broadcast_in_dim3A_3, %scan3A_1212 = %broadcast_in_dim3A_3, %scan3A_1213 = %broadcast_in_dim3A_3, %scan3A_1214 = %broadcast_in_dim3A_3, %scan3A_1215 = %broadcast_in_dim3A_3, %scan3A_1216 = %broadcast_in_dim3A_3, %scan3A_1217 = %broadcast_in_dim3A_3, %scan3A_1218 = %broadcast_in_dim3A_3, %scan3A_1219 = %broadcast_in_dim3A_3, %scan3A_1220 = %broadcast_in_dim3A_3, %scan3A_1221 = %broadcast_in_dim3A_3) -> (vector<16xf32>, vector<16xf32>, vector<16xf32>, vector<16xf32>, vector<16xf32>, vector<16xf32>, vector<16xf32>, vector<16xf32>, vector<16xf32>, vector<16xf32>, vector<16xf32>, vector<16xf32>, vector<16xf32>, vector<16xf32>, vector<16xf32>, vector<16xf32>)  : i32 {
        %mul3A_1222 = arith.constant 2 : i32
        %mul3A_1223 = arith.muli %mul3A_1222, %scan3A_1205 : i32
        %add3A_1224 = arith.constant 0 : i32
        %add3A_1225 = arith.addi %add3A_1224, %mul3A_1223 : i32
        %get3A = arith.index_cast %add3A_1225 : i32 to index
        %get3A_1226 = arith.constant 0 : index
        %get3A_1227 = tpu.vector_load %arg11[%get3A, %get3A_1226] {strides = array<i32>} : memref<800x64xf32, #tpu.memory_space<vmem>>, vector<1x16xf32>,
        %get3A_1228 = vector.shape_cast %get3A_1227 : vector<1x16xf32> to vector<16xf32>
        %add3A_1229 = arith.constant 1 : i32
        %add3A_1230 = arith.addi %add3A_1225, %add3A_1229 : i32
        %get3A_1231 = arith.index_cast %add3A_1230 : i32 to index
        %get3A_1232 = arith.constant 0 : index
        %get3A_1233 = tpu.vector_load %arg11[%get3A_1231, %get3A_1232] {strides = array<i32>} : memref<800x64xf32, #tpu.memory_space<vmem>>, vector<1x16xf32>,
        %get3A_1234 = vector.shape_cast %get3A_1233 : vector<1x16xf32> to vector<16xf32>
        %max3A = arith.maximumf %get3A_1228, %get3A_1234 : vector<16xf32>
        %max3A_1235 = arith.maximumf %scan3A_1206, %max3A : vector<16xf32>
        %get3A_1236 = arith.index_cast %add3A_1225 : i32 to index
        %get3A_1237 = arith.constant 16 : index
        %get3A_1238 = tpu.vector_load %arg11[%get3A_1236, %get3A_1237] {strides = array<i32>} : memref<800x64xf32, #tpu.memory_space<vmem>>, vector<1x16xf32>,
        %get3A_1239 = vector.shape_cast %get3A_1238 : vector<1x16xf32> to vector<16xf32>
        %add3A_1240 = arith.constant 1 : i32
        %add3A_1241 = arith.addi %add3A_1225, %add3A_1240 : i32
        %get3A_1242 = arith.index_cast %add3A_1241 : i32 to index
        %get3A_1243 = arith.constant 16 : index
        %get3A_1244 = tpu.vector_load %arg11[%get3A_1242, %get3A_1243] {strides = array<i32>} : memref<800x64xf32, #tpu.memory_space<vmem>>, vector<1x16xf32>,
        %get3A_1245 = vector.shape_cast %get3A_1244 : vector<1x16xf32> to vector<16xf32>
        %max3A_1246 = arith.maximumf %get3A_1239, %get3A_1245 : vector<16xf32>
        %max3A_1247 = arith.maximumf %scan3A_1207, %max3A_1246 : vector<16xf32>
        %get3A_1248 = arith.index_cast %add3A_1225 : i32 to index
        %get3A_1249 = arith.constant 32 : index
        %get3A_1250 = tpu.vector_load %arg11[%get3A_1248, %get3A_1249] {strides = array<i32>} : memref<800x64xf32, #tpu.memory_space<vmem>>, vector<1x16xf32>,
        %get3A_1251 = vector.shape_cast %get3A_1250 : vector<1x16xf32> to vector<16xf32>
        %add3A_1252 = arith.constant 1 : i32
        %add3A_1253 = arith.addi %add3A_1225, %add3A_1252 : i32
        %get3A_1254 = arith.index_cast %add3A_1253 : i32 to index
        %get3A_1255 = arith.constant 32 : index
        %get3A_1256 = tpu.vector_load %arg11[%get3A_1254, %get3A_1255] {strides = array<i32>} : memref<800x64xf32, #tpu.memory_space<vmem>>, vector<1x16xf32>,
        %get3A_1257 = vector.shape_cast %get3A_1256 : vector<1x16xf32> to vector<16xf32>
        %max3A_1258 = arith.maximumf %get3A_1251, %get3A_1257 : vector<16xf32>
        %max3A_1259 = arith.maximumf %scan3A_1208, %max3A_1258 : vector<16xf32>
        %get3A_1260 = arith.index_cast %add3A_1225 : i32 to index
        %get3A_1261 = arith.constant 48 : index
        %get3A_1262 = tpu.vector_load %arg11[%get3A_1260, %get3A_1261] {strides = array<i32>} : memref<800x64xf32, #tpu.memory_space<vmem>>, vector<1x16xf32>,
        %get3A_1263 = vector.shape_cast %get3A_1262 : vector<1x16xf32> to vector<16xf32>
        %add3A_1264 = arith.constant 1 : i32
        %add3A_1265 = arith.addi %add3A_1225, %add3A_1264 : i32
        %get3A_1266 = arith.index_cast %add3A_1265 : i32 to index
        %get3A_1267 = arith.constant 48 : index
        %get3A_1268 = tpu.vector_load %arg11[%get3A_1266, %get3A_1267] {strides = array<i32>} : memref<800x64xf32, #tpu.memory_space<vmem>>, vector<1x16xf32>,
        %get3A_1269 = vector.shape_cast %get3A_1268 : vector<1x16xf32> to vector<16xf32>
        %max3A_1270 = arith.maximumf %get3A_1263, %get3A_1269 : vector<16xf32>
        %max3A_1271 = arith.maximumf %scan3A_1209, %max3A_1270 : vector<16xf32>
        %mul3A_1272 = arith.constant 2 : i32
        %mul3A_1273 = arith.muli %mul3A_1272, %scan3A_1205 : i32
        %add3A_1274 = arith.constant 200 : i32
        %add3A_1275 = arith.addi %add3A_1274, %mul3A_1273 : i32
        %get3A_1276 = arith.index_cast %add3A_1275 : i32 to index
        %get3A_1277 = arith.constant 0 : index
        %get3A_1278 = tpu.vector_load %arg11[%get3A_1276, %get3A_1277] {strides = array<i32>} : memref<800x64xf32, #tpu.memory_space<vmem>>, vector<1x16xf32>,
        %get3A_1279 = vector.shape_cast %get3A_1278 : vector<1x16xf32> to vector<16xf32>
        %add3A_1280 = arith.constant 1 : i32
        %add3A_1281 = arith.addi %add3A_1275, %add3A_1280 : i32
        %get3A_1282 = arith.index_cast %add3A_1281 : i32 to index
        %get3A_1283 = arith.constant 0 : index
        %get3A_1284 = tpu.vector_load %arg11[%get3A_1282, %get3A_1283] {strides = array<i32>} : memref<800x64xf32, #tpu.memory_space<vmem>>, vector<1x16xf32>,
        %get3A_1285 = vector.shape_cast %get3A_1284 : vector<1x16xf32> to vector<16xf32>
        %max3A_1286 = arith.maximumf %get3A_1279, %get3A_1285 : vector<16xf32>
        %max3A_1287 = arith.maximumf %scan3A_1210, %max3A_1286 : vector<16xf32>
        %get3A_1288 = arith.index_cast %add3A_1275 : i32 to index
        %get3A_1289 = arith.constant 16 : index
        %get3A_1290 = tpu.vector_load %arg11[%get3A_1288, %get3A_1289] {strides = array<i32>} : memref<800x64xf32, #tpu.memory_space<vmem>>, vector<1x16xf32>,
        %get3A_1291 = vector.shape_cast %get3A_1290 : vector<1x16xf32> to vector<16xf32>
        %add3A_1292 = arith.constant 1 : i32
        %add3A_1293 = arith.addi %add3A_1275, %add3A_1292 : i32
        %get3A_1294 = arith.index_cast %add3A_1293 : i32 to index
        %get3A_1295 = arith.constant 16 : index
        %get3A_1296 = tpu.vector_load %arg11[%get3A_1294, %get3A_1295] {strides = array<i32>} : memref<800x64xf32, #tpu.memory_space<vmem>>, vector<1x16xf32>,
        %get3A_1297 = vector.shape_cast %get3A_1296 : vector<1x16xf32> to vector<16xf32>
        %max3A_1298 = arith.maximumf %get3A_1291, %get3A_1297 : vector<16xf32>
        %max3A_1299 = arith.maximumf %scan3A_1211, %max3A_1298 : vector<16xf32>
        %get3A_1300 = arith.index_cast %add3A_1275 : i32 to index
        %get3A_1301 = arith.constant 32 : index
        %get3A_1302 = tpu.vector_load %arg11[%get3A_1300, %get3A_1301] {strides = array<i32>} : memref<800x64xf32, #tpu.memory_space<vmem>>, vector<1x16xf32>,
        %get3A_1303 = vector.shape_cast %get3A_1302 : vector<1x16xf32> to vector<16xf32>
        %add3A_1304 = arith.constant 1 : i32
        %add3A_1305 = arith.addi %add3A_1275, %add3A_1304 : i32
        %get3A_1306 = arith.index_cast %add3A_1305 : i32 to index
        %get3A_1307 = arith.constant 32 : index
        %get3A_1308 = tpu.vector_load %arg11[%get3A_1306, %get3A_1307] {strides = array<i32>} : memref<800x64xf32, #tpu.memory_space<vmem>>, vector<1x16xf32>,
        %get3A_1309 = vector.shape_cast %get3A_1308 : vector<1x16xf32> to vector<16xf32>
        %max3A_1310 = arith.maximumf %get3A_1303, %get3A_1309 : vector<16xf32>
        %max3A_1311 = arith.maximumf %scan3A_1212, %max3A_1310 : vector<16xf32>
        %get3A_1312 = arith.index_cast %add3A_1275 : i32 to index
        %get3A_1313 = arith.constant 48 : index
        %get3A_1314 = tpu.vector_load %arg11[%get3A_1312, %get3A_1313] {strides = array<i32>} : memref<800x64xf32, #tpu.memory_space<vmem>>, vector<1x16xf32>,
        %get3A_1315 = vector.shape_cast %get3A_1314 : vector<1x16xf32> to vector<16xf32>
        %add3A_1316 = arith.constant 1 : i32
        %add3A_1317 = arith.addi %add3A_1275, %add3A_1316 : i32
        %get3A_1318 = arith.index_cast %add3A_1317 : i32 to index
        %get3A_1319 = arith.constant 48 : index
        %get3A_1320 = tpu.vector_load %arg11[%get3A_1318, %get3A_1319] {strides = array<i32>} : memref<800x64xf32, #tpu.memory_space<vmem>>, vector<1x16xf32>,
        %get3A_1321 = vector.shape_cast %get3A_1320 : vector<1x16xf32> to vector<16xf32>
        %max3A_1322 = arith.maximumf %get3A_1315, %get3A_1321 : vector<16xf32>
        %max3A_1323 = arith.maximumf %scan3A_1213, %max3A_1322 : vector<16xf32>
        %mul3A_1324 = arith.constant 2 : i32
        %mul3A_1325 = arith.muli %mul3A_1324, %scan3A_1205 : i32
        %add3A_1326 = arith.constant 400 : i32
        %add3A_1327 = arith.addi %add3A_1326, %mul3A_1325 : i32
        %get3A_1328 = arith.index_cast %add3A_1327 : i32 to index
        %get3A_1329 = arith.constant 0 : index
        %get3A_1330 = tpu.vector_load %arg11[%get3A_1328, %get3A_1329] {strides = array<i32>} : memref<800x64xf32, #tpu.memory_space<vmem>>, vector<1x16xf32>,
        %get3A_1331 = vector.shape_cast %get3A_1330 : vector<1x16xf32> to vector<16xf32>
        %add3A_1332 = arith.constant 1 : i32
        %add3A_1333 = arith.addi %add3A_1327, %add3A_1332 : i32
        %get3A_1334 = arith.index_cast %add3A_1333 : i32 to index
        %get3A_1335 = arith.constant 0 : index
        %get3A_1336 = tpu.vector_load %arg11[%get3A_1334, %get3A_1335] {strides = array<i32>} : memref<800x64xf32, #tpu.memory_space<vmem>>, vector<1x16xf32>,
        %get3A_1337 = vector.shape_cast %get3A_1336 : vector<1x16xf32> to vector<16xf32>
        %max3A_1338 = arith.maximumf %get3A_1331, %get3A_1337 : vector<16xf32>
        %max3A_1339 = arith.maximumf %scan3A_1214, %max3A_1338 : vector<16xf32>
        %get3A_1340 = arith.index_cast %add3A_1327 : i32 to index
        %get3A_1341 = arith.constant 16 : index
        %get3A_1342 = tpu.vector_load %arg11[%get3A_1340, %get3A_1341] {strides = array<i32>} : memref<800x64xf32, #tpu.memory_space<vmem>>, vector<1x16xf32>,
        %get3A_1343 = vector.shape_cast %get3A_1342 : vector<1x16xf32> to vector<16xf32>
        %add3A_1344 = arith.constant 1 : i32
        %add3A_1345 = arith.addi %add3A_1327, %add3A_1344 : i32
        %get3A_1346 = arith.index_cast %add3A_1345 : i32 to index
        %get3A_1347 = arith.constant 16 : index
        %get3A_1348 = tpu.vector_load %arg11[%get3A_1346, %get3A_1347] {strides = array<i32>} : memref<800x64xf32, #tpu.memory_space<vmem>>, vector<1x16xf32>,
        %get3A_1349 = vector.shape_cast %get3A_1348 : vector<1x16xf32> to vector<16xf32>
        %max3A_1350 = arith.maximumf %get3A_1343, %get3A_1349 : vector<16xf32>
        %max3A_1351 = arith.maximumf %scan3A_1215, %max3A_1350 : vector<16xf32>
        %get3A_1352 = arith.index_cast %add3A_1327 : i32 to index
        %get3A_1353 = arith.constant 32 : index
        %get3A_1354 = tpu.vector_load %arg11[%get3A_1352, %get3A_1353] {strides = array<i32>} : memref<800x64xf32, #tpu.memory_space<vmem>>, vector<1x16xf32>,
        %get3A_1355 = vector.shape_cast %get3A_1354 : vector<1x16xf32> to vector<16xf32>
        %add3A_1356 = arith.constant 1 : i32
        %add3A_1357 = arith.addi %add3A_1327, %add3A_1356 : i32
        %get3A_1358 = arith.index_cast %add3A_1357 : i32 to index
        %get3A_1359 = arith.constant 32 : index
        %get3A_1360 = tpu.vector_load %arg11[%get3A_1358, %get3A_1359] {strides = array<i32>} : memref<800x64xf32, #tpu.memory_space<vmem>>, vector<1x16xf32>,
        %get3A_1361 = vector.shape_cast %get3A_1360 : vector<1x16xf32> to vector<16xf32>
        %max3A_1362 = arith.maximumf %get3A_1355, %get3A_1361 : vector<16xf32>
        %max3A_1363 = arith.maximumf %scan3A_1216, %max3A_1362 : vector<16xf32>
        %get3A_1364 = arith.index_cast %add3A_1327 : i32 to index
        %get3A_1365 = arith.constant 48 : index
        %get3A_1366 = tpu.vector_load %arg11[%get3A_1364, %get3A_1365] {strides = array<i32>} : memref<800x64xf32, #tpu.memory_space<vmem>>, vector<1x16xf32>,
        %get3A_1367 = vector.shape_cast %get3A_1366 : vector<1x16xf32> to vector<16xf32>
        %add3A_1368 = arith.constant 1 : i32
        %add3A_1369 = arith.addi %add3A_1327, %add3A_1368 : i32
        %get3A_1370 = arith.index_cast %add3A_1369 : i32 to index
        %get3A_1371 = arith.constant 48 : index
        %get3A_1372 = tpu.vector_load %arg11[%get3A_1370, %get3A_1371] {strides = array<i32>} : memref<800x64xf32, #tpu.memory_space<vmem>>, vector<1x16xf32>,
        %get3A_1373 = vector.shape_cast %get3A_1372 : vector<1x16xf32> to vector<16xf32>
        %max3A_1374 = arith.maximumf %get3A_1367, %get3A_1373 : vector<16xf32>
        %max3A_1375 = arith.maximumf %scan3A_1217, %max3A_1374 : vector<16xf32>
        %mul3A_1376 = arith.constant 2 : i32
        %mul3A_1377 = arith.muli %mul3A_1376, %scan3A_1205 : i32
        %add3A_1378 = arith.constant 600 : i32
        %add3A_1379 = arith.addi %add3A_1378, %mul3A_1377 : i32
        %get3A_1380 = arith.index_cast %add3A_1379 : i32 to index
        %get3A_1381 = arith.constant 0 : index
        %get3A_1382 = tpu.vector_load %arg11[%get3A_1380, %get3A_1381] {strides = array<i32>} : memref<800x64xf32, #tpu.memory_space<vmem>>, vector<1x16xf32>,
        %get3A_1383 = vector.shape_cast %get3A_1382 : vector<1x16xf32> to vector<16xf32>
        %add3A_1384 = arith.constant 1 : i32
        %add3A_1385 = arith.addi %add3A_1379, %add3A_1384 : i32
        %get3A_1386 = arith.index_cast %add3A_1385 : i32 to index
        %get3A_1387 = arith.constant 0 : index
        %get3A_1388 = tpu.vector_load %arg11[%get3A_1386, %get3A_1387] {strides = array<i32>} : memref<800x64xf32, #tpu.memory_space<vmem>>, vector<1x16xf32>,
        %get3A_1389 = vector.shape_cast %get3A_1388 : vector<1x16xf32> to vector<16xf32>
        %max3A_1390 = arith.maximumf %get3A_1383, %get3A_1389 : vector<16xf32>
        %max3A_1391 = arith.maximumf %scan3A_1218, %max3A_1390 : vector<16xf32>
        %get3A_1392 = arith.index_cast %add3A_1379 : i32 to index
        %get3A_1393 = arith.constant 16 : index
        %get3A_1394 = tpu.vector_load %arg11[%get3A_1392, %get3A_1393] {strides = array<i32>} : memref<800x64xf32, #tpu.memory_space<vmem>>, vector<1x16xf32>,
        %get3A_1395 = vector.shape_cast %get3A_1394 : vector<1x16xf32> to vector<16xf32>
        %add3A_1396 = arith.constant 1 : i32
        %add3A_1397 = arith.addi %add3A_1379, %add3A_1396 : i32
        %get3A_1398 = arith.index_cast %add3A_1397 : i32 to index
        %get3A_1399 = arith.constant 16 : index
        %get3A_1400 = tpu.vector_load %arg11[%get3A_1398, %get3A_1399] {strides = array<i32>} : memref<800x64xf32, #tpu.memory_space<vmem>>, vector<1x16xf32>,
        %get3A_1401 = vector.shape_cast %get3A_1400 : vector<1x16xf32> to vector<16xf32>
        %max3A_1402 = arith.maximumf %get3A_1395, %get3A_1401 : vector<16xf32>
        %max3A_1403 = arith.maximumf %scan3A_1219, %max3A_1402 : vector<16xf32>
        %get3A_1404 = arith.index_cast %add3A_1379 : i32 to index
        %get3A_1405 = arith.constant 32 : index
        %get3A_1406 = tpu.vector_load %arg11[%get3A_1404, %get3A_1405] {strides = array<i32>} : memref<800x64xf32, #tpu.memory_space<vmem>>, vector<1x16xf32>,
        %get3A_1407 = vector.shape_cast %get3A_1406 : vector<1x16xf32> to vector<16xf32>
        %add3A_1408 = arith.constant 1 : i32
        %add3A_1409 = arith.addi %add3A_1379, %add3A_1408 : i32
        %get3A_1410 = arith.index_cast %add3A_1409 : i32 to index
        %get3A_1411 = arith.constant 32 : index
        %get3A_1412 = tpu.vector_load %arg11[%get3A_1410, %get3A_1411] {strides = array<i32>} : memref<800x64xf32, #tpu.memory_space<vmem>>, vector<1x16xf32>,
        %get3A_1413 = vector.shape_cast %get3A_1412 : vector<1x16xf32> to vector<16xf32>
        %max3A_1414 = arith.maximumf %get3A_1407, %get3A_1413 : vector<16xf32>
        %max3A_1415 = arith.maximumf %scan3A_1220, %max3A_1414 : vector<16xf32>
        %get3A_1416 = arith.index_cast %add3A_1379 : i32 to index
        %get3A_1417 = arith.constant 48 : index
        %get3A_1418 = tpu.vector_load %arg11[%get3A_1416, %get3A_1417] {strides = array<i32>} : memref<800x64xf32, #tpu.memory_space<vmem>>, vector<1x16xf32>,
        %get3A_1419 = vector.shape_cast %get3A_1418 : vector<1x16xf32> to vector<16xf32>
        %add3A_1420 = arith.constant 1 : i32
        %add3A_1421 = arith.addi %add3A_1379, %add3A_1420 : i32
        %get3A_1422 = arith.index_cast %add3A_1421 : i32 to index
        %get3A_1423 = arith.constant 48 : index
        %get3A_1424 = tpu.vector_load %arg11[%get3A_1422, %get3A_1423] {strides = array<i32>} : memref<800x64xf32, #tpu.memory_space<vmem>>, vector<1x16xf32>,
        %get3A_1425 = vector.shape_cast %get3A_1424 : vector<1x16xf32> to vector<16xf32>
        %max3A_1426 = arith.maximumf %get3A_1419, %get3A_1425 : vector<16xf32>
        %max3A_1427 = arith.maximumf %scan3A_1221, %max3A_1426 : vector<16xf32>
        scf.yield %max3A_1235, %max3A_1247, %max3A_1259, %max3A_1271, %max3A_1287, %max3A_1299, %max3A_1311, %max3A_1323, %max3A_1339, %max3A_1351, %max3A_1363, %max3A_1375, %max3A_1391, %max3A_1403, %max3A_1415, %max3A_1427 : vector<16xf32>, vector<16xf32>, vector<16xf32>, vector<16xf32>, vector<16xf32>, vector<16xf32>, vector<16xf32>, vector<16xf32>, vector<16xf32>, vector<16xf32>, vector<16xf32>, vector<16xf32>, vector<16xf32>, vector<16xf32>, vector<16xf32>, vector<16xf32>
      }
      %scan3A_1083 = arith.constant 100 : i32
      %and3A_1084 = arith.constant 63 : i32
      %and3A_1085 = arith.andi %add3A_891, %and3A_1084 : i32
      %mul3A_1086 = arith.constant 2 : i32
      %mul3A_1087 = arith.muli %and3A_1085, %mul3A_1086 : i32
      %add3A_1088 = arith.constant 0 : i32
      %add3A_1089 = arith.addi %mul3A_1087, %add3A_1088 : i32
      %swap3A_1090 = arith.index_cast %add3A_1089 : i32 to index
      %swap3A_1091 = arith.constant 0 : index
      %swap3A_1092 = tpu.vector_load %arg12[%swap3A_1090, %swap3A_1091] {strides = array<i32>} : memref<128x128xf32, #tpu.memory_space<vmem>>, vector<1x16xf32>,
      %swap3A_1093 = vector.shape_cast %swap3A_1092 : vector<1x16xf32> to vector<16xf32>
      %swap3A_1094 = vector.shape_cast %scan3A_1082#0 : vector<16xf32> to vector<1x16xf32>
      tpu.vector_store %arg12[%swap3A_1090, %swap3A_1091], %swap3A_1094 {strides = array<i32>} : memref<128x128xf32, #tpu.memory_space<vmem>>, vector<1x16xf32>,
      %add3A_1095 = arith.constant 0 : i32
      %add3A_1096 = arith.addi %mul3A_1087, %add3A_1095 : i32
      %swap3A_1097 = arith.index_cast %add3A_1096 : i32 to index
      %swap3A_1098 = arith.constant 16 : index
      %swap3A_1099 = tpu.vector_load %arg12[%swap3A_1097, %swap3A_1098] {strides = array<i32>} : memref<128x128xf32, #tpu.memory_space<vmem>>, vector<1x16xf32>,
      %swap3A_1100 = vector.shape_cast %swap3A_1099 : vector<1x16xf32> to vector<16xf32>
      %swap3A_1101 = vector.shape_cast %scan3A_1082#1 : vector<16xf32> to vector<1x16xf32>
      tpu.vector_store %arg12[%swap3A_1097, %swap3A_1098], %swap3A_1101 {strides = array<i32>} : memref<128x128xf32, #tpu.memory_space<vmem>>, vector<1x16xf32>,
      %add3A_1102 = arith.constant 0 : i32
      %add3A_1103 = arith.addi %mul3A_1087, %add3A_1102 : i32
      %swap3A_1104 = arith.index_cast %add3A_1103 : i32 to index
      %swap3A_1105 = arith.constant 32 : index
      %swap3A_1106 = tpu.vector_load %arg12[%swap3A_1104, %swap3A_1105] {strides = array<i32>} : memref<128x128xf32, #tpu.memory_space<vmem>>, vector<1x16xf32>,
      %swap3A_1107 = vector.shape_cast %swap3A_1106 : vector<1x16xf32> to vector<16xf32>
      %swap3A_1108 = vector.shape_cast %scan3A_1082#2 : vector<16xf32> to vector<1x16xf32>
      tpu.vector_store %arg12[%swap3A_1104, %swap3A_1105], %swap3A_1108 {strides = array<i32>} : memref<128x128xf32, #tpu.memory_space<vmem>>, vector<1x16xf32>,
      %add3A_1109 = arith.constant 0 : i32
      %add3A_1110 = arith.addi %mul3A_1087, %add3A_1109 : i32
      %swap3A_1111 = arith.index_cast %add3A_1110 : i32 to index
      %swap3A_1112 = arith.constant 48 : index
      %swap3A_1113 = tpu.vector_load %arg12[%swap3A_1111, %swap3A_1112] {strides = array<i32>} : memref<128x128xf32, #tpu.memory_space<vmem>>, vector<1x16xf32>,
      %swap3A_1114 = vector.shape_cast %swap3A_1113 : vector<1x16xf32> to vector<16xf32>
      %swap3A_1115 = vector.shape_cast %scan3A_1082#3 : vector<16xf32> to vector<1x16xf32>
      tpu.vector_store %arg12[%swap3A_1111, %swap3A_1112], %swap3A_1115 {strides = array<i32>} : memref<128x128xf32, #tpu.memory_space<vmem>>, vector<1x16xf32>,
      %add3A_1116 = arith.constant 0 : i32
      %add3A_1117 = arith.addi %mul3A_1087, %add3A_1116 : i32
      %swap3A_1118 = arith.index_cast %add3A_1117 : i32 to index
      %swap3A_1119 = arith.constant 64 : index
      %swap3A_1120 = tpu.vector_load %arg12[%swap3A_1118, %swap3A_1119] {strides = array<i32>} : memref<128x128xf32, #tpu.memory_space<vmem>>, vector<1x16xf32>,
      %swap3A_1121 = vector.shape_cast %swap3A_1120 : vector<1x16xf32> to vector<16xf32>
      %swap3A_1122 = vector.shape_cast %scan3A_1082#4 : vector<16xf32> to vector<1x16xf32>
      tpu.vector_store %arg12[%swap3A_1118, %swap3A_1119], %swap3A_1122 {strides = array<i32>} : memref<128x128xf32, #tpu.memory_space<vmem>>, vector<1x16xf32>,
      %add3A_1123 = arith.constant 0 : i32
      %add3A_1124 = arith.addi %mul3A_1087, %add3A_1123 : i32
      %swap3A_1125 = arith.index_cast %add3A_1124 : i32 to index
      %swap3A_1126 = arith.constant 80 : index
      %swap3A_1127 = tpu.vector_load %arg12[%swap3A_1125, %swap3A_1126] {strides = array<i32>} : memref<128x128xf32, #tpu.memory_space<vmem>>, vector<1x16xf32>,
      %swap3A_1128 = vector.shape_cast %swap3A_1127 : vector<1x16xf32> to vector<16xf32>
      %swap3A_1129 = vector.shape_cast %scan3A_1082#5 : vector<16xf32> to vector<1x16xf32>
      tpu.vector_store %arg12[%swap3A_1125, %swap3A_1126], %swap3A_1129 {strides = array<i32>} : memref<128x128xf32, #tpu.memory_space<vmem>>, vector<1x16xf32>,
      %add3A_1130 = arith.constant 0 : i32
      %add3A_1131 = arith.addi %mul3A_1087, %add3A_1130 : i32
      %swap3A_1132 = arith.index_cast %add3A_1131 : i32 to index
      %swap3A_1133 = arith.constant 96 : index
      %swap3A_1134 = tpu.vector_load %arg12[%swap3A_1132, %swap3A_1133] {strides = array<i32>} : memref<128x128xf32, #tpu.memory_space<vmem>>, vector<1x16xf32>,
      %swap3A_1135 = vector.shape_cast %swap3A_1134 : vector<1x16xf32> to vector<16xf32>
      %swap3A_1136 = vector.shape_cast %scan3A_1082#6 : vector<16xf32> to vector<1x16xf32>
      tpu.vector_store %arg12[%swap3A_1132, %swap3A_1133], %swap3A_1136 {strides = array<i32>} : memref<128x128xf32, #tpu.memory_space<vmem>>, vector<1x16xf32>,
      %add3A_1137 = arith.constant 0 : i32
      %add3A_1138 = arith.addi %mul3A_1087, %add3A_1137 : i32
      %swap3A_1139 = arith.index_cast %add3A_1138 : i32 to index
      %swap3A_1140 = arith.constant 112 : index
      %swap3A_1141 = tpu.vector_load %arg12[%swap3A_1139, %swap3A_1140] {strides = array<i32>} : memref<128x128xf32, #tpu.memory_space<vmem>>, vector<1x16xf32>,
      %swap3A_1142 = vector.shape_cast %swap3A_1141 : vector<1x16xf32> to vector<16xf32>
      %swap3A_1143 = vector.shape_cast %scan3A_1082#7 : vector<16xf32> to vector<1x16xf32>
      tpu.vector_store %arg12[%swap3A_1139, %swap3A_1140], %swap3A_1143 {strides = array<i32>} : memref<128x128xf32, #tpu.memory_space<vmem>>, vector<1x16xf32>,
      %add3A_1144 = arith.constant 1 : i32
      %add3A_1145 = arith.addi %mul3A_1087, %add3A_1144 : i32
      %swap3A_1146 = arith.index_cast %add3A_1145 : i32 to index
      %swap3A_1147 = arith.constant 0 : index
      %swap3A_1148 = tpu.vector_load %arg12[%swap3A_1146, %swap3A_1147] {strides = array<i32>} : memref<128x128xf32, #tpu.memory_space<vmem>>, vector<1x16xf32>,
      %swap3A_1149 = vector.shape_cast %swap3A_1148 : vector<1x16xf32> to vector<16xf32>
      %swap3A_1150 = vector.shape_cast %scan3A_1082#8 : vector<16xf32> to vector<1x16xf32>
      tpu.vector_store %arg12[%swap3A_1146, %swap3A_1147], %swap3A_1150 {strides = array<i32>} : memref<128x128xf32, #tpu.memory_space<vmem>>, vector<1x16xf32>,
      %add3A_1151 = arith.constant 1 : i32
      %add3A_1152 = arith.addi %mul3A_1087, %add3A_1151 : i32
      %swap3A_1153 = arith.index_cast %add3A_1152 : i32 to index
      %swap3A_1154 = arith.constant 16 : index
      %swap3A_1155 = tpu.vector_load %arg12[%swap3A_1153, %swap3A_1154] {strides = array<i32>} : memref<128x128xf32, #tpu.memory_space<vmem>>, vector<1x16xf32>,
      %swap3A_1156 = vector.shape_cast %swap3A_1155 : vector<1x16xf32> to vector<16xf32>
      %swap3A_1157 = vector.shape_cast %scan3A_1082#9 : vector<16xf32> to vector<1x16xf32>
      tpu.vector_store %arg12[%swap3A_1153, %swap3A_1154], %swap3A_1157 {strides = array<i32>} : memref<128x128xf32, #tpu.memory_space<vmem>>, vector<1x16xf32>,
      %add3A_1158 = arith.constant 1 : i32
      %add3A_1159 = arith.addi %mul3A_1087, %add3A_1158 : i32
      %swap3A_1160 = arith.index_cast %add3A_1159 : i32 to index
      %swap3A_1161 = arith.constant 32 : index
      %swap3A_1162 = tpu.vector_load %arg12[%swap3A_1160, %swap3A_1161] {strides = array<i32>} : memref<128x128xf32, #tpu.memory_space<vmem>>, vector<1x16xf32>,
      %swap3A_1163 = vector.shape_cast %swap3A_1162 : vector<1x16xf32> to vector<16xf32>
      %swap3A_1164 = vector.shape_cast %scan3A_1082#10 : vector<16xf32> to vector<1x16xf32>
      tpu.vector_store %arg12[%swap3A_1160, %swap3A_1161], %swap3A_1164 {strides = array<i32>} : memref<128x128xf32, #tpu.memory_space<vmem>>, vector<1x16xf32>,
      %add3A_1165 = arith.constant 1 : i32
      %add3A_1166 = arith.addi %mul3A_1087, %add3A_1165 : i32
      %swap3A_1167 = arith.index_cast %add3A_1166 : i32 to index
      %swap3A_1168 = arith.constant 48 : index
      %swap3A_1169 = tpu.vector_load %arg12[%swap3A_1167, %swap3A_1168] {strides = array<i32>} : memref<128x128xf32, #tpu.memory_space<vmem>>, vector<1x16xf32>,
      %swap3A_1170 = vector.shape_cast %swap3A_1169 : vector<1x16xf32> to vector<16xf32>
      %swap3A_1171 = vector.shape_cast %scan3A_1082#11 : vector<16xf32> to vector<1x16xf32>
      tpu.vector_store %arg12[%swap3A_1167, %swap3A_1168], %swap3A_1171 {strides = array<i32>} : memref<128x128xf32, #tpu.memory_space<vmem>>, vector<1x16xf32>,
      %add3A_1172 = arith.constant 1 : i32
      %add3A_1173 = arith.addi %mul3A_1087, %add3A_1172 : i32
      %swap3A_1174 = arith.index_cast %add3A_1173 : i32 to index
      %swap3A_1175 = arith.constant 64 : index
      %swap3A_1176 = tpu.vector_load %arg12[%swap3A_1174, %swap3A_1175] {strides = array<i32>} : memref<128x128xf32, #tpu.memory_space<vmem>>, vector<1x16xf32>,
      %swap3A_1177 = vector.shape_cast %swap3A_1176 : vector<1x16xf32> to vector<16xf32>
      %swap3A_1178 = vector.shape_cast %scan3A_1082#12 : vector<16xf32> to vector<1x16xf32>
      tpu.vector_store %arg12[%swap3A_1174, %swap3A_1175], %swap3A_1178 {strides = array<i32>} : memref<128x128xf32, #tpu.memory_space<vmem>>, vector<1x16xf32>,
      %add3A_1179 = arith.constant 1 : i32
      %add3A_1180 = arith.addi %mul3A_1087, %add3A_1179 : i32
      %swap3A_1181 = arith.index_cast %add3A_1180 : i32 to index
      %swap3A_1182 = arith.constant 80 : index
      %swap3A_1183 = tpu.vector_load %arg12[%swap3A_1181, %swap3A_1182] {strides = array<i32>} : memref<128x128xf32, #tpu.memory_space<vmem>>, vector<1x16xf32>,
      %swap3A_1184 = vector.shape_cast %swap3A_1183 : vector<1x16xf32> to vector<16xf32>
      %swap3A_1185 = vector.shape_cast %scan3A_1082#13 : vector<16xf32> to vector<1x16xf32>
      tpu.vector_store %arg12[%swap3A_1181, %swap3A_1182], %swap3A_1185 {strides = array<i32>} : memref<128x128xf32, #tpu.memory_space<vmem>>, vector<1x16xf32>,
      %add3A_1186 = arith.constant 1 : i32
      %add3A_1187 = arith.addi %mul3A_1087, %add3A_1186 : i32
      %swap3A_1188 = arith.index_cast %add3A_1187 : i32 to index
      %swap3A_1189 = arith.constant 96 : index
      %swap3A_1190 = tpu.vector_load %arg12[%swap3A_1188, %swap3A_1189] {strides = array<i32>} : memref<128x128xf32, #tpu.memory_space<vmem>>, vector<1x16xf32>,
      %swap3A_1191 = vector.shape_cast %swap3A_1190 : vector<1x16xf32> to vector<16xf32>
      %swap3A_1192 = vector.shape_cast %scan3A_1082#14 : vector<16xf32> to vector<1x16xf32>
      tpu.vector_store %arg12[%swap3A_1188, %swap3A_1189], %swap3A_1192 {strides = array<i32>} : memref<128x128xf32, #tpu.memory_space<vmem>>, vector<1x16xf32>,
      %add3A_1193 = arith.constant 1 : i32
      %add3A_1194 = arith.addi %mul3A_1087, %add3A_1193 : i32
      %swap3A_1195 = arith.index_cast %add3A_1194 : i32 to index
      %swap3A_1196 = arith.constant 112 : index
      %swap3A_1197 = tpu.vector_load %arg12[%swap3A_1195, %swap3A_1196] {strides = array<i32>} : memref<128x128xf32, #tpu.memory_space<vmem>>, vector<1x16xf32>,
      %swap3A_1198 = vector.shape_cast %swap3A_1197 : vector<1x16xf32> to vector<16xf32>
      %swap3A_1199 = vector.shape_cast %scan3A_1082#15 : vector<16xf32> to vector<1x16xf32>
      tpu.vector_store %arg12[%swap3A_1195, %swap3A_1196], %swap3A_1199 {strides = array<i32>} : memref<128x128xf32, #tpu.memory_space<vmem>>, vector<1x16xf32>,
      %eq3A_1200 = arith.constant 63 : i32
      %eq3A_1201 = arith.cmpi eq, %add3A_891, %eq3A_1200 : i32
      %convert_element_type3A_1202 = arith.extui %eq3A_1201 : i1 to i32
      %cond3A_1203 = arith.constant 0 : i32
      %cond3A_1204 = arith.cmpi ne, %convert_element_type3A_1202, %cond3A_1203 : i32
      scf.if %cond3A_1204 {
        %mul3A_1205 = arith.constant 256 : i32
        %mul3A_1206 = arith.muli %add3A, %mul3A_1205 : i32
        "tpu.region"() ({
          %run_scoped3A = tpu.sem_alloc : memref<!tpu.dma_semaphore, #tpu.memory_space<semaphore_mem>>
          %dma_start3A_1207 = arith.constant 0 : i32
          %dma_start3A_1208 = tpu.memref_slice %arg5[%mul3A_1206, %dma_start3A_1207] : memref<8192x128xf32, #tpu.memory_space<hbm>> -> memref<128x128xf32, #tpu.memory_space<hbm>>
          %dma_start3A_1209 = arith.constant 0 : i32
          %dma_start3A_1210 = tpu.memref_slice %arg5[%mul3A_1206, %dma_start3A_1209] : memref<8192x128xf32, #tpu.memory_space<hbm>> -> memref<128x128xf32, #tpu.memory_space<hbm>>
          tpu.enqueue_dma source(%arg12 : memref<128x128xf32, #tpu.memory_space<vmem>>) target(%dma_start3A_1210 : memref<128x128xf32, #tpu.memory_space<hbm>>) target_semaphore(%run_scoped3A : memref<!tpu.dma_semaphore, #tpu.memory_space<semaphore_mem>>)
          %dma_wait3A_1211 = arith.constant 0 : i32
          %dma_wait3A_1212 = tpu.memref_slice %arg5[%mul3A_1206, %dma_wait3A_1211] : memref<8192x128xf32, #tpu.memory_space<hbm>> -> memref<128x128xf32, #tpu.memory_space<hbm>>
          %dma_wait3A_1213 = arith.constant 0 : i32
          %dma_wait3A_1214 = tpu.memref_slice %arg5[%mul3A_1206, %dma_wait3A_1213] : memref<8192x128xf32, #tpu.memory_space<hbm>> -> memref<128x128xf32, #tpu.memory_space<hbm>>
          tpu.wait_dma2 semaphore(%run_scoped3A : memref<!tpu.dma_semaphore, #tpu.memory_space<semaphore_mem>>) src(%arg12 : memref<128x128xf32, #tpu.memory_space<vmem>>) dst(%dma_wait3A_1214 : memref<128x128xf32, #tpu.memory_space<hbm>>)
          tpu.yield
        }) : () -> ()
      } else {
      }
    }
    %scan3A_116 = arith.constant 63 : i32
    %dma_wait3A_117 = arith.constant 0 : i32
    %dma_wait3A_118 = arith.constant 0 : i32
    %dma_wait3A_119 = arith.constant 0 : i32
    %dma_wait3A_120 = tpu.memref_slice %arg10[%dma_wait3A_118, %dma_wait3A_119] : memref<800x64xf32, #tpu.memory_space<vmem>> -> memref<128x64xf32, #tpu.memory_space<vmem>>
    %dma_wait3A_121 = arith.constant 0 : i32
    %dma_wait3A_122 = tpu.memref_slice %arg6[%dma_wait3A_117, %dma_wait3A_121] : memref<4x128xi32, #tpu.memory_space<vmem>> -> memref<1x128xi32, #tpu.memory_space<vmem>>
    %dma_wait3A_123 = tpu.memref_squeeze %dma_wait3A_122 : memref<1x128xi32, #tpu.memory_space<vmem>> -> memref<128xi32, #tpu.memory_space<vmem>>
    %dma_wait3A_124 = arith.constant 0 : i32
    %dma_wait3A_125 = arith.constant 0 : i32
    %dma_wait3A_126 = tpu.memref_slice %arg4[%dma_wait3A_124, %dma_wait3A_125] : memref<2000000x64xf32, #tpu.memory_space<hbm>> -> memref<2000000x64xf32, #tpu.memory_space<hbm>>
    tpu.wait_indirect_dma semaphore(%arg13 : memref<!tpu.dma_semaphore, #tpu.memory_space<semaphore_mem>>) src(%dma_wait3A_126 : memref<2000000x64xf32, #tpu.memory_space<hbm>>) dst(%dma_wait3A_120 : memref<128x64xf32, #tpu.memory_space<vmem>>)
    %dma_wait3A_127 = arith.constant 0 : i32
    %dma_wait3A_128 = arith.constant 128 : i32
    %dma_wait3A_129 = arith.constant 0 : i32
    %dma_wait3A_130 = tpu.memref_slice %arg10[%dma_wait3A_128, %dma_wait3A_129] : memref<800x64xf32, #tpu.memory_space<vmem>> -> memref<72x64xf32, #tpu.memory_space<vmem>>
    %dma_wait3A_131 = arith.constant 0 : i32
    %dma_wait3A_132 = tpu.memref_slice %arg8[%dma_wait3A_127, %dma_wait3A_131] : memref<4x128xi32, #tpu.memory_space<vmem>> -> memref<1x72xi32, #tpu.memory_space<vmem>>
    %dma_wait3A_133 = tpu.memref_squeeze %dma_wait3A_132 : memref<1x72xi32, #tpu.memory_space<vmem>> -> memref<72xi32, #tpu.memory_space<vmem>>
    %dma_wait3A_134 = arith.constant 0 : i32
    %dma_wait3A_135 = arith.constant 0 : i32
    %dma_wait3A_136 = tpu.memref_slice %arg4[%dma_wait3A_134, %dma_wait3A_135] : memref<2000000x64xf32, #tpu.memory_space<hbm>> -> memref<2000000x64xf32, #tpu.memory_space<hbm>>
    tpu.wait_indirect_dma semaphore(%arg13 : memref<!tpu.dma_semaphore, #tpu.memory_space<semaphore_mem>>) src(%dma_wait3A_136 : memref<2000000x64xf32, #tpu.memory_space<hbm>>) dst(%dma_wait3A_130 : memref<72x64xf32, #tpu.memory_space<vmem>>)
    %dma_wait3A_137 = arith.constant 1 : i32
    %dma_wait3A_138 = arith.constant 200 : i32
    %dma_wait3A_139 = arith.constant 0 : i32
    %dma_wait3A_140 = tpu.memref_slice %arg10[%dma_wait3A_138, %dma_wait3A_139] : memref<800x64xf32, #tpu.memory_space<vmem>> -> memref<128x64xf32, #tpu.memory_space<vmem>>
    %dma_wait3A_141 = arith.constant 0 : i32
    %dma_wait3A_142 = tpu.memref_slice %arg6[%dma_wait3A_137, %dma_wait3A_141] : memref<4x128xi32, #tpu.memory_space<vmem>> -> memref<1x128xi32, #tpu.memory_space<vmem>>
    %dma_wait3A_143 = tpu.memref_squeeze %dma_wait3A_142 : memref<1x128xi32, #tpu.memory_space<vmem>> -> memref<128xi32, #tpu.memory_space<vmem>>
    %dma_wait3A_144 = arith.constant 0 : i32
    %dma_wait3A_145 = arith.constant 0 : i32
    %dma_wait3A_146 = tpu.memref_slice %arg4[%dma_wait3A_144, %dma_wait3A_145] : memref<2000000x64xf32, #tpu.memory_space<hbm>> -> memref<2000000x64xf32, #tpu.memory_space<hbm>>
    tpu.wait_indirect_dma semaphore(%arg13 : memref<!tpu.dma_semaphore, #tpu.memory_space<semaphore_mem>>) src(%dma_wait3A_146 : memref<2000000x64xf32, #tpu.memory_space<hbm>>) dst(%dma_wait3A_140 : memref<128x64xf32, #tpu.memory_space<vmem>>)
    %dma_wait3A_147 = arith.constant 1 : i32
    %dma_wait3A_148 = arith.constant 328 : i32
    %dma_wait3A_149 = arith.constant 0 : i32
    %dma_wait3A_150 = tpu.memref_slice %arg10[%dma_wait3A_148, %dma_wait3A_149] : memref<800x64xf32, #tpu.memory_space<vmem>> -> memref<72x64xf32, #tpu.memory_space<vmem>>
    %dma_wait3A_151 = arith.constant 0 : i32
    %dma_wait3A_152 = tpu.memref_slice %arg8[%dma_wait3A_147, %dma_wait3A_151] : memref<4x128xi32, #tpu.memory_space<vmem>> -> memref<1x72xi32, #tpu.memory_space<vmem>>
    %dma_wait3A_153 = tpu.memref_squeeze %dma_wait3A_152 : memref<1x72xi32, #tpu.memory_space<vmem>> -> memref<72xi32, #tpu.memory_space<vmem>>
    %dma_wait3A_154 = arith.constant 0 : i32
    %dma_wait3A_155 = arith.constant 0 : i32
    %dma_wait3A_156 = tpu.memref_slice %arg4[%dma_wait3A_154, %dma_wait3A_155] : memref<2000000x64xf32, #tpu.memory_space<hbm>> -> memref<2000000x64xf32, #tpu.memory_space<hbm>>
    tpu.wait_indirect_dma semaphore(%arg13 : memref<!tpu.dma_semaphore, #tpu.memory_space<semaphore_mem>>) src(%dma_wait3A_156 : memref<2000000x64xf32, #tpu.memory_space<hbm>>) dst(%dma_wait3A_150 : memref<72x64xf32, #tpu.memory_space<vmem>>)
    %dma_wait3A_157 = arith.constant 2 : i32
    %dma_wait3A_158 = arith.constant 400 : i32
    %dma_wait3A_159 = arith.constant 0 : i32
    %dma_wait3A_160 = tpu.memref_slice %arg10[%dma_wait3A_158, %dma_wait3A_159] : memref<800x64xf32, #tpu.memory_space<vmem>> -> memref<128x64xf32, #tpu.memory_space<vmem>>
    %dma_wait3A_161 = arith.constant 0 : i32
    %dma_wait3A_162 = tpu.memref_slice %arg6[%dma_wait3A_157, %dma_wait3A_161] : memref<4x128xi32, #tpu.memory_space<vmem>> -> memref<1x128xi32, #tpu.memory_space<vmem>>
    %dma_wait3A_163 = tpu.memref_squeeze %dma_wait3A_162 : memref<1x128xi32, #tpu.memory_space<vmem>> -> memref<128xi32, #tpu.memory_space<vmem>>
    %dma_wait3A_164 = arith.constant 0 : i32
    %dma_wait3A_165 = arith.constant 0 : i32
    %dma_wait3A_166 = tpu.memref_slice %arg4[%dma_wait3A_164, %dma_wait3A_165] : memref<2000000x64xf32, #tpu.memory_space<hbm>> -> memref<2000000x64xf32, #tpu.memory_space<hbm>>
    tpu.wait_indirect_dma semaphore(%arg13 : memref<!tpu.dma_semaphore, #tpu.memory_space<semaphore_mem>>) src(%dma_wait3A_166 : memref<2000000x64xf32, #tpu.memory_space<hbm>>) dst(%dma_wait3A_160 : memref<128x64xf32, #tpu.memory_space<vmem>>)
    %dma_wait3A_167 = arith.constant 2 : i32
    %dma_wait3A_168 = arith.constant 528 : i32
    %dma_wait3A_169 = arith.constant 0 : i32
    %dma_wait3A_170 = tpu.memref_slice %arg10[%dma_wait3A_168, %dma_wait3A_169] : memref<800x64xf32, #tpu.memory_space<vmem>> -> memref<72x64xf32, #tpu.memory_space<vmem>>
    %dma_wait3A_171 = arith.constant 0 : i32
    %dma_wait3A_172 = tpu.memref_slice %arg8[%dma_wait3A_167, %dma_wait3A_171] : memref<4x128xi32, #tpu.memory_space<vmem>> -> memref<1x72xi32, #tpu.memory_space<vmem>>
    %dma_wait3A_173 = tpu.memref_squeeze %dma_wait3A_172 : memref<1x72xi32, #tpu.memory_space<vmem>> -> memref<72xi32, #tpu.memory_space<vmem>>
    %dma_wait3A_174 = arith.constant 0 : i32
    %dma_wait3A_175 = arith.constant 0 : i32
    %dma_wait3A_176 = tpu.memref_slice %arg4[%dma_wait3A_174, %dma_wait3A_175] : memref<2000000x64xf32, #tpu.memory_space<hbm>> -> memref<2000000x64xf32, #tpu.memory_space<hbm>>
    tpu.wait_indirect_dma semaphore(%arg13 : memref<!tpu.dma_semaphore, #tpu.memory_space<semaphore_mem>>) src(%dma_wait3A_176 : memref<2000000x64xf32, #tpu.memory_space<hbm>>) dst(%dma_wait3A_170 : memref<72x64xf32, #tpu.memory_space<vmem>>)
    %dma_wait3A_177 = arith.constant 3 : i32
    %dma_wait3A_178 = arith.constant 600 : i32
    %dma_wait3A_179 = arith.constant 0 : i32
    %dma_wait3A_180 = tpu.memref_slice %arg10[%dma_wait3A_178, %dma_wait3A_179] : memref<800x64xf32, #tpu.memory_space<vmem>> -> memref<128x64xf32, #tpu.memory_space<vmem>>
    %dma_wait3A_181 = arith.constant 0 : i32
    %dma_wait3A_182 = tpu.memref_slice %arg6[%dma_wait3A_177, %dma_wait3A_181] : memref<4x128xi32, #tpu.memory_space<vmem>> -> memref<1x128xi32, #tpu.memory_space<vmem>>
    %dma_wait3A_183 = tpu.memref_squeeze %dma_wait3A_182 : memref<1x128xi32, #tpu.memory_space<vmem>> -> memref<128xi32, #tpu.memory_space<vmem>>
    %dma_wait3A_184 = arith.constant 0 : i32
    %dma_wait3A_185 = arith.constant 0 : i32
    %dma_wait3A_186 = tpu.memref_slice %arg4[%dma_wait3A_184, %dma_wait3A_185] : memref<2000000x64xf32, #tpu.memory_space<hbm>> -> memref<2000000x64xf32, #tpu.memory_space<hbm>>
    tpu.wait_indirect_dma semaphore(%arg13 : memref<!tpu.dma_semaphore, #tpu.memory_space<semaphore_mem>>) src(%dma_wait3A_186 : memref<2000000x64xf32, #tpu.memory_space<hbm>>) dst(%dma_wait3A_180 : memref<128x64xf32, #tpu.memory_space<vmem>>)
    %dma_wait3A_187 = arith.constant 3 : i32
    %dma_wait3A_188 = arith.constant 728 : i32
    %dma_wait3A_189 = arith.constant 0 : i32
    %dma_wait3A_190 = tpu.memref_slice %arg10[%dma_wait3A_188, %dma_wait3A_189] : memref<800x64xf32, #tpu.memory_space<vmem>> -> memref<72x64xf32, #tpu.memory_space<vmem>>
    %dma_wait3A_191 = arith.constant 0 : i32
    %dma_wait3A_192 = tpu.memref_slice %arg8[%dma_wait3A_187, %dma_wait3A_191] : memref<4x128xi32, #tpu.memory_space<vmem>> -> memref<1x72xi32, #tpu.memory_space<vmem>>
    %dma_wait3A_193 = tpu.memref_squeeze %dma_wait3A_192 : memref<1x72xi32, #tpu.memory_space<vmem>> -> memref<72xi32, #tpu.memory_space<vmem>>
    %dma_wait3A_194 = arith.constant 0 : i32
    %dma_wait3A_195 = arith.constant 0 : i32
    %dma_wait3A_196 = tpu.memref_slice %arg4[%dma_wait3A_194, %dma_wait3A_195] : memref<2000000x64xf32, #tpu.memory_space<hbm>> -> memref<2000000x64xf32, #tpu.memory_space<hbm>>
    tpu.wait_indirect_dma semaphore(%arg13 : memref<!tpu.dma_semaphore, #tpu.memory_space<semaphore_mem>>) src(%dma_wait3A_196 : memref<2000000x64xf32, #tpu.memory_space<hbm>>) dst(%dma_wait3A_190 : memref<72x64xf32, #tpu.memory_space<vmem>>)
    %add3A_197 = arith.constant 508 : i32
    %add3A_198 = arith.addi %mul3A_2, %add3A_197 : i32
    %dma_wait3A_199 = arith.constant 0 : i32
    %dma_wait3A_200 = tpu.memref_slice %arg2[%add3A_198, %dma_wait3A_199] : memref<16384x128xi32, #tpu.memory_space<hbm>> -> memref<4x128xi32, #tpu.memory_space<hbm>>
    %dma_wait3A_201 = arith.constant 0 : i32
    %dma_wait3A_202 = tpu.memref_slice %arg2[%add3A_198, %dma_wait3A_201] : memref<16384x128xi32, #tpu.memory_space<hbm>> -> memref<4x128xi32, #tpu.memory_space<hbm>>
    tpu.wait_dma2 semaphore(%arg16 : memref<!tpu.dma_semaphore, #tpu.memory_space<semaphore_mem>>) src(%dma_wait3A_202 : memref<4x128xi32, #tpu.memory_space<hbm>>) dst(%arg7 : memref<4x128xi32, #tpu.memory_space<vmem>>)
    %dma_wait3A_203 = arith.constant 0 : i32
    %dma_wait3A_204 = tpu.memref_slice %arg3[%add3A_198, %dma_wait3A_203] : memref<16384x128xi32, #tpu.memory_space<hbm>> -> memref<4x128xi32, #tpu.memory_space<hbm>>
    %dma_wait3A_205 = arith.constant 0 : i32
    %dma_wait3A_206 = tpu.memref_slice %arg3[%add3A_198, %dma_wait3A_205] : memref<16384x128xi32, #tpu.memory_space<hbm>> -> memref<4x128xi32, #tpu.memory_space<hbm>>
    tpu.wait_dma2 semaphore(%arg16 : memref<!tpu.dma_semaphore, #tpu.memory_space<semaphore_mem>>) src(%dma_wait3A_206 : memref<4x128xi32, #tpu.memory_space<hbm>>) dst(%arg9 : memref<4x128xi32, #tpu.memory_space<vmem>>)
    %dma_start3A_207 = arith.constant 0 : i32
    %dma_start3A_208 = arith.constant 0 : i32
    %dma_start3A_209 = arith.constant 0 : i32
    %dma_start3A_210 = tpu.memref_slice %arg11[%dma_start3A_208, %dma_start3A_209] : memref<800x64xf32, #tpu.memory_space<vmem>> -> memref<128x64xf32, #tpu.memory_space<vmem>>
    %dma_start3A_211 = arith.constant 0 : i32
    %dma_start3A_212 = tpu.memref_slice %arg7[%dma_start3A_207, %dma_start3A_211] : memref<4x128xi32, #tpu.memory_space<vmem>> -> memref<1x128xi32, #tpu.memory_space<vmem>>
    %dma_start3A_213 = tpu.memref_squeeze %dma_start3A_212 : memref<1x128xi32, #tpu.memory_space<vmem>> -> memref<128xi32, #tpu.memory_space<vmem>>
    %dma_start3A_214 = arith.constant 0 : i32
    %dma_start3A_215 = arith.constant 0 : i32
    %dma_start3A_216 = tpu.memref_slice %arg4[%dma_start3A_214, %dma_start3A_215] : memref<2000000x64xf32, #tpu.memory_space<hbm>> -> memref<2000000x64xf32, #tpu.memory_space<hbm>>
    tpu.enqueue_indirect_dma source(%dma_start3A_216 : memref<2000000x64xf32, #tpu.memory_space<hbm>>) target(%dma_start3A_210 : memref<128x64xf32, #tpu.memory_space<vmem>>) offsets(%dma_start3A_213 : memref<128xi32, #tpu.memory_space<vmem>>) semaphore(%arg14 : memref<!tpu.dma_semaphore, #tpu.memory_space<semaphore_mem>>)
    %dma_start3A_217 = arith.constant 0 : i32
    %dma_start3A_218 = arith.constant 128 : i32
    %dma_start3A_219 = arith.constant 0 : i32
    %dma_start3A_220 = tpu.memref_slice %arg11[%dma_start3A_218, %dma_start3A_219] : memref<800x64xf32, #tpu.memory_space<vmem>> -> memref<72x64xf32, #tpu.memory_space<vmem>>
    %dma_start3A_221 = arith.constant 0 : i32
    %dma_start3A_222 = tpu.memref_slice %arg9[%dma_start3A_217, %dma_start3A_221] : memref<4x128xi32, #tpu.memory_space<vmem>> -> memref<1x72xi32, #tpu.memory_space<vmem>>
    %dma_start3A_223 = tpu.memref_squeeze %dma_start3A_222 : memref<1x72xi32, #tpu.memory_space<vmem>> -> memref<72xi32, #tpu.memory_space<vmem>>
    %dma_start3A_224 = arith.constant 0 : i32
    %dma_start3A_225 = arith.constant 0 : i32
    %dma_start3A_226 = tpu.memref_slice %arg4[%dma_start3A_224, %dma_start3A_225] : memref<2000000x64xf32, #tpu.memory_space<hbm>> -> memref<2000000x64xf32, #tpu.memory_space<hbm>>
    tpu.enqueue_indirect_dma source(%dma_start3A_226 : memref<2000000x64xf32, #tpu.memory_space<hbm>>) target(%dma_start3A_220 : memref<72x64xf32, #tpu.memory_space<vmem>>) offsets(%dma_start3A_223 : memref<72xi32, #tpu.memory_space<vmem>>) semaphore(%arg14 : memref<!tpu.dma_semaphore, #tpu.memory_space<semaphore_mem>>)
    %dma_start3A_227 = arith.constant 1 : i32
    %dma_start3A_228 = arith.constant 200 : i32
    %dma_start3A_229 = arith.constant 0 : i32
    %dma_start3A_230 = tpu.memref_slice %arg11[%dma_start3A_228, %dma_start3A_229] : memref<800x64xf32, #tpu.memory_space<vmem>> -> memref<128x64xf32, #tpu.memory_space<vmem>>
    %dma_start3A_231 = arith.constant 0 : i32
    %dma_start3A_232 = tpu.memref_slice %arg7[%dma_start3A_227, %dma_start3A_231] : memref<4x128xi32, #tpu.memory_space<vmem>> -> memref<1x128xi32, #tpu.memory_space<vmem>>
    %dma_start3A_233 = tpu.memref_squeeze %dma_start3A_232 : memref<1x128xi32, #tpu.memory_space<vmem>> -> memref<128xi32, #tpu.memory_space<vmem>>
    %dma_start3A_234 = arith.constant 0 : i32
    %dma_start3A_235 = arith.constant 0 : i32
    %dma_start3A_236 = tpu.memref_slice %arg4[%dma_start3A_234, %dma_start3A_235] : memref<2000000x64xf32, #tpu.memory_space<hbm>> -> memref<2000000x64xf32, #tpu.memory_space<hbm>>
    tpu.enqueue_indirect_dma source(%dma_start3A_236 : memref<2000000x64xf32, #tpu.memory_space<hbm>>) target(%dma_start3A_230 : memref<128x64xf32, #tpu.memory_space<vmem>>) offsets(%dma_start3A_233 : memref<128xi32, #tpu.memory_space<vmem>>) semaphore(%arg14 : memref<!tpu.dma_semaphore, #tpu.memory_space<semaphore_mem>>)
    %dma_start3A_237 = arith.constant 1 : i32
    %dma_start3A_238 = arith.constant 328 : i32
    %dma_start3A_239 = arith.constant 0 : i32
    %dma_start3A_240 = tpu.memref_slice %arg11[%dma_start3A_238, %dma_start3A_239] : memref<800x64xf32, #tpu.memory_space<vmem>> -> memref<72x64xf32, #tpu.memory_space<vmem>>
    %dma_start3A_241 = arith.constant 0 : i32
    %dma_start3A_242 = tpu.memref_slice %arg9[%dma_start3A_237, %dma_start3A_241] : memref<4x128xi32, #tpu.memory_space<vmem>> -> memref<1x72xi32, #tpu.memory_space<vmem>>
    %dma_start3A_243 = tpu.memref_squeeze %dma_start3A_242 : memref<1x72xi32, #tpu.memory_space<vmem>> -> memref<72xi32, #tpu.memory_space<vmem>>
    %dma_start3A_244 = arith.constant 0 : i32
    %dma_start3A_245 = arith.constant 0 : i32
    %dma_start3A_246 = tpu.memref_slice %arg4[%dma_start3A_244, %dma_start3A_245] : memref<2000000x64xf32, #tpu.memory_space<hbm>> -> memref<2000000x64xf32, #tpu.memory_space<hbm>>
    tpu.enqueue_indirect_dma source(%dma_start3A_246 : memref<2000000x64xf32, #tpu.memory_space<hbm>>) target(%dma_start3A_240 : memref<72x64xf32, #tpu.memory_space<vmem>>) offsets(%dma_start3A_243 : memref<72xi32, #tpu.memory_space<vmem>>) semaphore(%arg14 : memref<!tpu.dma_semaphore, #tpu.memory_space<semaphore_mem>>)
    %dma_start3A_247 = arith.constant 2 : i32
    %dma_start3A_248 = arith.constant 400 : i32
    %dma_start3A_249 = arith.constant 0 : i32
    %dma_start3A_250 = tpu.memref_slice %arg11[%dma_start3A_248, %dma_start3A_249] : memref<800x64xf32, #tpu.memory_space<vmem>> -> memref<128x64xf32, #tpu.memory_space<vmem>>
    %dma_start3A_251 = arith.constant 0 : i32
    %dma_start3A_252 = tpu.memref_slice %arg7[%dma_start3A_247, %dma_start3A_251] : memref<4x128xi32, #tpu.memory_space<vmem>> -> memref<1x128xi32, #tpu.memory_space<vmem>>
    %dma_start3A_253 = tpu.memref_squeeze %dma_start3A_252 : memref<1x128xi32, #tpu.memory_space<vmem>> -> memref<128xi32, #tpu.memory_space<vmem>>
    %dma_start3A_254 = arith.constant 0 : i32
    %dma_start3A_255 = arith.constant 0 : i32
    %dma_start3A_256 = tpu.memref_slice %arg4[%dma_start3A_254, %dma_start3A_255] : memref<2000000x64xf32, #tpu.memory_space<hbm>> -> memref<2000000x64xf32, #tpu.memory_space<hbm>>
    tpu.enqueue_indirect_dma source(%dma_start3A_256 : memref<2000000x64xf32, #tpu.memory_space<hbm>>) target(%dma_start3A_250 : memref<128x64xf32, #tpu.memory_space<vmem>>) offsets(%dma_start3A_253 : memref<128xi32, #tpu.memory_space<vmem>>) semaphore(%arg14 : memref<!tpu.dma_semaphore, #tpu.memory_space<semaphore_mem>>)
    %dma_start3A_257 = arith.constant 2 : i32
    %dma_start3A_258 = arith.constant 528 : i32
    %dma_start3A_259 = arith.constant 0 : i32
    %dma_start3A_260 = tpu.memref_slice %arg11[%dma_start3A_258, %dma_start3A_259] : memref<800x64xf32, #tpu.memory_space<vmem>> -> memref<72x64xf32, #tpu.memory_space<vmem>>
    %dma_start3A_261 = arith.constant 0 : i32
    %dma_start3A_262 = tpu.memref_slice %arg9[%dma_start3A_257, %dma_start3A_261] : memref<4x128xi32, #tpu.memory_space<vmem>> -> memref<1x72xi32, #tpu.memory_space<vmem>>
    %dma_start3A_263 = tpu.memref_squeeze %dma_start3A_262 : memref<1x72xi32, #tpu.memory_space<vmem>> -> memref<72xi32, #tpu.memory_space<vmem>>
    %dma_start3A_264 = arith.constant 0 : i32
    %dma_start3A_265 = arith.constant 0 : i32
    %dma_start3A_266 = tpu.memref_slice %arg4[%dma_start3A_264, %dma_start3A_265] : memref<2000000x64xf32, #tpu.memory_space<hbm>> -> memref<2000000x64xf32, #tpu.memory_space<hbm>>
    tpu.enqueue_indirect_dma source(%dma_start3A_266 : memref<2000000x64xf32, #tpu.memory_space<hbm>>) target(%dma_start3A_260 : memref<72x64xf32, #tpu.memory_space<vmem>>) offsets(%dma_start3A_263 : memref<72xi32, #tpu.memory_space<vmem>>) semaphore(%arg14 : memref<!tpu.dma_semaphore, #tpu.memory_space<semaphore_mem>>)
    %dma_start3A_267 = arith.constant 3 : i32
    %dma_start3A_268 = arith.constant 600 : i32
    %dma_start3A_269 = arith.constant 0 : i32
    %dma_start3A_270 = tpu.memref_slice %arg11[%dma_start3A_268, %dma_start3A_269] : memref<800x64xf32, #tpu.memory_space<vmem>> -> memref<128x64xf32, #tpu.memory_space<vmem>>
    %dma_start3A_271 = arith.constant 0 : i32
    %dma_start3A_272 = tpu.memref_slice %arg7[%dma_start3A_267, %dma_start3A_271] : memref<4x128xi32, #tpu.memory_space<vmem>> -> memref<1x128xi32, #tpu.memory_space<vmem>>
    %dma_start3A_273 = tpu.memref_squeeze %dma_start3A_272 : memref<1x128xi32, #tpu.memory_space<vmem>> -> memref<128xi32, #tpu.memory_space<vmem>>
    %dma_start3A_274 = arith.constant 0 : i32
    %dma_start3A_275 = arith.constant 0 : i32
    %dma_start3A_276 = tpu.memref_slice %arg4[%dma_start3A_274, %dma_start3A_275] : memref<2000000x64xf32, #tpu.memory_space<hbm>> -> memref<2000000x64xf32, #tpu.memory_space<hbm>>
    tpu.enqueue_indirect_dma source(%dma_start3A_276 : memref<2000000x64xf32, #tpu.memory_space<hbm>>) target(%dma_start3A_270 : memref<128x64xf32, #tpu.memory_space<vmem>>) offsets(%dma_start3A_273 : memref<128xi32, #tpu.memory_space<vmem>>) semaphore(%arg14 : memref<!tpu.dma_semaphore, #tpu.memory_space<semaphore_mem>>)
    %dma_start3A_277 = arith.constant 3 : i32
    %dma_start3A_278 = arith.constant 728 : i32
    %dma_start3A_279 = arith.constant 0 : i32
    %dma_start3A_280 = tpu.memref_slice %arg11[%dma_start3A_278, %dma_start3A_279] : memref<800x64xf32, #tpu.memory_space<vmem>> -> memref<72x64xf32, #tpu.memory_space<vmem>>
    %dma_start3A_281 = arith.constant 0 : i32
    %dma_start3A_282 = tpu.memref_slice %arg9[%dma_start3A_277, %dma_start3A_281] : memref<4x128xi32, #tpu.memory_space<vmem>> -> memref<1x72xi32, #tpu.memory_space<vmem>>
    %dma_start3A_283 = tpu.memref_squeeze %dma_start3A_282 : memref<1x72xi32, #tpu.memory_space<vmem>> -> memref<72xi32, #tpu.memory_space<vmem>>
    %dma_start3A_284 = arith.constant 0 : i32
    %dma_start3A_285 = arith.constant 0 : i32
    %dma_start3A_286 = tpu.memref_slice %arg4[%dma_start3A_284, %dma_start3A_285] : memref<2000000x64xf32, #tpu.memory_space<hbm>> -> memref<2000000x64xf32, #tpu.memory_space<hbm>>
    tpu.enqueue_indirect_dma source(%dma_start3A_286 : memref<2000000x64xf32, #tpu.memory_space<hbm>>) target(%dma_start3A_280 : memref<72x64xf32, #tpu.memory_space<vmem>>) offsets(%dma_start3A_283 : memref<72xi32, #tpu.memory_space<vmem>>) semaphore(%arg14 : memref<!tpu.dma_semaphore, #tpu.memory_space<semaphore_mem>>)
    %scan3A_287 = arith.constant 0 : i32
    %scan3A_288 = arith.constant 100 : i32
    %scan3A_289 = arith.addi %scan3A_287, %scan3A_288 : i32
    %scan3A_290 = arith.constant 1 : i32
    %scan3A_291:16 = scf.for %scan3A_574 = %scan3A_287 to %scan3A_289 step %scan3A_290 iter_args(%scan3A_575 = %broadcast_in_dim3A_3, %scan3A_576 = %broadcast_in_dim3A_3, %scan3A_577 = %broadcast_in_dim3A_3, %scan3A_578 = %broadcast_in_dim3A_3, %scan3A_579 = %broadcast_in_dim3A_3, %scan3A_580 = %broadcast_in_dim3A_3, %scan3A_581 = %broadcast_in_dim3A_3, %scan3A_582 = %broadcast_in_dim3A_3, %scan3A_583 = %broadcast_in_dim3A_3, %scan3A_584 = %broadcast_in_dim3A_3, %scan3A_585 = %broadcast_in_dim3A_3, %scan3A_586 = %broadcast_in_dim3A_3, %scan3A_587 = %broadcast_in_dim3A_3, %scan3A_588 = %broadcast_in_dim3A_3, %scan3A_589 = %broadcast_in_dim3A_3, %scan3A_590 = %broadcast_in_dim3A_3) -> (vector<16xf32>, vector<16xf32>, vector<16xf32>, vector<16xf32>, vector<16xf32>, vector<16xf32>, vector<16xf32>, vector<16xf32>, vector<16xf32>, vector<16xf32>, vector<16xf32>, vector<16xf32>, vector<16xf32>, vector<16xf32>, vector<16xf32>, vector<16xf32>)  : i32 {
      %mul3A_591 = arith.constant 2 : i32
      %mul3A_592 = arith.muli %mul3A_591, %scan3A_574 : i32
      %add3A_593 = arith.constant 0 : i32
      %add3A_594 = arith.addi %add3A_593, %mul3A_592 : i32
      %get3A = arith.index_cast %add3A_594 : i32 to index
      %get3A_595 = arith.constant 0 : index
      %get3A_596 = tpu.vector_load %arg10[%get3A, %get3A_595] {strides = array<i32>} : memref<800x64xf32, #tpu.memory_space<vmem>>, vector<1x16xf32>,
      %get3A_597 = vector.shape_cast %get3A_596 : vector<1x16xf32> to vector<16xf32>
      %add3A_598 = arith.constant 1 : i32
      %add3A_599 = arith.addi %add3A_594, %add3A_598 : i32
      %get3A_600 = arith.index_cast %add3A_599 : i32 to index
      %get3A_601 = arith.constant 0 : index
      %get3A_602 = tpu.vector_load %arg10[%get3A_600, %get3A_601] {strides = array<i32>} : memref<800x64xf32, #tpu.memory_space<vmem>>, vector<1x16xf32>,
      %get3A_603 = vector.shape_cast %get3A_602 : vector<1x16xf32> to vector<16xf32>
      %max3A = arith.maximumf %get3A_597, %get3A_603 : vector<16xf32>
      %max3A_604 = arith.maximumf %scan3A_575, %max3A : vector<16xf32>
      %get3A_605 = arith.index_cast %add3A_594 : i32 to index
      %get3A_606 = arith.constant 16 : index
      %get3A_607 = tpu.vector_load %arg10[%get3A_605, %get3A_606] {strides = array<i32>} : memref<800x64xf32, #tpu.memory_space<vmem>>, vector<1x16xf32>,
      %get3A_608 = vector.shape_cast %get3A_607 : vector<1x16xf32> to vector<16xf32>
      %add3A_609 = arith.constant 1 : i32
      %add3A_610 = arith.addi %add3A_594, %add3A_609 : i32
      %get3A_611 = arith.index_cast %add3A_610 : i32 to index
      %get3A_612 = arith.constant 16 : index
      %get3A_613 = tpu.vector_load %arg10[%get3A_611, %get3A_612] {strides = array<i32>} : memref<800x64xf32, #tpu.memory_space<vmem>>, vector<1x16xf32>,
      %get3A_614 = vector.shape_cast %get3A_613 : vector<1x16xf32> to vector<16xf32>
      %max3A_615 = arith.maximumf %get3A_608, %get3A_614 : vector<16xf32>
      %max3A_616 = arith.maximumf %scan3A_576, %max3A_615 : vector<16xf32>
      %get3A_617 = arith.index_cast %add3A_594 : i32 to index
      %get3A_618 = arith.constant 32 : index
      %get3A_619 = tpu.vector_load %arg10[%get3A_617, %get3A_618] {strides = array<i32>} : memref<800x64xf32, #tpu.memory_space<vmem>>, vector<1x16xf32>,
      %get3A_620 = vector.shape_cast %get3A_619 : vector<1x16xf32> to vector<16xf32>
      %add3A_621 = arith.constant 1 : i32
      %add3A_622 = arith.addi %add3A_594, %add3A_621 : i32
      %get3A_623 = arith.index_cast %add3A_622 : i32 to index
      %get3A_624 = arith.constant 32 : index
      %get3A_625 = tpu.vector_load %arg10[%get3A_623, %get3A_624] {strides = array<i32>} : memref<800x64xf32, #tpu.memory_space<vmem>>, vector<1x16xf32>,
      %get3A_626 = vector.shape_cast %get3A_625 : vector<1x16xf32> to vector<16xf32>
      %max3A_627 = arith.maximumf %get3A_620, %get3A_626 : vector<16xf32>
      %max3A_628 = arith.maximumf %scan3A_577, %max3A_627 : vector<16xf32>
      %get3A_629 = arith.index_cast %add3A_594 : i32 to index
      %get3A_630 = arith.constant 48 : index
      %get3A_631 = tpu.vector_load %arg10[%get3A_629, %get3A_630] {strides = array<i32>} : memref<800x64xf32, #tpu.memory_space<vmem>>, vector<1x16xf32>,
      %get3A_632 = vector.shape_cast %get3A_631 : vector<1x16xf32> to vector<16xf32>
      %add3A_633 = arith.constant 1 : i32
      %add3A_634 = arith.addi %add3A_594, %add3A_633 : i32
      %get3A_635 = arith.index_cast %add3A_634 : i32 to index
      %get3A_636 = arith.constant 48 : index
      %get3A_637 = tpu.vector_load %arg10[%get3A_635, %get3A_636] {strides = array<i32>} : memref<800x64xf32, #tpu.memory_space<vmem>>, vector<1x16xf32>,
      %get3A_638 = vector.shape_cast %get3A_637 : vector<1x16xf32> to vector<16xf32>
      %max3A_639 = arith.maximumf %get3A_632, %get3A_638 : vector<16xf32>
      %max3A_640 = arith.maximumf %scan3A_578, %max3A_639 : vector<16xf32>
      %mul3A_641 = arith.constant 2 : i32
      %mul3A_642 = arith.muli %mul3A_641, %scan3A_574 : i32
      %add3A_643 = arith.constant 200 : i32
      %add3A_644 = arith.addi %add3A_643, %mul3A_642 : i32
      %get3A_645 = arith.index_cast %add3A_644 : i32 to index
      %get3A_646 = arith.constant 0 : index
      %get3A_647 = tpu.vector_load %arg10[%get3A_645, %get3A_646] {strides = array<i32>} : memref<800x64xf32, #tpu.memory_space<vmem>>, vector<1x16xf32>,
      %get3A_648 = vector.shape_cast %get3A_647 : vector<1x16xf32> to vector<16xf32>
      %add3A_649 = arith.constant 1 : i32
      %add3A_650 = arith.addi %add3A_644, %add3A_649 : i32
      %get3A_651 = arith.index_cast %add3A_650 : i32 to index
      %get3A_652 = arith.constant 0 : index
      %get3A_653 = tpu.vector_load %arg10[%get3A_651, %get3A_652] {strides = array<i32>} : memref<800x64xf32, #tpu.memory_space<vmem>>, vector<1x16xf32>,
      %get3A_654 = vector.shape_cast %get3A_653 : vector<1x16xf32> to vector<16xf32>
      %max3A_655 = arith.maximumf %get3A_648, %get3A_654 : vector<16xf32>
      %max3A_656 = arith.maximumf %scan3A_579, %max3A_655 : vector<16xf32>
      %get3A_657 = arith.index_cast %add3A_644 : i32 to index
      %get3A_658 = arith.constant 16 : index
      %get3A_659 = tpu.vector_load %arg10[%get3A_657, %get3A_658] {strides = array<i32>} : memref<800x64xf32, #tpu.memory_space<vmem>>, vector<1x16xf32>,
      %get3A_660 = vector.shape_cast %get3A_659 : vector<1x16xf32> to vector<16xf32>
      %add3A_661 = arith.constant 1 : i32
      %add3A_662 = arith.addi %add3A_644, %add3A_661 : i32
      %get3A_663 = arith.index_cast %add3A_662 : i32 to index
      %get3A_664 = arith.constant 16 : index
      %get3A_665 = tpu.vector_load %arg10[%get3A_663, %get3A_664] {strides = array<i32>} : memref<800x64xf32, #tpu.memory_space<vmem>>, vector<1x16xf32>,
      %get3A_666 = vector.shape_cast %get3A_665 : vector<1x16xf32> to vector<16xf32>
      %max3A_667 = arith.maximumf %get3A_660, %get3A_666 : vector<16xf32>
      %max3A_668 = arith.maximumf %scan3A_580, %max3A_667 : vector<16xf32>
      %get3A_669 = arith.index_cast %add3A_644 : i32 to index
      %get3A_670 = arith.constant 32 : index
      %get3A_671 = tpu.vector_load %arg10[%get3A_669, %get3A_670] {strides = array<i32>} : memref<800x64xf32, #tpu.memory_space<vmem>>, vector<1x16xf32>,
      %get3A_672 = vector.shape_cast %get3A_671 : vector<1x16xf32> to vector<16xf32>
      %add3A_673 = arith.constant 1 : i32
      %add3A_674 = arith.addi %add3A_644, %add3A_673 : i32
      %get3A_675 = arith.index_cast %add3A_674 : i32 to index
      %get3A_676 = arith.constant 32 : index
      %get3A_677 = tpu.vector_load %arg10[%get3A_675, %get3A_676] {strides = array<i32>} : memref<800x64xf32, #tpu.memory_space<vmem>>, vector<1x16xf32>,
      %get3A_678 = vector.shape_cast %get3A_677 : vector<1x16xf32> to vector<16xf32>
      %max3A_679 = arith.maximumf %get3A_672, %get3A_678 : vector<16xf32>
      %max3A_680 = arith.maximumf %scan3A_581, %max3A_679 : vector<16xf32>
      %get3A_681 = arith.index_cast %add3A_644 : i32 to index
      %get3A_682 = arith.constant 48 : index
      %get3A_683 = tpu.vector_load %arg10[%get3A_681, %get3A_682] {strides = array<i32>} : memref<800x64xf32, #tpu.memory_space<vmem>>, vector<1x16xf32>,
      %get3A_684 = vector.shape_cast %get3A_683 : vector<1x16xf32> to vector<16xf32>
      %add3A_685 = arith.constant 1 : i32
      %add3A_686 = arith.addi %add3A_644, %add3A_685 : i32
      %get3A_687 = arith.index_cast %add3A_686 : i32 to index
      %get3A_688 = arith.constant 48 : index
      %get3A_689 = tpu.vector_load %arg10[%get3A_687, %get3A_688] {strides = array<i32>} : memref<800x64xf32, #tpu.memory_space<vmem>>, vector<1x16xf32>,
      %get3A_690 = vector.shape_cast %get3A_689 : vector<1x16xf32> to vector<16xf32>
      %max3A_691 = arith.maximumf %get3A_684, %get3A_690 : vector<16xf32>
      %max3A_692 = arith.maximumf %scan3A_582, %max3A_691 : vector<16xf32>
      %mul3A_693 = arith.constant 2 : i32
      %mul3A_694 = arith.muli %mul3A_693, %scan3A_574 : i32
      %add3A_695 = arith.constant 400 : i32
      %add3A_696 = arith.addi %add3A_695, %mul3A_694 : i32
      %get3A_697 = arith.index_cast %add3A_696 : i32 to index
      %get3A_698 = arith.constant 0 : index
      %get3A_699 = tpu.vector_load %arg10[%get3A_697, %get3A_698] {strides = array<i32>} : memref<800x64xf32, #tpu.memory_space<vmem>>, vector<1x16xf32>,
      %get3A_700 = vector.shape_cast %get3A_699 : vector<1x16xf32> to vector<16xf32>
      %add3A_701 = arith.constant 1 : i32
      %add3A_702 = arith.addi %add3A_696, %add3A_701 : i32
      %get3A_703 = arith.index_cast %add3A_702 : i32 to index
      %get3A_704 = arith.constant 0 : index
      %get3A_705 = tpu.vector_load %arg10[%get3A_703, %get3A_704] {strides = array<i32>} : memref<800x64xf32, #tpu.memory_space<vmem>>, vector<1x16xf32>,
      %get3A_706 = vector.shape_cast %get3A_705 : vector<1x16xf32> to vector<16xf32>
      %max3A_707 = arith.maximumf %get3A_700, %get3A_706 : vector<16xf32>
      %max3A_708 = arith.maximumf %scan3A_583, %max3A_707 : vector<16xf32>
      %get3A_709 = arith.index_cast %add3A_696 : i32 to index
      %get3A_710 = arith.constant 16 : index
      %get3A_711 = tpu.vector_load %arg10[%get3A_709, %get3A_710] {strides = array<i32>} : memref<800x64xf32, #tpu.memory_space<vmem>>, vector<1x16xf32>,
      %get3A_712 = vector.shape_cast %get3A_711 : vector<1x16xf32> to vector<16xf32>
      %add3A_713 = arith.constant 1 : i32
      %add3A_714 = arith.addi %add3A_696, %add3A_713 : i32
      %get3A_715 = arith.index_cast %add3A_714 : i32 to index
      %get3A_716 = arith.constant 16 : index
      %get3A_717 = tpu.vector_load %arg10[%get3A_715, %get3A_716] {strides = array<i32>} : memref<800x64xf32, #tpu.memory_space<vmem>>, vector<1x16xf32>,
      %get3A_718 = vector.shape_cast %get3A_717 : vector<1x16xf32> to vector<16xf32>
      %max3A_719 = arith.maximumf %get3A_712, %get3A_718 : vector<16xf32>
      %max3A_720 = arith.maximumf %scan3A_584, %max3A_719 : vector<16xf32>
      %get3A_721 = arith.index_cast %add3A_696 : i32 to index
      %get3A_722 = arith.constant 32 : index
      %get3A_723 = tpu.vector_load %arg10[%get3A_721, %get3A_722] {strides = array<i32>} : memref<800x64xf32, #tpu.memory_space<vmem>>, vector<1x16xf32>,
      %get3A_724 = vector.shape_cast %get3A_723 : vector<1x16xf32> to vector<16xf32>
      %add3A_725 = arith.constant 1 : i32
      %add3A_726 = arith.addi %add3A_696, %add3A_725 : i32
      %get3A_727 = arith.index_cast %add3A_726 : i32 to index
      %get3A_728 = arith.constant 32 : index
      %get3A_729 = tpu.vector_load %arg10[%get3A_727, %get3A_728] {strides = array<i32>} : memref<800x64xf32, #tpu.memory_space<vmem>>, vector<1x16xf32>,
      %get3A_730 = vector.shape_cast %get3A_729 : vector<1x16xf32> to vector<16xf32>
      %max3A_731 = arith.maximumf %get3A_724, %get3A_730 : vector<16xf32>
      %max3A_732 = arith.maximumf %scan3A_585, %max3A_731 : vector<16xf32>
      %get3A_733 = arith.index_cast %add3A_696 : i32 to index
      %get3A_734 = arith.constant 48 : index
      %get3A_735 = tpu.vector_load %arg10[%get3A_733, %get3A_734] {strides = array<i32>} : memref<800x64xf32, #tpu.memory_space<vmem>>, vector<1x16xf32>,
      %get3A_736 = vector.shape_cast %get3A_735 : vector<1x16xf32> to vector<16xf32>
      %add3A_737 = arith.constant 1 : i32
      %add3A_738 = arith.addi %add3A_696, %add3A_737 : i32
      %get3A_739 = arith.index_cast %add3A_738 : i32 to index
      %get3A_740 = arith.constant 48 : index
      %get3A_741 = tpu.vector_load %arg10[%get3A_739, %get3A_740] {strides = array<i32>} : memref<800x64xf32, #tpu.memory_space<vmem>>, vector<1x16xf32>,
      %get3A_742 = vector.shape_cast %get3A_741 : vector<1x16xf32> to vector<16xf32>
      %max3A_743 = arith.maximumf %get3A_736, %get3A_742 : vector<16xf32>
      %max3A_744 = arith.maximumf %scan3A_586, %max3A_743 : vector<16xf32>
      %mul3A_745 = arith.constant 2 : i32
      %mul3A_746 = arith.muli %mul3A_745, %scan3A_574 : i32
      %add3A_747 = arith.constant 600 : i32
      %add3A_748 = arith.addi %add3A_747, %mul3A_746 : i32
      %get3A_749 = arith.index_cast %add3A_748 : i32 to index
      %get3A_750 = arith.constant 0 : index
      %get3A_751 = tpu.vector_load %arg10[%get3A_749, %get3A_750] {strides = array<i32>} : memref<800x64xf32, #tpu.memory_space<vmem>>, vector<1x16xf32>,
      %get3A_752 = vector.shape_cast %get3A_751 : vector<1x16xf32> to vector<16xf32>
      %add3A_753 = arith.constant 1 : i32
      %add3A_754 = arith.addi %add3A_748, %add3A_753 : i32
      %get3A_755 = arith.index_cast %add3A_754 : i32 to index
      %get3A_756 = arith.constant 0 : index
      %get3A_757 = tpu.vector_load %arg10[%get3A_755, %get3A_756] {strides = array<i32>} : memref<800x64xf32, #tpu.memory_space<vmem>>, vector<1x16xf32>,
      %get3A_758 = vector.shape_cast %get3A_757 : vector<1x16xf32> to vector<16xf32>
      %max3A_759 = arith.maximumf %get3A_752, %get3A_758 : vector<16xf32>
      %max3A_760 = arith.maximumf %scan3A_587, %max3A_759 : vector<16xf32>
      %get3A_761 = arith.index_cast %add3A_748 : i32 to index
      %get3A_762 = arith.constant 16 : index
      %get3A_763 = tpu.vector_load %arg10[%get3A_761, %get3A_762] {strides = array<i32>} : memref<800x64xf32, #tpu.memory_space<vmem>>, vector<1x16xf32>,
      %get3A_764 = vector.shape_cast %get3A_763 : vector<1x16xf32> to vector<16xf32>
      %add3A_765 = arith.constant 1 : i32
      %add3A_766 = arith.addi %add3A_748, %add3A_765 : i32
      %get3A_767 = arith.index_cast %add3A_766 : i32 to index
      %get3A_768 = arith.constant 16 : index
      %get3A_769 = tpu.vector_load %arg10[%get3A_767, %get3A_768] {strides = array<i32>} : memref<800x64xf32, #tpu.memory_space<vmem>>, vector<1x16xf32>,
      %get3A_770 = vector.shape_cast %get3A_769 : vector<1x16xf32> to vector<16xf32>
      %max3A_771 = arith.maximumf %get3A_764, %get3A_770 : vector<16xf32>
      %max3A_772 = arith.maximumf %scan3A_588, %max3A_771 : vector<16xf32>
      %get3A_773 = arith.index_cast %add3A_748 : i32 to index
      %get3A_774 = arith.constant 32 : index
      %get3A_775 = tpu.vector_load %arg10[%get3A_773, %get3A_774] {strides = array<i32>} : memref<800x64xf32, #tpu.memory_space<vmem>>, vector<1x16xf32>,
      %get3A_776 = vector.shape_cast %get3A_775 : vector<1x16xf32> to vector<16xf32>
      %add3A_777 = arith.constant 1 : i32
      %add3A_778 = arith.addi %add3A_748, %add3A_777 : i32
      %get3A_779 = arith.index_cast %add3A_778 : i32 to index
      %get3A_780 = arith.constant 32 : index
      %get3A_781 = tpu.vector_load %arg10[%get3A_779, %get3A_780] {strides = array<i32>} : memref<800x64xf32, #tpu.memory_space<vmem>>, vector<1x16xf32>,
      %get3A_782 = vector.shape_cast %get3A_781 : vector<1x16xf32> to vector<16xf32>
      %max3A_783 = arith.maximumf %get3A_776, %get3A_782 : vector<16xf32>
      %max3A_784 = arith.maximumf %scan3A_589, %max3A_783 : vector<16xf32>
      %get3A_785 = arith.index_cast %add3A_748 : i32 to index
      %get3A_786 = arith.constant 48 : index
      %get3A_787 = tpu.vector_load %arg10[%get3A_785, %get3A_786] {strides = array<i32>} : memref<800x64xf32, #tpu.memory_space<vmem>>, vector<1x16xf32>,
      %get3A_788 = vector.shape_cast %get3A_787 : vector<1x16xf32> to vector<16xf32>
      %add3A_789 = arith.constant 1 : i32
      %add3A_790 = arith.addi %add3A_748, %add3A_789 : i32
      %get3A_791 = arith.index_cast %add3A_790 : i32 to index
      %get3A_792 = arith.constant 48 : index
      %get3A_793 = tpu.vector_load %arg10[%get3A_791, %get3A_792] {strides = array<i32>} : memref<800x64xf32, #tpu.memory_space<vmem>>, vector<1x16xf32>,
      %get3A_794 = vector.shape_cast %get3A_793 : vector<1x16xf32> to vector<16xf32>
      %max3A_795 = arith.maximumf %get3A_788, %get3A_794 : vector<16xf32>
      %max3A_796 = arith.maximumf %scan3A_590, %max3A_795 : vector<16xf32>
      scf.yield %max3A_604, %max3A_616, %max3A_628, %max3A_640, %max3A_656, %max3A_668, %max3A_680, %max3A_692, %max3A_708, %max3A_720, %max3A_732, %max3A_744, %max3A_760, %max3A_772, %max3A_784, %max3A_796 : vector<16xf32>, vector<16xf32>, vector<16xf32>, vector<16xf32>, vector<16xf32>, vector<16xf32>, vector<16xf32>, vector<16xf32>, vector<16xf32>, vector<16xf32>, vector<16xf32>, vector<16xf32>, vector<16xf32>, vector<16xf32>, vector<16xf32>, vector<16xf32>
    }
    %scan3A_292 = arith.constant 100 : i32
    %swap3A = arith.constant 124 : i32
    %swap3A_293 = arith.index_cast %swap3A : i32 to index
    %swap3A_294 = arith.constant 0 : index
    %swap3A_295 = tpu.vector_load %arg12[%swap3A_293, %swap3A_294] {strides = array<i32>} : memref<128x128xf32, #tpu.memory_space<vmem>>, vector<1x16xf32>,
    %swap3A_296 = vector.shape_cast %swap3A_295 : vector<1x16xf32> to vector<16xf32>
    %swap3A_297 = vector.shape_cast %scan3A_291#0 : vector<16xf32> to vector<1x16xf32>
    tpu.vector_store %arg12[%swap3A_293, %swap3A_294], %swap3A_297 {strides = array<i32>} : memref<128x128xf32, #tpu.memory_space<vmem>>, vector<1x16xf32>,
    %swap3A_298 = arith.constant 124 : i32
    %swap3A_299 = arith.index_cast %swap3A_298 : i32 to index
    %swap3A_300 = arith.constant 16 : index
    %swap3A_301 = tpu.vector_load %arg12[%swap3A_299, %swap3A_300] {strides = array<i32>} : memref<128x128xf32, #tpu.memory_space<vmem>>, vector<1x16xf32>,
    %swap3A_302 = vector.shape_cast %swap3A_301 : vector<1x16xf32> to vector<16xf32>
    %swap3A_303 = vector.shape_cast %scan3A_291#1 : vector<16xf32> to vector<1x16xf32>
    tpu.vector_store %arg12[%swap3A_299, %swap3A_300], %swap3A_303 {strides = array<i32>} : memref<128x128xf32, #tpu.memory_space<vmem>>, vector<1x16xf32>,
    %swap3A_304 = arith.constant 124 : i32
    %swap3A_305 = arith.index_cast %swap3A_304 : i32 to index
    %swap3A_306 = arith.constant 32 : index
    %swap3A_307 = tpu.vector_load %arg12[%swap3A_305, %swap3A_306] {strides = array<i32>} : memref<128x128xf32, #tpu.memory_space<vmem>>, vector<1x16xf32>,
    %swap3A_308 = vector.shape_cast %swap3A_307 : vector<1x16xf32> to vector<16xf32>
    %swap3A_309 = vector.shape_cast %scan3A_291#2 : vector<16xf32> to vector<1x16xf32>
    tpu.vector_store %arg12[%swap3A_305, %swap3A_306], %swap3A_309 {strides = array<i32>} : memref<128x128xf32, #tpu.memory_space<vmem>>, vector<1x16xf32>,
    %swap3A_310 = arith.constant 124 : i32
    %swap3A_311 = arith.index_cast %swap3A_310 : i32 to index
    %swap3A_312 = arith.constant 48 : index
    %swap3A_313 = tpu.vector_load %arg12[%swap3A_311, %swap3A_312] {strides = array<i32>} : memref<128x128xf32, #tpu.memory_space<vmem>>, vector<1x16xf32>,
    %swap3A_314 = vector.shape_cast %swap3A_313 : vector<1x16xf32> to vector<16xf32>
    %swap3A_315 = vector.shape_cast %scan3A_291#3 : vector<16xf32> to vector<1x16xf32>
    tpu.vector_store %arg12[%swap3A_311, %swap3A_312], %swap3A_315 {strides = array<i32>} : memref<128x128xf32, #tpu.memory_space<vmem>>, vector<1x16xf32>,
    %swap3A_316 = arith.constant 124 : i32
    %swap3A_317 = arith.index_cast %swap3A_316 : i32 to index
    %swap3A_318 = arith.constant 64 : index
    %swap3A_319 = tpu.vector_load %arg12[%swap3A_317, %swap3A_318] {strides = array<i32>} : memref<128x128xf32, #tpu.memory_space<vmem>>, vector<1x16xf32>,
    %swap3A_320 = vector.shape_cast %swap3A_319 : vector<1x16xf32> to vector<16xf32>
    %swap3A_321 = vector.shape_cast %scan3A_291#4 : vector<16xf32> to vector<1x16xf32>
    tpu.vector_store %arg12[%swap3A_317, %swap3A_318], %swap3A_321 {strides = array<i32>} : memref<128x128xf32, #tpu.memory_space<vmem>>, vector<1x16xf32>,
    %swap3A_322 = arith.constant 124 : i32
    %swap3A_323 = arith.index_cast %swap3A_322 : i32 to index
    %swap3A_324 = arith.constant 80 : index
    %swap3A_325 = tpu.vector_load %arg12[%swap3A_323, %swap3A_324] {strides = array<i32>} : memref<128x128xf32, #tpu.memory_space<vmem>>, vector<1x16xf32>,
    %swap3A_326 = vector.shape_cast %swap3A_325 : vector<1x16xf32> to vector<16xf32>
    %swap3A_327 = vector.shape_cast %scan3A_291#5 : vector<16xf32> to vector<1x16xf32>
    tpu.vector_store %arg12[%swap3A_323, %swap3A_324], %swap3A_327 {strides = array<i32>} : memref<128x128xf32, #tpu.memory_space<vmem>>, vector<1x16xf32>,
    %swap3A_328 = arith.constant 124 : i32
    %swap3A_329 = arith.index_cast %swap3A_328 : i32 to index
    %swap3A_330 = arith.constant 96 : index
    %swap3A_331 = tpu.vector_load %arg12[%swap3A_329, %swap3A_330] {strides = array<i32>} : memref<128x128xf32, #tpu.memory_space<vmem>>, vector<1x16xf32>,
    %swap3A_332 = vector.shape_cast %swap3A_331 : vector<1x16xf32> to vector<16xf32>
    %swap3A_333 = vector.shape_cast %scan3A_291#6 : vector<16xf32> to vector<1x16xf32>
    tpu.vector_store %arg12[%swap3A_329, %swap3A_330], %swap3A_333 {strides = array<i32>} : memref<128x128xf32, #tpu.memory_space<vmem>>, vector<1x16xf32>,
    %swap3A_334 = arith.constant 124 : i32
    %swap3A_335 = arith.index_cast %swap3A_334 : i32 to index
    %swap3A_336 = arith.constant 112 : index
    %swap3A_337 = tpu.vector_load %arg12[%swap3A_335, %swap3A_336] {strides = array<i32>} : memref<128x128xf32, #tpu.memory_space<vmem>>, vector<1x16xf32>,
    %swap3A_338 = vector.shape_cast %swap3A_337 : vector<1x16xf32> to vector<16xf32>
    %swap3A_339 = vector.shape_cast %scan3A_291#7 : vector<16xf32> to vector<1x16xf32>
    tpu.vector_store %arg12[%swap3A_335, %swap3A_336], %swap3A_339 {strides = array<i32>} : memref<128x128xf32, #tpu.memory_space<vmem>>, vector<1x16xf32>,
    %swap3A_340 = arith.constant 125 : i32
    %swap3A_341 = arith.index_cast %swap3A_340 : i32 to index
    %swap3A_342 = arith.constant 0 : index
    %swap3A_343 = tpu.vector_load %arg12[%swap3A_341, %swap3A_342] {strides = array<i32>} : memref<128x128xf32, #tpu.memory_space<vmem>>, vector<1x16xf32>,
    %swap3A_344 = vector.shape_cast %swap3A_343 : vector<1x16xf32> to vector<16xf32>
    %swap3A_345 = vector.shape_cast %scan3A_291#8 : vector<16xf32> to vector<1x16xf32>
    tpu.vector_store %arg12[%swap3A_341, %swap3A_342], %swap3A_345 {strides = array<i32>} : memref<128x128xf32, #tpu.memory_space<vmem>>, vector<1x16xf32>,
    %swap3A_346 = arith.constant 125 : i32
    %swap3A_347 = arith.index_cast %swap3A_346 : i32 to index
    %swap3A_348 = arith.constant 16 : index
    %swap3A_349 = tpu.vector_load %arg12[%swap3A_347, %swap3A_348] {strides = array<i32>} : memref<128x128xf32, #tpu.memory_space<vmem>>, vector<1x16xf32>,
    %swap3A_350 = vector.shape_cast %swap3A_349 : vector<1x16xf32> to vector<16xf32>
    %swap3A_351 = vector.shape_cast %scan3A_291#9 : vector<16xf32> to vector<1x16xf32>
    tpu.vector_store %arg12[%swap3A_347, %swap3A_348], %swap3A_351 {strides = array<i32>} : memref<128x128xf32, #tpu.memory_space<vmem>>, vector<1x16xf32>,
    %swap3A_352 = arith.constant 125 : i32
    %swap3A_353 = arith.index_cast %swap3A_352 : i32 to index
    %swap3A_354 = arith.constant 32 : index
    %swap3A_355 = tpu.vector_load %arg12[%swap3A_353, %swap3A_354] {strides = array<i32>} : memref<128x128xf32, #tpu.memory_space<vmem>>, vector<1x16xf32>,
    %swap3A_356 = vector.shape_cast %swap3A_355 : vector<1x16xf32> to vector<16xf32>
    %swap3A_357 = vector.shape_cast %scan3A_291#10 : vector<16xf32> to vector<1x16xf32>
    tpu.vector_store %arg12[%swap3A_353, %swap3A_354], %swap3A_357 {strides = array<i32>} : memref<128x128xf32, #tpu.memory_space<vmem>>, vector<1x16xf32>,
    %swap3A_358 = arith.constant 125 : i32
    %swap3A_359 = arith.index_cast %swap3A_358 : i32 to index
    %swap3A_360 = arith.constant 48 : index
    %swap3A_361 = tpu.vector_load %arg12[%swap3A_359, %swap3A_360] {strides = array<i32>} : memref<128x128xf32, #tpu.memory_space<vmem>>, vector<1x16xf32>,
    %swap3A_362 = vector.shape_cast %swap3A_361 : vector<1x16xf32> to vector<16xf32>
    %swap3A_363 = vector.shape_cast %scan3A_291#11 : vector<16xf32> to vector<1x16xf32>
    tpu.vector_store %arg12[%swap3A_359, %swap3A_360], %swap3A_363 {strides = array<i32>} : memref<128x128xf32, #tpu.memory_space<vmem>>, vector<1x16xf32>,
    %swap3A_364 = arith.constant 125 : i32
    %swap3A_365 = arith.index_cast %swap3A_364 : i32 to index
    %swap3A_366 = arith.constant 64 : index
    %swap3A_367 = tpu.vector_load %arg12[%swap3A_365, %swap3A_366] {strides = array<i32>} : memref<128x128xf32, #tpu.memory_space<vmem>>, vector<1x16xf32>,
    %swap3A_368 = vector.shape_cast %swap3A_367 : vector<1x16xf32> to vector<16xf32>
    %swap3A_369 = vector.shape_cast %scan3A_291#12 : vector<16xf32> to vector<1x16xf32>
    tpu.vector_store %arg12[%swap3A_365, %swap3A_366], %swap3A_369 {strides = array<i32>} : memref<128x128xf32, #tpu.memory_space<vmem>>, vector<1x16xf32>,
    %swap3A_370 = arith.constant 125 : i32
    %swap3A_371 = arith.index_cast %swap3A_370 : i32 to index
    %swap3A_372 = arith.constant 80 : index
    %swap3A_373 = tpu.vector_load %arg12[%swap3A_371, %swap3A_372] {strides = array<i32>} : memref<128x128xf32, #tpu.memory_space<vmem>>, vector<1x16xf32>,
    %swap3A_374 = vector.shape_cast %swap3A_373 : vector<1x16xf32> to vector<16xf32>
    %swap3A_375 = vector.shape_cast %scan3A_291#13 : vector<16xf32> to vector<1x16xf32>
    tpu.vector_store %arg12[%swap3A_371, %swap3A_372], %swap3A_375 {strides = array<i32>} : memref<128x128xf32, #tpu.memory_space<vmem>>, vector<1x16xf32>,
    %swap3A_376 = arith.constant 125 : i32
    %swap3A_377 = arith.index_cast %swap3A_376 : i32 to index
    %swap3A_378 = arith.constant 96 : index
    %swap3A_379 = tpu.vector_load %arg12[%swap3A_377, %swap3A_378] {strides = array<i32>} : memref<128x128xf32, #tpu.memory_space<vmem>>, vector<1x16xf32>,
    %swap3A_380 = vector.shape_cast %swap3A_379 : vector<1x16xf32> to vector<16xf32>
    %swap3A_381 = vector.shape_cast %scan3A_291#14 : vector<16xf32> to vector<1x16xf32>
    tpu.vector_store %arg12[%swap3A_377, %swap3A_378], %swap3A_381 {strides = array<i32>} : memref<128x128xf32, #tpu.memory_space<vmem>>, vector<1x16xf32>,
    %swap3A_382 = arith.constant 125 : i32
    %swap3A_383 = arith.index_cast %swap3A_382 : i32 to index
    %swap3A_384 = arith.constant 112 : index
    %swap3A_385 = tpu.vector_load %arg12[%swap3A_383, %swap3A_384] {strides = array<i32>} : memref<128x128xf32, #tpu.memory_space<vmem>>, vector<1x16xf32>,
    %swap3A_386 = vector.shape_cast %swap3A_385 : vector<1x16xf32> to vector<16xf32>
    %swap3A_387 = vector.shape_cast %scan3A_291#15 : vector<16xf32> to vector<1x16xf32>
    tpu.vector_store %arg12[%swap3A_383, %swap3A_384], %swap3A_387 {strides = array<i32>} : memref<128x128xf32, #tpu.memory_space<vmem>>, vector<1x16xf32>,
    %dma_wait3A_388 = arith.constant 0 : i32
    %dma_wait3A_389 = arith.constant 0 : i32
    %dma_wait3A_390 = arith.constant 0 : i32
    %dma_wait3A_391 = tpu.memref_slice %arg11[%dma_wait3A_389, %dma_wait3A_390] : memref<800x64xf32, #tpu.memory_space<vmem>> -> memref<128x64xf32, #tpu.memory_space<vmem>>
    %dma_wait3A_392 = arith.constant 0 : i32
    %dma_wait3A_393 = tpu.memref_slice %arg7[%dma_wait3A_388, %dma_wait3A_392] : memref<4x128xi32, #tpu.memory_space<vmem>> -> memref<1x128xi32, #tpu.memory_space<vmem>>
    %dma_wait3A_394 = tpu.memref_squeeze %dma_wait3A_393 : memref<1x128xi32, #tpu.memory_space<vmem>> -> memref<128xi32, #tpu.memory_space<vmem>>
    %dma_wait3A_395 = arith.constant 0 : i32
    %dma_wait3A_396 = arith.constant 0 : i32
    %dma_wait3A_397 = tpu.memref_slice %arg4[%dma_wait3A_395, %dma_wait3A_396] : memref<2000000x64xf32, #tpu.memory_space<hbm>> -> memref<2000000x64xf32, #tpu.memory_space<hbm>>
    tpu.wait_indirect_dma semaphore(%arg14 : memref<!tpu.dma_semaphore, #tpu.memory_space<semaphore_mem>>) src(%dma_wait3A_397 : memref<2000000x64xf32, #tpu.memory_space<hbm>>) dst(%dma_wait3A_391 : memref<128x64xf32, #tpu.memory_space<vmem>>)
    %dma_wait3A_398 = arith.constant 0 : i32
    %dma_wait3A_399 = arith.constant 128 : i32
    %dma_wait3A_400 = arith.constant 0 : i32
    %dma_wait3A_401 = tpu.memref_slice %arg11[%dma_wait3A_399, %dma_wait3A_400] : memref<800x64xf32, #tpu.memory_space<vmem>> -> memref<72x64xf32, #tpu.memory_space<vmem>>
    %dma_wait3A_402 = arith.constant 0 : i32
    %dma_wait3A_403 = tpu.memref_slice %arg9[%dma_wait3A_398, %dma_wait3A_402] : memref<4x128xi32, #tpu.memory_space<vmem>> -> memref<1x72xi32, #tpu.memory_space<vmem>>
    %dma_wait3A_404 = tpu.memref_squeeze %dma_wait3A_403 : memref<1x72xi32, #tpu.memory_space<vmem>> -> memref<72xi32, #tpu.memory_space<vmem>>
    %dma_wait3A_405 = arith.constant 0 : i32
    %dma_wait3A_406 = arith.constant 0 : i32
    %dma_wait3A_407 = tpu.memref_slice %arg4[%dma_wait3A_405, %dma_wait3A_406] : memref<2000000x64xf32, #tpu.memory_space<hbm>> -> memref<2000000x64xf32, #tpu.memory_space<hbm>>
    tpu.wait_indirect_dma semaphore(%arg14 : memref<!tpu.dma_semaphore, #tpu.memory_space<semaphore_mem>>) src(%dma_wait3A_407 : memref<2000000x64xf32, #tpu.memory_space<hbm>>) dst(%dma_wait3A_401 : memref<72x64xf32, #tpu.memory_space<vmem>>)
    %dma_wait3A_408 = arith.constant 1 : i32
    %dma_wait3A_409 = arith.constant 200 : i32
    %dma_wait3A_410 = arith.constant 0 : i32
    %dma_wait3A_411 = tpu.memref_slice %arg11[%dma_wait3A_409, %dma_wait3A_410] : memref<800x64xf32, #tpu.memory_space<vmem>> -> memref<128x64xf32, #tpu.memory_space<vmem>>
    %dma_wait3A_412 = arith.constant 0 : i32
    %dma_wait3A_413 = tpu.memref_slice %arg7[%dma_wait3A_408, %dma_wait3A_412] : memref<4x128xi32, #tpu.memory_space<vmem>> -> memref<1x128xi32, #tpu.memory_space<vmem>>
    %dma_wait3A_414 = tpu.memref_squeeze %dma_wait3A_413 : memref<1x128xi32, #tpu.memory_space<vmem>> -> memref<128xi32, #tpu.memory_space<vmem>>
    %dma_wait3A_415 = arith.constant 0 : i32
    %dma_wait3A_416 = arith.constant 0 : i32
    %dma_wait3A_417 = tpu.memref_slice %arg4[%dma_wait3A_415, %dma_wait3A_416] : memref<2000000x64xf32, #tpu.memory_space<hbm>> -> memref<2000000x64xf32, #tpu.memory_space<hbm>>
    tpu.wait_indirect_dma semaphore(%arg14 : memref<!tpu.dma_semaphore, #tpu.memory_space<semaphore_mem>>) src(%dma_wait3A_417 : memref<2000000x64xf32, #tpu.memory_space<hbm>>) dst(%dma_wait3A_411 : memref<128x64xf32, #tpu.memory_space<vmem>>)
    %dma_wait3A_418 = arith.constant 1 : i32
    %dma_wait3A_419 = arith.constant 328 : i32
    %dma_wait3A_420 = arith.constant 0 : i32
    %dma_wait3A_421 = tpu.memref_slice %arg11[%dma_wait3A_419, %dma_wait3A_420] : memref<800x64xf32, #tpu.memory_space<vmem>> -> memref<72x64xf32, #tpu.memory_space<vmem>>
    %dma_wait3A_422 = arith.constant 0 : i32
    %dma_wait3A_423 = tpu.memref_slice %arg9[%dma_wait3A_418, %dma_wait3A_422] : memref<4x128xi32, #tpu.memory_space<vmem>> -> memref<1x72xi32, #tpu.memory_space<vmem>>
    %dma_wait3A_424 = tpu.memref_squeeze %dma_wait3A_423 : memref<1x72xi32, #tpu.memory_space<vmem>> -> memref<72xi32, #tpu.memory_space<vmem>>
    %dma_wait3A_425 = arith.constant 0 : i32
    %dma_wait3A_426 = arith.constant 0 : i32
    %dma_wait3A_427 = tpu.memref_slice %arg4[%dma_wait3A_425, %dma_wait3A_426] : memref<2000000x64xf32, #tpu.memory_space<hbm>> -> memref<2000000x64xf32, #tpu.memory_space<hbm>>
    tpu.wait_indirect_dma semaphore(%arg14 : memref<!tpu.dma_semaphore, #tpu.memory_space<semaphore_mem>>) src(%dma_wait3A_427 : memref<2000000x64xf32, #tpu.memory_space<hbm>>) dst(%dma_wait3A_421 : memref<72x64xf32, #tpu.memory_space<vmem>>)
    %dma_wait3A_428 = arith.constant 2 : i32
    %dma_wait3A_429 = arith.constant 400 : i32
    %dma_wait3A_430 = arith.constant 0 : i32
    %dma_wait3A_431 = tpu.memref_slice %arg11[%dma_wait3A_429, %dma_wait3A_430] : memref<800x64xf32, #tpu.memory_space<vmem>> -> memref<128x64xf32, #tpu.memory_space<vmem>>
    %dma_wait3A_432 = arith.constant 0 : i32
    %dma_wait3A_433 = tpu.memref_slice %arg7[%dma_wait3A_428, %dma_wait3A_432] : memref<4x128xi32, #tpu.memory_space<vmem>> -> memref<1x128xi32, #tpu.memory_space<vmem>>
    %dma_wait3A_434 = tpu.memref_squeeze %dma_wait3A_433 : memref<1x128xi32, #tpu.memory_space<vmem>> -> memref<128xi32, #tpu.memory_space<vmem>>
    %dma_wait3A_435 = arith.constant 0 : i32
    %dma_wait3A_436 = arith.constant 0 : i32
    %dma_wait3A_437 = tpu.memref_slice %arg4[%dma_wait3A_435, %dma_wait3A_436] : memref<2000000x64xf32, #tpu.memory_space<hbm>> -> memref<2000000x64xf32, #tpu.memory_space<hbm>>
    tpu.wait_indirect_dma semaphore(%arg14 : memref<!tpu.dma_semaphore, #tpu.memory_space<semaphore_mem>>) src(%dma_wait3A_437 : memref<2000000x64xf32, #tpu.memory_space<hbm>>) dst(%dma_wait3A_431 : memref<128x64xf32, #tpu.memory_space<vmem>>)
    %dma_wait3A_438 = arith.constant 2 : i32
    %dma_wait3A_439 = arith.constant 528 : i32
    %dma_wait3A_440 = arith.constant 0 : i32
    %dma_wait3A_441 = tpu.memref_slice %arg11[%dma_wait3A_439, %dma_wait3A_440] : memref<800x64xf32, #tpu.memory_space<vmem>> -> memref<72x64xf32, #tpu.memory_space<vmem>>
    %dma_wait3A_442 = arith.constant 0 : i32
    %dma_wait3A_443 = tpu.memref_slice %arg9[%dma_wait3A_438, %dma_wait3A_442] : memref<4x128xi32, #tpu.memory_space<vmem>> -> memref<1x72xi32, #tpu.memory_space<vmem>>
    %dma_wait3A_444 = tpu.memref_squeeze %dma_wait3A_443 : memref<1x72xi32, #tpu.memory_space<vmem>> -> memref<72xi32, #tpu.memory_space<vmem>>
    %dma_wait3A_445 = arith.constant 0 : i32
    %dma_wait3A_446 = arith.constant 0 : i32
    %dma_wait3A_447 = tpu.memref_slice %arg4[%dma_wait3A_445, %dma_wait3A_446] : memref<2000000x64xf32, #tpu.memory_space<hbm>> -> memref<2000000x64xf32, #tpu.memory_space<hbm>>
    tpu.wait_indirect_dma semaphore(%arg14 : memref<!tpu.dma_semaphore, #tpu.memory_space<semaphore_mem>>) src(%dma_wait3A_447 : memref<2000000x64xf32, #tpu.memory_space<hbm>>) dst(%dma_wait3A_441 : memref<72x64xf32, #tpu.memory_space<vmem>>)
    %dma_wait3A_448 = arith.constant 3 : i32
    %dma_wait3A_449 = arith.constant 600 : i32
    %dma_wait3A_450 = arith.constant 0 : i32
    %dma_wait3A_451 = tpu.memref_slice %arg11[%dma_wait3A_449, %dma_wait3A_450] : memref<800x64xf32, #tpu.memory_space<vmem>> -> memref<128x64xf32, #tpu.memory_space<vmem>>
    %dma_wait3A_452 = arith.constant 0 : i32
    %dma_wait3A_453 = tpu.memref_slice %arg7[%dma_wait3A_448, %dma_wait3A_452] : memref<4x128xi32, #tpu.memory_space<vmem>> -> memref<1x128xi32, #tpu.memory_space<vmem>>
    %dma_wait3A_454 = tpu.memref_squeeze %dma_wait3A_453 : memref<1x128xi32, #tpu.memory_space<vmem>> -> memref<128xi32, #tpu.memory_space<vmem>>
    %dma_wait3A_455 = arith.constant 0 : i32
    %dma_wait3A_456 = arith.constant 0 : i32
    %dma_wait3A_457 = tpu.memref_slice %arg4[%dma_wait3A_455, %dma_wait3A_456] : memref<2000000x64xf32, #tpu.memory_space<hbm>> -> memref<2000000x64xf32, #tpu.memory_space<hbm>>
    tpu.wait_indirect_dma semaphore(%arg14 : memref<!tpu.dma_semaphore, #tpu.memory_space<semaphore_mem>>) src(%dma_wait3A_457 : memref<2000000x64xf32, #tpu.memory_space<hbm>>) dst(%dma_wait3A_451 : memref<128x64xf32, #tpu.memory_space<vmem>>)
    %dma_wait3A_458 = arith.constant 3 : i32
    %dma_wait3A_459 = arith.constant 728 : i32
    %dma_wait3A_460 = arith.constant 0 : i32
    %dma_wait3A_461 = tpu.memref_slice %arg11[%dma_wait3A_459, %dma_wait3A_460] : memref<800x64xf32, #tpu.memory_space<vmem>> -> memref<72x64xf32, #tpu.memory_space<vmem>>
    %dma_wait3A_462 = arith.constant 0 : i32
    %dma_wait3A_463 = tpu.memref_slice %arg9[%dma_wait3A_458, %dma_wait3A_462] : memref<4x128xi32, #tpu.memory_space<vmem>> -> memref<1x72xi32, #tpu.memory_space<vmem>>
    %dma_wait3A_464 = tpu.memref_squeeze %dma_wait3A_463 : memref<1x72xi32, #tpu.memory_space<vmem>> -> memref<72xi32, #tpu.memory_space<vmem>>
    %dma_wait3A_465 = arith.constant 0 : i32
    %dma_wait3A_466 = arith.constant 0 : i32
    %dma_wait3A_467 = tpu.memref_slice %arg4[%dma_wait3A_465, %dma_wait3A_466] : memref<2000000x64xf32, #tpu.memory_space<hbm>> -> memref<2000000x64xf32, #tpu.memory_space<hbm>>
    tpu.wait_indirect_dma semaphore(%arg14 : memref<!tpu.dma_semaphore, #tpu.memory_space<semaphore_mem>>) src(%dma_wait3A_467 : memref<2000000x64xf32, #tpu.memory_space<hbm>>) dst(%dma_wait3A_461 : memref<72x64xf32, #tpu.memory_space<vmem>>)
    %scan3A_468 = arith.constant 0 : i32
    %scan3A_469 = arith.constant 100 : i32
    %scan3A_470 = arith.addi %scan3A_468, %scan3A_469 : i32
    %scan3A_471 = arith.constant 1 : i32
    %scan3A_472:16 = scf.for %scan3A_574 = %scan3A_468 to %scan3A_470 step %scan3A_471 iter_args(%scan3A_575 = %broadcast_in_dim3A_3, %scan3A_576 = %broadcast_in_dim3A_3, %scan3A_577 = %broadcast_in_dim3A_3, %scan3A_578 = %broadcast_in_dim3A_3, %scan3A_579 = %broadcast_in_dim3A_3, %scan3A_580 = %broadcast_in_dim3A_3, %scan3A_581 = %broadcast_in_dim3A_3, %scan3A_582 = %broadcast_in_dim3A_3, %scan3A_583 = %broadcast_in_dim3A_3, %scan3A_584 = %broadcast_in_dim3A_3, %scan3A_585 = %broadcast_in_dim3A_3, %scan3A_586 = %broadcast_in_dim3A_3, %scan3A_587 = %broadcast_in_dim3A_3, %scan3A_588 = %broadcast_in_dim3A_3, %scan3A_589 = %broadcast_in_dim3A_3, %scan3A_590 = %broadcast_in_dim3A_3) -> (vector<16xf32>, vector<16xf32>, vector<16xf32>, vector<16xf32>, vector<16xf32>, vector<16xf32>, vector<16xf32>, vector<16xf32>, vector<16xf32>, vector<16xf32>, vector<16xf32>, vector<16xf32>, vector<16xf32>, vector<16xf32>, vector<16xf32>, vector<16xf32>)  : i32 {
      %mul3A_591 = arith.constant 2 : i32
      %mul3A_592 = arith.muli %mul3A_591, %scan3A_574 : i32
      %add3A_593 = arith.constant 0 : i32
      %add3A_594 = arith.addi %add3A_593, %mul3A_592 : i32
      %get3A = arith.index_cast %add3A_594 : i32 to index
      %get3A_595 = arith.constant 0 : index
      %get3A_596 = tpu.vector_load %arg11[%get3A, %get3A_595] {strides = array<i32>} : memref<800x64xf32, #tpu.memory_space<vmem>>, vector<1x16xf32>,
      %get3A_597 = vector.shape_cast %get3A_596 : vector<1x16xf32> to vector<16xf32>
      %add3A_598 = arith.constant 1 : i32
      %add3A_599 = arith.addi %add3A_594, %add3A_598 : i32
      %get3A_600 = arith.index_cast %add3A_599 : i32 to index
      %get3A_601 = arith.constant 0 : index
      %get3A_602 = tpu.vector_load %arg11[%get3A_600, %get3A_601] {strides = array<i32>} : memref<800x64xf32, #tpu.memory_space<vmem>>, vector<1x16xf32>,
      %get3A_603 = vector.shape_cast %get3A_602 : vector<1x16xf32> to vector<16xf32>
      %max3A = arith.maximumf %get3A_597, %get3A_603 : vector<16xf32>
      %max3A_604 = arith.maximumf %scan3A_575, %max3A : vector<16xf32>
      %get3A_605 = arith.index_cast %add3A_594 : i32 to index
      %get3A_606 = arith.constant 16 : index
      %get3A_607 = tpu.vector_load %arg11[%get3A_605, %get3A_606] {strides = array<i32>} : memref<800x64xf32, #tpu.memory_space<vmem>>, vector<1x16xf32>,
      %get3A_608 = vector.shape_cast %get3A_607 : vector<1x16xf32> to vector<16xf32>
      %add3A_609 = arith.constant 1 : i32
      %add3A_610 = arith.addi %add3A_594, %add3A_609 : i32
      %get3A_611 = arith.index_cast %add3A_610 : i32 to index
      %get3A_612 = arith.constant 16 : index
      %get3A_613 = tpu.vector_load %arg11[%get3A_611, %get3A_612] {strides = array<i32>} : memref<800x64xf32, #tpu.memory_space<vmem>>, vector<1x16xf32>,
      %get3A_614 = vector.shape_cast %get3A_613 : vector<1x16xf32> to vector<16xf32>
      %max3A_615 = arith.maximumf %get3A_608, %get3A_614 : vector<16xf32>
      %max3A_616 = arith.maximumf %scan3A_576, %max3A_615 : vector<16xf32>
      %get3A_617 = arith.index_cast %add3A_594 : i32 to index
      %get3A_618 = arith.constant 32 : index
      %get3A_619 = tpu.vector_load %arg11[%get3A_617, %get3A_618] {strides = array<i32>} : memref<800x64xf32, #tpu.memory_space<vmem>>, vector<1x16xf32>,
      %get3A_620 = vector.shape_cast %get3A_619 : vector<1x16xf32> to vector<16xf32>
      %add3A_621 = arith.constant 1 : i32
      %add3A_622 = arith.addi %add3A_594, %add3A_621 : i32
      %get3A_623 = arith.index_cast %add3A_622 : i32 to index
      %get3A_624 = arith.constant 32 : index
      %get3A_625 = tpu.vector_load %arg11[%get3A_623, %get3A_624] {strides = array<i32>} : memref<800x64xf32, #tpu.memory_space<vmem>>, vector<1x16xf32>,
      %get3A_626 = vector.shape_cast %get3A_625 : vector<1x16xf32> to vector<16xf32>
      %max3A_627 = arith.maximumf %get3A_620, %get3A_626 : vector<16xf32>
      %max3A_628 = arith.maximumf %scan3A_577, %max3A_627 : vector<16xf32>
      %get3A_629 = arith.index_cast %add3A_594 : i32 to index
      %get3A_630 = arith.constant 48 : index
      %get3A_631 = tpu.vector_load %arg11[%get3A_629, %get3A_630] {strides = array<i32>} : memref<800x64xf32, #tpu.memory_space<vmem>>, vector<1x16xf32>,
      %get3A_632 = vector.shape_cast %get3A_631 : vector<1x16xf32> to vector<16xf32>
      %add3A_633 = arith.constant 1 : i32
      %add3A_634 = arith.addi %add3A_594, %add3A_633 : i32
      %get3A_635 = arith.index_cast %add3A_634 : i32 to index
      %get3A_636 = arith.constant 48 : index
      %get3A_637 = tpu.vector_load %arg11[%get3A_635, %get3A_636] {strides = array<i32>} : memref<800x64xf32, #tpu.memory_space<vmem>>, vector<1x16xf32>,
      %get3A_638 = vector.shape_cast %get3A_637 : vector<1x16xf32> to vector<16xf32>
      %max3A_639 = arith.maximumf %get3A_632, %get3A_638 : vector<16xf32>
      %max3A_640 = arith.maximumf %scan3A_578, %max3A_639 : vector<16xf32>
      %mul3A_641 = arith.constant 2 : i32
      %mul3A_642 = arith.muli %mul3A_641, %scan3A_574 : i32
      %add3A_643 = arith.constant 200 : i32
      %add3A_644 = arith.addi %add3A_643, %mul3A_642 : i32
      %get3A_645 = arith.index_cast %add3A_644 : i32 to index
      %get3A_646 = arith.constant 0 : index
      %get3A_647 = tpu.vector_load %arg11[%get3A_645, %get3A_646] {strides = array<i32>} : memref<800x64xf32, #tpu.memory_space<vmem>>, vector<1x16xf32>,
      %get3A_648 = vector.shape_cast %get3A_647 : vector<1x16xf32> to vector<16xf32>
      %add3A_649 = arith.constant 1 : i32
      %add3A_650 = arith.addi %add3A_644, %add3A_649 : i32
      %get3A_651 = arith.index_cast %add3A_650 : i32 to index
      %get3A_652 = arith.constant 0 : index
      %get3A_653 = tpu.vector_load %arg11[%get3A_651, %get3A_652] {strides = array<i32>} : memref<800x64xf32, #tpu.memory_space<vmem>>, vector<1x16xf32>,
      %get3A_654 = vector.shape_cast %get3A_653 : vector<1x16xf32> to vector<16xf32>
      %max3A_655 = arith.maximumf %get3A_648, %get3A_654 : vector<16xf32>
      %max3A_656 = arith.maximumf %scan3A_579, %max3A_655 : vector<16xf32>
      %get3A_657 = arith.index_cast %add3A_644 : i32 to index
      %get3A_658 = arith.constant 16 : index
      %get3A_659 = tpu.vector_load %arg11[%get3A_657, %get3A_658] {strides = array<i32>} : memref<800x64xf32, #tpu.memory_space<vmem>>, vector<1x16xf32>,
      %get3A_660 = vector.shape_cast %get3A_659 : vector<1x16xf32> to vector<16xf32>
      %add3A_661 = arith.constant 1 : i32
      %add3A_662 = arith.addi %add3A_644, %add3A_661 : i32
      %get3A_663 = arith.index_cast %add3A_662 : i32 to index
      %get3A_664 = arith.constant 16 : index
      %get3A_665 = tpu.vector_load %arg11[%get3A_663, %get3A_664] {strides = array<i32>} : memref<800x64xf32, #tpu.memory_space<vmem>>, vector<1x16xf32>,
      %get3A_666 = vector.shape_cast %get3A_665 : vector<1x16xf32> to vector<16xf32>
      %max3A_667 = arith.maximumf %get3A_660, %get3A_666 : vector<16xf32>
      %max3A_668 = arith.maximumf %scan3A_580, %max3A_667 : vector<16xf32>
      %get3A_669 = arith.index_cast %add3A_644 : i32 to index
      %get3A_670 = arith.constant 32 : index
      %get3A_671 = tpu.vector_load %arg11[%get3A_669, %get3A_670] {strides = array<i32>} : memref<800x64xf32, #tpu.memory_space<vmem>>, vector<1x16xf32>,
      %get3A_672 = vector.shape_cast %get3A_671 : vector<1x16xf32> to vector<16xf32>
      %add3A_673 = arith.constant 1 : i32
      %add3A_674 = arith.addi %add3A_644, %add3A_673 : i32
      %get3A_675 = arith.index_cast %add3A_674 : i32 to index
      %get3A_676 = arith.constant 32 : index
      %get3A_677 = tpu.vector_load %arg11[%get3A_675, %get3A_676] {strides = array<i32>} : memref<800x64xf32, #tpu.memory_space<vmem>>, vector<1x16xf32>,
      %get3A_678 = vector.shape_cast %get3A_677 : vector<1x16xf32> to vector<16xf32>
      %max3A_679 = arith.maximumf %get3A_672, %get3A_678 : vector<16xf32>
      %max3A_680 = arith.maximumf %scan3A_581, %max3A_679 : vector<16xf32>
      %get3A_681 = arith.index_cast %add3A_644 : i32 to index
      %get3A_682 = arith.constant 48 : index
      %get3A_683 = tpu.vector_load %arg11[%get3A_681, %get3A_682] {strides = array<i32>} : memref<800x64xf32, #tpu.memory_space<vmem>>, vector<1x16xf32>,
      %get3A_684 = vector.shape_cast %get3A_683 : vector<1x16xf32> to vector<16xf32>
      %add3A_685 = arith.constant 1 : i32
      %add3A_686 = arith.addi %add3A_644, %add3A_685 : i32
      %get3A_687 = arith.index_cast %add3A_686 : i32 to index
      %get3A_688 = arith.constant 48 : index
      %get3A_689 = tpu.vector_load %arg11[%get3A_687, %get3A_688] {strides = array<i32>} : memref<800x64xf32, #tpu.memory_space<vmem>>, vector<1x16xf32>,
      %get3A_690 = vector.shape_cast %get3A_689 : vector<1x16xf32> to vector<16xf32>
      %max3A_691 = arith.maximumf %get3A_684, %get3A_690 : vector<16xf32>
      %max3A_692 = arith.maximumf %scan3A_582, %max3A_691 : vector<16xf32>
      %mul3A_693 = arith.constant 2 : i32
      %mul3A_694 = arith.muli %mul3A_693, %scan3A_574 : i32
      %add3A_695 = arith.constant 400 : i32
      %add3A_696 = arith.addi %add3A_695, %mul3A_694 : i32
      %get3A_697 = arith.index_cast %add3A_696 : i32 to index
      %get3A_698 = arith.constant 0 : index
      %get3A_699 = tpu.vector_load %arg11[%get3A_697, %get3A_698] {strides = array<i32>} : memref<800x64xf32, #tpu.memory_space<vmem>>, vector<1x16xf32>,
      %get3A_700 = vector.shape_cast %get3A_699 : vector<1x16xf32> to vector<16xf32>
      %add3A_701 = arith.constant 1 : i32
      %add3A_702 = arith.addi %add3A_696, %add3A_701 : i32
      %get3A_703 = arith.index_cast %add3A_702 : i32 to index
      %get3A_704 = arith.constant 0 : index
      %get3A_705 = tpu.vector_load %arg11[%get3A_703, %get3A_704] {strides = array<i32>} : memref<800x64xf32, #tpu.memory_space<vmem>>, vector<1x16xf32>,
      %get3A_706 = vector.shape_cast %get3A_705 : vector<1x16xf32> to vector<16xf32>
      %max3A_707 = arith.maximumf %get3A_700, %get3A_706 : vector<16xf32>
      %max3A_708 = arith.maximumf %scan3A_583, %max3A_707 : vector<16xf32>
      %get3A_709 = arith.index_cast %add3A_696 : i32 to index
      %get3A_710 = arith.constant 16 : index
      %get3A_711 = tpu.vector_load %arg11[%get3A_709, %get3A_710] {strides = array<i32>} : memref<800x64xf32, #tpu.memory_space<vmem>>, vector<1x16xf32>,
      %get3A_712 = vector.shape_cast %get3A_711 : vector<1x16xf32> to vector<16xf32>
      %add3A_713 = arith.constant 1 : i32
      %add3A_714 = arith.addi %add3A_696, %add3A_713 : i32
      %get3A_715 = arith.index_cast %add3A_714 : i32 to index
      %get3A_716 = arith.constant 16 : index
      %get3A_717 = tpu.vector_load %arg11[%get3A_715, %get3A_716] {strides = array<i32>} : memref<800x64xf32, #tpu.memory_space<vmem>>, vector<1x16xf32>,
      %get3A_718 = vector.shape_cast %get3A_717 : vector<1x16xf32> to vector<16xf32>
      %max3A_719 = arith.maximumf %get3A_712, %get3A_718 : vector<16xf32>
      %max3A_720 = arith.maximumf %scan3A_584, %max3A_719 : vector<16xf32>
      %get3A_721 = arith.index_cast %add3A_696 : i32 to index
      %get3A_722 = arith.constant 32 : index
      %get3A_723 = tpu.vector_load %arg11[%get3A_721, %get3A_722] {strides = array<i32>} : memref<800x64xf32, #tpu.memory_space<vmem>>, vector<1x16xf32>,
      %get3A_724 = vector.shape_cast %get3A_723 : vector<1x16xf32> to vector<16xf32>
      %add3A_725 = arith.constant 1 : i32
      %add3A_726 = arith.addi %add3A_696, %add3A_725 : i32
      %get3A_727 = arith.index_cast %add3A_726 : i32 to index
      %get3A_728 = arith.constant 32 : index
      %get3A_729 = tpu.vector_load %arg11[%get3A_727, %get3A_728] {strides = array<i32>} : memref<800x64xf32, #tpu.memory_space<vmem>>, vector<1x16xf32>,
      %get3A_730 = vector.shape_cast %get3A_729 : vector<1x16xf32> to vector<16xf32>
      %max3A_731 = arith.maximumf %get3A_724, %get3A_730 : vector<16xf32>
      %max3A_732 = arith.maximumf %scan3A_585, %max3A_731 : vector<16xf32>
      %get3A_733 = arith.index_cast %add3A_696 : i32 to index
      %get3A_734 = arith.constant 48 : index
      %get3A_735 = tpu.vector_load %arg11[%get3A_733, %get3A_734] {strides = array<i32>} : memref<800x64xf32, #tpu.memory_space<vmem>>, vector<1x16xf32>,
      %get3A_736 = vector.shape_cast %get3A_735 : vector<1x16xf32> to vector<16xf32>
      %add3A_737 = arith.constant 1 : i32
      %add3A_738 = arith.addi %add3A_696, %add3A_737 : i32
      %get3A_739 = arith.index_cast %add3A_738 : i32 to index
      %get3A_740 = arith.constant 48 : index
      %get3A_741 = tpu.vector_load %arg11[%get3A_739, %get3A_740] {strides = array<i32>} : memref<800x64xf32, #tpu.memory_space<vmem>>, vector<1x16xf32>,
      %get3A_742 = vector.shape_cast %get3A_741 : vector<1x16xf32> to vector<16xf32>
      %max3A_743 = arith.maximumf %get3A_736, %get3A_742 : vector<16xf32>
      %max3A_744 = arith.maximumf %scan3A_586, %max3A_743 : vector<16xf32>
      %mul3A_745 = arith.constant 2 : i32
      %mul3A_746 = arith.muli %mul3A_745, %scan3A_574 : i32
      %add3A_747 = arith.constant 600 : i32
      %add3A_748 = arith.addi %add3A_747, %mul3A_746 : i32
      %get3A_749 = arith.index_cast %add3A_748 : i32 to index
      %get3A_750 = arith.constant 0 : index
      %get3A_751 = tpu.vector_load %arg11[%get3A_749, %get3A_750] {strides = array<i32>} : memref<800x64xf32, #tpu.memory_space<vmem>>, vector<1x16xf32>,
      %get3A_752 = vector.shape_cast %get3A_751 : vector<1x16xf32> to vector<16xf32>
      %add3A_753 = arith.constant 1 : i32
      %add3A_754 = arith.addi %add3A_748, %add3A_753 : i32
      %get3A_755 = arith.index_cast %add3A_754 : i32 to index
      %get3A_756 = arith.constant 0 : index
      %get3A_757 = tpu.vector_load %arg11[%get3A_755, %get3A_756] {strides = array<i32>} : memref<800x64xf32, #tpu.memory_space<vmem>>, vector<1x16xf32>,
      %get3A_758 = vector.shape_cast %get3A_757 : vector<1x16xf32> to vector<16xf32>
      %max3A_759 = arith.maximumf %get3A_752, %get3A_758 : vector<16xf32>
      %max3A_760 = arith.maximumf %scan3A_587, %max3A_759 : vector<16xf32>
      %get3A_761 = arith.index_cast %add3A_748 : i32 to index
      %get3A_762 = arith.constant 16 : index
      %get3A_763 = tpu.vector_load %arg11[%get3A_761, %get3A_762] {strides = array<i32>} : memref<800x64xf32, #tpu.memory_space<vmem>>, vector<1x16xf32>,
      %get3A_764 = vector.shape_cast %get3A_763 : vector<1x16xf32> to vector<16xf32>
      %add3A_765 = arith.constant 1 : i32
      %add3A_766 = arith.addi %add3A_748, %add3A_765 : i32
      %get3A_767 = arith.index_cast %add3A_766 : i32 to index
      %get3A_768 = arith.constant 16 : index
      %get3A_769 = tpu.vector_load %arg11[%get3A_767, %get3A_768] {strides = array<i32>} : memref<800x64xf32, #tpu.memory_space<vmem>>, vector<1x16xf32>,
      %get3A_770 = vector.shape_cast %get3A_769 : vector<1x16xf32> to vector<16xf32>
      %max3A_771 = arith.maximumf %get3A_764, %get3A_770 : vector<16xf32>
      %max3A_772 = arith.maximumf %scan3A_588, %max3A_771 : vector<16xf32>
      %get3A_773 = arith.index_cast %add3A_748 : i32 to index
      %get3A_774 = arith.constant 32 : index
      %get3A_775 = tpu.vector_load %arg11[%get3A_773, %get3A_774] {strides = array<i32>} : memref<800x64xf32, #tpu.memory_space<vmem>>, vector<1x16xf32>,
      %get3A_776 = vector.shape_cast %get3A_775 : vector<1x16xf32> to vector<16xf32>
      %add3A_777 = arith.constant 1 : i32
      %add3A_778 = arith.addi %add3A_748, %add3A_777 : i32
      %get3A_779 = arith.index_cast %add3A_778 : i32 to index
      %get3A_780 = arith.constant 32 : index
      %get3A_781 = tpu.vector_load %arg11[%get3A_779, %get3A_780] {strides = array<i32>} : memref<800x64xf32, #tpu.memory_space<vmem>>, vector<1x16xf32>,
      %get3A_782 = vector.shape_cast %get3A_781 : vector<1x16xf32> to vector<16xf32>
      %max3A_783 = arith.maximumf %get3A_776, %get3A_782 : vector<16xf32>
      %max3A_784 = arith.maximumf %scan3A_589, %max3A_783 : vector<16xf32>
      %get3A_785 = arith.index_cast %add3A_748 : i32 to index
      %get3A_786 = arith.constant 48 : index
      %get3A_787 = tpu.vector_load %arg11[%get3A_785, %get3A_786] {strides = array<i32>} : memref<800x64xf32, #tpu.memory_space<vmem>>, vector<1x16xf32>,
      %get3A_788 = vector.shape_cast %get3A_787 : vector<1x16xf32> to vector<16xf32>
      %add3A_789 = arith.constant 1 : i32
      %add3A_790 = arith.addi %add3A_748, %add3A_789 : i32
      %get3A_791 = arith.index_cast %add3A_790 : i32 to index
      %get3A_792 = arith.constant 48 : index
      %get3A_793 = tpu.vector_load %arg11[%get3A_791, %get3A_792] {strides = array<i32>} : memref<800x64xf32, #tpu.memory_space<vmem>>, vector<1x16xf32>,
      %get3A_794 = vector.shape_cast %get3A_793 : vector<1x16xf32> to vector<16xf32>
      %max3A_795 = arith.maximumf %get3A_788, %get3A_794 : vector<16xf32>
      %max3A_796 = arith.maximumf %scan3A_590, %max3A_795 : vector<16xf32>
      scf.yield %max3A_604, %max3A_616, %max3A_628, %max3A_640, %max3A_656, %max3A_668, %max3A_680, %max3A_692, %max3A_708, %max3A_720, %max3A_732, %max3A_744, %max3A_760, %max3A_772, %max3A_784, %max3A_796 : vector<16xf32>, vector<16xf32>, vector<16xf32>, vector<16xf32>, vector<16xf32>, vector<16xf32>, vector<16xf32>, vector<16xf32>, vector<16xf32>, vector<16xf32>, vector<16xf32>, vector<16xf32>, vector<16xf32>, vector<16xf32>, vector<16xf32>, vector<16xf32>
    }
    %scan3A_473 = arith.constant 100 : i32
    %swap3A_474 = arith.constant 126 : i32
    %swap3A_475 = arith.index_cast %swap3A_474 : i32 to index
    %swap3A_476 = arith.constant 0 : index
    %swap3A_477 = tpu.vector_load %arg12[%swap3A_475, %swap3A_476] {strides = array<i32>} : memref<128x128xf32, #tpu.memory_space<vmem>>, vector<1x16xf32>,
    %swap3A_478 = vector.shape_cast %swap3A_477 : vector<1x16xf32> to vector<16xf32>
    %swap3A_479 = vector.shape_cast %scan3A_472#0 : vector<16xf32> to vector<1x16xf32>
    tpu.vector_store %arg12[%swap3A_475, %swap3A_476], %swap3A_479 {strides = array<i32>} : memref<128x128xf32, #tpu.memory_space<vmem>>, vector<1x16xf32>,
    %swap3A_480 = arith.constant 126 : i32
    %swap3A_481 = arith.index_cast %swap3A_480 : i32 to index
    %swap3A_482 = arith.constant 16 : index
    %swap3A_483 = tpu.vector_load %arg12[%swap3A_481, %swap3A_482] {strides = array<i32>} : memref<128x128xf32, #tpu.memory_space<vmem>>, vector<1x16xf32>,
    %swap3A_484 = vector.shape_cast %swap3A_483 : vector<1x16xf32> to vector<16xf32>
    %swap3A_485 = vector.shape_cast %scan3A_472#1 : vector<16xf32> to vector<1x16xf32>
    tpu.vector_store %arg12[%swap3A_481, %swap3A_482], %swap3A_485 {strides = array<i32>} : memref<128x128xf32, #tpu.memory_space<vmem>>, vector<1x16xf32>,
    %swap3A_486 = arith.constant 126 : i32
    %swap3A_487 = arith.index_cast %swap3A_486 : i32 to index
    %swap3A_488 = arith.constant 32 : index
    %swap3A_489 = tpu.vector_load %arg12[%swap3A_487, %swap3A_488] {strides = array<i32>} : memref<128x128xf32, #tpu.memory_space<vmem>>, vector<1x16xf32>,
    %swap3A_490 = vector.shape_cast %swap3A_489 : vector<1x16xf32> to vector<16xf32>
    %swap3A_491 = vector.shape_cast %scan3A_472#2 : vector<16xf32> to vector<1x16xf32>
    tpu.vector_store %arg12[%swap3A_487, %swap3A_488], %swap3A_491 {strides = array<i32>} : memref<128x128xf32, #tpu.memory_space<vmem>>, vector<1x16xf32>,
    %swap3A_492 = arith.constant 126 : i32
    %swap3A_493 = arith.index_cast %swap3A_492 : i32 to index
    %swap3A_494 = arith.constant 48 : index
    %swap3A_495 = tpu.vector_load %arg12[%swap3A_493, %swap3A_494] {strides = array<i32>} : memref<128x128xf32, #tpu.memory_space<vmem>>, vector<1x16xf32>,
    %swap3A_496 = vector.shape_cast %swap3A_495 : vector<1x16xf32> to vector<16xf32>
    %swap3A_497 = vector.shape_cast %scan3A_472#3 : vector<16xf32> to vector<1x16xf32>
    tpu.vector_store %arg12[%swap3A_493, %swap3A_494], %swap3A_497 {strides = array<i32>} : memref<128x128xf32, #tpu.memory_space<vmem>>, vector<1x16xf32>,
    %swap3A_498 = arith.constant 126 : i32
    %swap3A_499 = arith.index_cast %swap3A_498 : i32 to index
    %swap3A_500 = arith.constant 64 : index
    %swap3A_501 = tpu.vector_load %arg12[%swap3A_499, %swap3A_500] {strides = array<i32>} : memref<128x128xf32, #tpu.memory_space<vmem>>, vector<1x16xf32>,
    %swap3A_502 = vector.shape_cast %swap3A_501 : vector<1x16xf32> to vector<16xf32>
    %swap3A_503 = vector.shape_cast %scan3A_472#4 : vector<16xf32> to vector<1x16xf32>
    tpu.vector_store %arg12[%swap3A_499, %swap3A_500], %swap3A_503 {strides = array<i32>} : memref<128x128xf32, #tpu.memory_space<vmem>>, vector<1x16xf32>,
    %swap3A_504 = arith.constant 126 : i32
    %swap3A_505 = arith.index_cast %swap3A_504 : i32 to index
    %swap3A_506 = arith.constant 80 : index
    %swap3A_507 = tpu.vector_load %arg12[%swap3A_505, %swap3A_506] {strides = array<i32>} : memref<128x128xf32, #tpu.memory_space<vmem>>, vector<1x16xf32>,
    %swap3A_508 = vector.shape_cast %swap3A_507 : vector<1x16xf32> to vector<16xf32>
    %swap3A_509 = vector.shape_cast %scan3A_472#5 : vector<16xf32> to vector<1x16xf32>
    tpu.vector_store %arg12[%swap3A_505, %swap3A_506], %swap3A_509 {strides = array<i32>} : memref<128x128xf32, #tpu.memory_space<vmem>>, vector<1x16xf32>,
    %swap3A_510 = arith.constant 126 : i32
    %swap3A_511 = arith.index_cast %swap3A_510 : i32 to index
    %swap3A_512 = arith.constant 96 : index
    %swap3A_513 = tpu.vector_load %arg12[%swap3A_511, %swap3A_512] {strides = array<i32>} : memref<128x128xf32, #tpu.memory_space<vmem>>, vector<1x16xf32>,
    %swap3A_514 = vector.shape_cast %swap3A_513 : vector<1x16xf32> to vector<16xf32>
    %swap3A_515 = vector.shape_cast %scan3A_472#6 : vector<16xf32> to vector<1x16xf32>
    tpu.vector_store %arg12[%swap3A_511, %swap3A_512], %swap3A_515 {strides = array<i32>} : memref<128x128xf32, #tpu.memory_space<vmem>>, vector<1x16xf32>,
    %swap3A_516 = arith.constant 126 : i32
    %swap3A_517 = arith.index_cast %swap3A_516 : i32 to index
    %swap3A_518 = arith.constant 112 : index
    %swap3A_519 = tpu.vector_load %arg12[%swap3A_517, %swap3A_518] {strides = array<i32>} : memref<128x128xf32, #tpu.memory_space<vmem>>, vector<1x16xf32>,
    %swap3A_520 = vector.shape_cast %swap3A_519 : vector<1x16xf32> to vector<16xf32>
    %swap3A_521 = vector.shape_cast %scan3A_472#7 : vector<16xf32> to vector<1x16xf32>
    tpu.vector_store %arg12[%swap3A_517, %swap3A_518], %swap3A_521 {strides = array<i32>} : memref<128x128xf32, #tpu.memory_space<vmem>>, vector<1x16xf32>,
    %swap3A_522 = arith.constant 127 : i32
    %swap3A_523 = arith.index_cast %swap3A_522 : i32 to index
    %swap3A_524 = arith.constant 0 : index
    %swap3A_525 = tpu.vector_load %arg12[%swap3A_523, %swap3A_524] {strides = array<i32>} : memref<128x128xf32, #tpu.memory_space<vmem>>, vector<1x16xf32>,
    %swap3A_526 = vector.shape_cast %swap3A_525 : vector<1x16xf32> to vector<16xf32>
    %swap3A_527 = vector.shape_cast %scan3A_472#8 : vector<16xf32> to vector<1x16xf32>
    tpu.vector_store %arg12[%swap3A_523, %swap3A_524], %swap3A_527 {strides = array<i32>} : memref<128x128xf32, #tpu.memory_space<vmem>>, vector<1x16xf32>,
    %swap3A_528 = arith.constant 127 : i32
    %swap3A_529 = arith.index_cast %swap3A_528 : i32 to index
    %swap3A_530 = arith.constant 16 : index
    %swap3A_531 = tpu.vector_load %arg12[%swap3A_529, %swap3A_530] {strides = array<i32>} : memref<128x128xf32, #tpu.memory_space<vmem>>, vector<1x16xf32>,
    %swap3A_532 = vector.shape_cast %swap3A_531 : vector<1x16xf32> to vector<16xf32>
    %swap3A_533 = vector.shape_cast %scan3A_472#9 : vector<16xf32> to vector<1x16xf32>
    tpu.vector_store %arg12[%swap3A_529, %swap3A_530], %swap3A_533 {strides = array<i32>} : memref<128x128xf32, #tpu.memory_space<vmem>>, vector<1x16xf32>,
    %swap3A_534 = arith.constant 127 : i32
    %swap3A_535 = arith.index_cast %swap3A_534 : i32 to index
    %swap3A_536 = arith.constant 32 : index
    %swap3A_537 = tpu.vector_load %arg12[%swap3A_535, %swap3A_536] {strides = array<i32>} : memref<128x128xf32, #tpu.memory_space<vmem>>, vector<1x16xf32>,
    %swap3A_538 = vector.shape_cast %swap3A_537 : vector<1x16xf32> to vector<16xf32>
    %swap3A_539 = vector.shape_cast %scan3A_472#10 : vector<16xf32> to vector<1x16xf32>
    tpu.vector_store %arg12[%swap3A_535, %swap3A_536], %swap3A_539 {strides = array<i32>} : memref<128x128xf32, #tpu.memory_space<vmem>>, vector<1x16xf32>,
    %swap3A_540 = arith.constant 127 : i32
    %swap3A_541 = arith.index_cast %swap3A_540 : i32 to index
    %swap3A_542 = arith.constant 48 : index
    %swap3A_543 = tpu.vector_load %arg12[%swap3A_541, %swap3A_542] {strides = array<i32>} : memref<128x128xf32, #tpu.memory_space<vmem>>, vector<1x16xf32>,
    %swap3A_544 = vector.shape_cast %swap3A_543 : vector<1x16xf32> to vector<16xf32>
    %swap3A_545 = vector.shape_cast %scan3A_472#11 : vector<16xf32> to vector<1x16xf32>
    tpu.vector_store %arg12[%swap3A_541, %swap3A_542], %swap3A_545 {strides = array<i32>} : memref<128x128xf32, #tpu.memory_space<vmem>>, vector<1x16xf32>,
    %swap3A_546 = arith.constant 127 : i32
    %swap3A_547 = arith.index_cast %swap3A_546 : i32 to index
    %swap3A_548 = arith.constant 64 : index
    %swap3A_549 = tpu.vector_load %arg12[%swap3A_547, %swap3A_548] {strides = array<i32>} : memref<128x128xf32, #tpu.memory_space<vmem>>, vector<1x16xf32>,
    %swap3A_550 = vector.shape_cast %swap3A_549 : vector<1x16xf32> to vector<16xf32>
    %swap3A_551 = vector.shape_cast %scan3A_472#12 : vector<16xf32> to vector<1x16xf32>
    tpu.vector_store %arg12[%swap3A_547, %swap3A_548], %swap3A_551 {strides = array<i32>} : memref<128x128xf32, #tpu.memory_space<vmem>>, vector<1x16xf32>,
    %swap3A_552 = arith.constant 127 : i32
    %swap3A_553 = arith.index_cast %swap3A_552 : i32 to index
    %swap3A_554 = arith.constant 80 : index
    %swap3A_555 = tpu.vector_load %arg12[%swap3A_553, %swap3A_554] {strides = array<i32>} : memref<128x128xf32, #tpu.memory_space<vmem>>, vector<1x16xf32>,
    %swap3A_556 = vector.shape_cast %swap3A_555 : vector<1x16xf32> to vector<16xf32>
    %swap3A_557 = vector.shape_cast %scan3A_472#13 : vector<16xf32> to vector<1x16xf32>
    tpu.vector_store %arg12[%swap3A_553, %swap3A_554], %swap3A_557 {strides = array<i32>} : memref<128x128xf32, #tpu.memory_space<vmem>>, vector<1x16xf32>,
    %swap3A_558 = arith.constant 127 : i32
    %swap3A_559 = arith.index_cast %swap3A_558 : i32 to index
    %swap3A_560 = arith.constant 96 : index
    %swap3A_561 = tpu.vector_load %arg12[%swap3A_559, %swap3A_560] {strides = array<i32>} : memref<128x128xf32, #tpu.memory_space<vmem>>, vector<1x16xf32>,
    %swap3A_562 = vector.shape_cast %swap3A_561 : vector<1x16xf32> to vector<16xf32>
    %swap3A_563 = vector.shape_cast %scan3A_472#14 : vector<16xf32> to vector<1x16xf32>
    tpu.vector_store %arg12[%swap3A_559, %swap3A_560], %swap3A_563 {strides = array<i32>} : memref<128x128xf32, #tpu.memory_space<vmem>>, vector<1x16xf32>,
    %swap3A_564 = arith.constant 127 : i32
    %swap3A_565 = arith.index_cast %swap3A_564 : i32 to index
    %swap3A_566 = arith.constant 112 : index
    %swap3A_567 = tpu.vector_load %arg12[%swap3A_565, %swap3A_566] {strides = array<i32>} : memref<128x128xf32, #tpu.memory_space<vmem>>, vector<1x16xf32>,
    %swap3A_568 = vector.shape_cast %swap3A_567 : vector<1x16xf32> to vector<16xf32>
    %swap3A_569 = vector.shape_cast %scan3A_472#15 : vector<16xf32> to vector<1x16xf32>
    tpu.vector_store %arg12[%swap3A_565, %swap3A_566], %swap3A_569 {strides = array<i32>} : memref<128x128xf32, #tpu.memory_space<vmem>>, vector<1x16xf32>,
    %mul3A_570 = arith.constant 256 : i32
    %mul3A_571 = arith.muli %add3A, %mul3A_570 : i32
    %add3A_572 = arith.constant 128 : i32
    %add3A_573 = arith.addi %mul3A_571, %add3A_572 : i32
    "tpu.region"() ({
      %run_scoped3A = tpu.sem_alloc : memref<!tpu.dma_semaphore, #tpu.memory_space<semaphore_mem>>
      %dma_start3A_574 = arith.constant 0 : i32
      %dma_start3A_575 = tpu.memref_slice %arg5[%add3A_573, %dma_start3A_574] : memref<8192x128xf32, #tpu.memory_space<hbm>> -> memref<128x128xf32, #tpu.memory_space<hbm>>
      %dma_start3A_576 = arith.constant 0 : i32
      %dma_start3A_577 = tpu.memref_slice %arg5[%add3A_573, %dma_start3A_576] : memref<8192x128xf32, #tpu.memory_space<hbm>> -> memref<128x128xf32, #tpu.memory_space<hbm>>
      tpu.enqueue_dma source(%arg12 : memref<128x128xf32, #tpu.memory_space<vmem>>) target(%dma_start3A_577 : memref<128x128xf32, #tpu.memory_space<hbm>>) target_semaphore(%run_scoped3A : memref<!tpu.dma_semaphore, #tpu.memory_space<semaphore_mem>>)
      %dma_wait3A_578 = arith.constant 0 : i32
      %dma_wait3A_579 = tpu.memref_slice %arg5[%add3A_573, %dma_wait3A_578] : memref<8192x128xf32, #tpu.memory_space<hbm>> -> memref<128x128xf32, #tpu.memory_space<hbm>>
      %dma_wait3A_580 = arith.constant 0 : i32
      %dma_wait3A_581 = tpu.memref_slice %arg5[%add3A_573, %dma_wait3A_580] : memref<8192x128xf32, #tpu.memory_space<hbm>> -> memref<128x128xf32, #tpu.memory_space<hbm>>
      tpu.wait_dma2 semaphore(%run_scoped3A : memref<!tpu.dma_semaphore, #tpu.memory_space<semaphore_mem>>) src(%arg12 : memref<128x128xf32, #tpu.memory_space<vmem>>) dst(%dma_wait3A_581 : memref<128x128xf32, #tpu.memory_space<hbm>>)
      tpu.yield
    }) : () -> ()
    return
  }
}

module attributes {stable_mosaic.version = 14 : i64} {
  func.func @_tpad_body(%arg0: i32, %arg1: memref<64x16384xf32, #tpu.memory_space<vmem>>, %arg2: memref<16384x128xf32, #tpu.memory_space<vmem>>) attributes {dimension_semantics = [#tpu.dimension_semantics<arbitrary>], iteration_bounds = array<i64: 62>, scalar_prefetch = 0 : i64, scratch_operands = 0 : i64, tpu.core_type = #tpu.core_type<tc>, window_params = [{transform_indices = @transform_0, window_bounds = array<i64: 64, 16384>}, {transform_indices = @transform_1, window_bounds = array<i64: 16384, 128>}]} {
    %get3A = arith.constant 0 : index
    %get3A_0 = arith.constant 0 : index
    %get3A_1 = vector.load %arg1[%get3A, %get3A_0] : memref<64x16384xf32, #tpu.memory_space<vmem>>, vector<64x16384xf32>
    %transpose3A = tpu.transpose %get3A_1, [1, 0] : vector<64x16384xf32> -> vector<16384x64xf32>
    %broadcast_in_dim3A = arith.constant 0.000000e+00 : f32
    %broadcast_in_dim3A_2 = vector.broadcast %broadcast_in_dim3A : f32 to vector<16384x64xf32>
    %concatenate3A = tpu.concatenate %transpose3A, %broadcast_in_dim3A_2 in 1 : vector<16384x64xf32>, vector<16384x64xf32> -> vector<16384x128xf32>
    %swap3A = arith.constant 0 : index
    %swap3A_3 = arith.constant 0 : index
    %swap3A_4 = vector.load %arg2[%swap3A, %swap3A_3] : memref<16384x128xf32, #tpu.memory_space<vmem>>, vector<16384x128xf32>
    tpu.vector_store %arg2[%swap3A, %swap3A_3], %concatenate3A {strides = array<i32>} : memref<16384x128xf32, #tpu.memory_space<vmem>>, vector<16384x128xf32>,
    return
  }
  func.func @transform_0(%arg0: i32) -> (i32, i32) {
    %c0_i32 = arith.constant 0 : i32
    %c0_i32_0 = arith.constant 0 : i32
    return %c0_i32, %arg0 : i32, i32
  }
  func.func @transform_1(%arg0: i32) -> (i32, i32) {
    %c0_i32 = arith.constant 0 : i32
    %c0_i32_0 = arith.constant 0 : i32
    return %arg0, %c0_i32 : i32, i32
  }
}

module attributes {stable_mosaic.version = 14 : i64} {
  func.func @_proj_body(%arg0: memref<8192x128xf32, #tpu.memory_space<vmem>>, %arg1: memref<128x4xf32, #tpu.memory_space<vmem>>, %arg2: memref<1x4xf32, #tpu.memory_space<vmem>>, %arg3: memref<8192x4xf32, #tpu.memory_space<vmem>>) attributes {dimension_semantics = [], scalar_prefetch = 0 : i64, scratch_operands = 0 : i64, tpu.core_type = #tpu.core_type<tc>} {
    %get3A = arith.constant 0 : index
    %get3A_0 = arith.constant 0 : index
    %get3A_1 = vector.load %arg0[%get3A, %get3A_0] : memref<8192x128xf32, #tpu.memory_space<vmem>>, vector<8192x128xf32>
    %get3A_2 = arith.constant 0 : index
    %get3A_3 = arith.constant 0 : index
    %get3A_4 = vector.load %arg1[%get3A_2, %get3A_3] : memref<128x4xf32, #tpu.memory_space<vmem>>, vector<128x4xf32>
    %dot_general3A = arith.constant dense<0.000000e+00> : vector<8192x4xf32>
    %dot_general3A_5 = tpu.matmul %get3A_1, %get3A_4, %dot_general3A {dimension_numbers = #tpu.dot_dimension_numbers<[1], [0], [0], [1], [0, 0, 1, 1], [], []>, transpose_lhs_hint = false} : vector<8192x128xf32>, vector<128x4xf32>, vector<8192x4xf32> -> vector<8192x4xf32>
    %get3A_6 = arith.constant 0 : index
    %get3A_7 = arith.constant 0 : index
    %get3A_8 = vector.load %arg2[%get3A_6, %get3A_7] : memref<1x4xf32, #tpu.memory_space<vmem>>, vector<1x4xf32>
    %add3A = vector.broadcast %get3A_8 : vector<1x4xf32> to vector<8192x4xf32>
    %add3A_9 = arith.addf %dot_general3A_5, %add3A : vector<8192x4xf32>
    %swap3A = arith.constant 0 : index
    %swap3A_10 = arith.constant 0 : index
    %swap3A_11 = vector.load %arg3[%swap3A, %swap3A_10] : memref<8192x4xf32, #tpu.memory_space<vmem>>, vector<8192x4xf32>
    tpu.vector_store %arg3[%swap3A, %swap3A_10], %add3A_9 {strides = array<i32>} : memref<8192x4xf32, #tpu.memory_space<vmem>>, vector<8192x4xf32>,
    return
  }
}

</mosaic_0001>

<sc_bundles>
// kernel: kernel.5.cloned.1.call-start
scs
__scs_entry_jumppad:
0x0: {  	(pc) =	sbr.rel $0x88, $3  }
0x1: {  	(tag) =	ssettag $0x0;
	lr =	simm.s32 $0x1  }
0x2: {  	[smem:$0x3F9D] =	sst lr;
	_ =	strace $0xD0000000  }
0x3: {  	_ = 	snop  }
0x4: {  	_ = 	snop  }
0x5: {  	_ = 	snop  }
0x6: {  	_ = 	snop  }
0x7: {  	_ = 	snop  }
__scs_overlays_trampoline_lowered:
0x8: {  	[smem:$0x3FAC] =	sst s0  }
0x9: {  	[smem:$0x3FAD] =	sst s1  }
0xa: {  	[smem:$0x3FAE] =	sst s2  }
0xb: {  	[smem:$0x3FAF] =	sst s3  }
0xc: {  	[smem:$0x3FB0] =	sst s4  }
0xd: {  	[smem:$0x3FB1] =	sst s5  }
0xe: {  	[smem:$0x3FB2] =	sst s6  }
0xf: {  	[smem:$0x3FB3] =	sst s7  }
0x10: {  	[smem:$0x3FB4] =	sst s8  }
0x11: {  	[smem:$0x3FB5] =	sst s9;
	s0 =	simm.s32 @!p0 $0x0  }
0x12: {  	s1 =	sld [smem:$0x3F9B];
	s0 =	simm.s32 @p0 $0x1  }
0x13: {  	[smem:$0x3FB6] =	sst s0;
	s0 =	simm.s32 @!p1 $0x0  }
0x14: {  	s2 =	sld [smem:$0x3F9A];
	s0 =	simm.s32 @p1 $0x1  }
0x15: {  	[smem:$0x3FB7] =	sst s0;
	s0 =	simm.s32 @!p2 $0x0  }
0x16: {  	s3 =	sld [smem:$0x3FDB];
	s0 =	simm.s32 @p2 $0x1  }
0x17: {  	s4 =	simm.s32 $0x1BF5;
	[smem:$0x3FB9] =	sst s0  }
0x18: {  	s0 =	sld [smem:$0x3F9C];
	_ =	swait.ge [sflag:s4], $0x0  }
0x19: {  	s7 =	sld [smem:$0x3F9D]  }
0x1a: {  	s8 =	sadd.s32 $0xFFFFE003, lr  }
0x1b: {  	s9 =	sadd.s32 $0xFFFFFEF7, lr;
	s5 =	simm.s32 $0xFFFFFFFF;
	p2 =	slt.u32 s8, $0xFFFFF086  }
0x1c: {  	p1 =	slt.u32 s9, $0xF7A;
	s5 =	simm.s32 @!p2 $0x0  }
0x1d: {  	s5 =	simm.s32 @p1 $0x1;
	p0 =	seq.s32 s7, s2  }
0x1e: {  	s7 =	smul.u32 @!p0 $0xF7A, s2;
	p2 =	seq.s32 @!p0 s5, $0x0  }
0x1f: {  	s9 =	smul.u32 $0xF7A, s1;
	s8 =	simm.s32 @!p0 $0x1BF5;
	p2 =	por !p2, p0  }
0x20: {  	[sflag:s8] =	ssyncset.s32 @!p0 $0xFFFFF086;
	s6 =	sadd.s32 @!p0 s3, s7;
	s7 =	simm.s32 @!p0 $0x108  }
0x21: {  	s3 =	sadd.s32 s3, s9;
	s6 =	sadd.s32 @!p0 $0x88, s6;
	s7 =	simm.s32 @p2 $0x1082  }
0x22: {  	[simem:s7], [sflag:s8] =	dma.local @!p0 [hbm:s6], $0xF7A  }
0x23: {  	s9 =	sor.u32 $0xD0000000, s2;
	s6 =	simm.s32 $0x108;
	_ =	swait.ge @!p0 [sflag:s8], $0x0  }
0x24: {  	s3 =	sadd.s32 $0x88, s3;
	s6 =	simm.s32 @!p1 $0x1082;
	[sflag:s4] =	ssyncset.s32 $0xFFFFF086  }
0x25: {  	[simem:s6], [sflag:s4] =	dma.local [hbm:s3], $0xF7A  }
0x26: {  	[smem:$0x3F9D] =	sst s1;
	(tag) =	ssettag s2;
	_ =	strace s9  }
0x27: {  	s1 =	sld [smem:$0x3FAD]  }
0x28: {  	s2 =	sld [smem:$0x3FAE]  }
0x29: {  	s4 =	sld [smem:$0x3FB0]  }
0x2a: {  	p0 =	seq.s32 s5, $0x0;
	s5 =	sld [smem:$0x3FB1]  }
0x2b: {  	s6 =	sld [smem:$0x3FB2]  }
0x2c: {  	s7 =	sld [smem:$0x3FB3]  }
0x2d: {  	s3 =	simm.s32 $0x108;
	s8 =	sld [smem:$0x3FB4]  }
0x2e: {  	s3 =	simm.s32 @!p0 $0x1082;
	s9 =	sld [smem:$0x3FB5]  }
0x2f: {  	lr =	sadd.s32 s0, s3;
	s0 =	sld [smem:$0x3FAC]  }
0x30: {  	s3 =	sld [smem:$0x3FAF]  }
0x31: {  	[smem:$0x3FB8] =	sst s10  }
0x32: {  	s10 =	sld [smem:$0x3FB6];
	_ =	sdelay $0x3  }
0x33: {  	p0 =	seq.s32 s10, $0x1;
	s10 =	sld [smem:$0x3FB8];
	_ =	sdelay $0x3  }
0x34: {  	[smem:$0x3FB8] =	sst s10  }
0x35: {  	s10 =	sld [smem:$0x3FB7];
	_ =	sdelay $0x3  }
0x36: {  	p1 =	seq.s32 s10, $0x1;
	s10 =	sld [smem:$0x3FB8];
	_ =	sdelay $0x3  }
0x37: {  	[smem:$0x3FB8] =	sst s10  }
0x38: {  	s10 =	sld [smem:$0x3FB9]  }
0x39: {  	_ = 	snop;
	(pc) =	sbr.ind lr, $3  }
0x3a: {  	_ = 	snop  }
0x3b: {  	_ = 	snop  }
0x3c: {  	p2 =	seq.s32 s10, $0x1;
	s10 =	sld [smem:$0x3FB8]  }
0x3d: {  	_ =	shalt  }
0x3e: {  	_ =	shalt  }
0x3f: {  	_ =	shalt  }
0x40: {  	_ =	shalt  }
0x41: {  	_ =	shalt  }
0x42: {  	_ =	shalt  }
0x43: {  	_ =	shalt  }
0x44: {  	_ =	shalt  }
0x45: {  	_ =	shalt  }
0x46: {  	_ =	shalt  }
0x47: {  	_ =	shalt  }
0x48: {  	_ =	shalt  }
0x49: {  	_ =	shalt  }
0x4a: {  	_ =	shalt  }
0x4b: {  	_ =	shalt  }
0x4c: {  	_ =	shalt  }
0x4d: {  	_ =	shalt  }
0x4e: {  	_ =	shalt  }
0x4f: {  	_ =	shalt  }
0x50: {  	_ =	shalt  }
0x51: {  	_ =	shalt  }
0x52: {  	_ =	shalt  }
0x53: {  	_ =	shalt  }
0x54: {  	_ =	shalt  }
0x55: {  	_ =	shalt  }
0x56: {  	_ =	shalt  }
0x57: {  	_ =	shalt  }
0x58: {  	_ =	shalt  }
0x59: {  	_ =	shalt  }
0x5a: {  	_ =	shalt  }
0x5b: {  	_ =	shalt  }
0x5c: {  	_ =	shalt  }
0x5d: {  	_ =	shalt  }
0x5e: {  	_ =	shalt  }
0x5f: {  	_ =	shalt  }
0x60: {  	_ =	shalt  }
0x61: {  	_ =	shalt  }
0x62: {  	_ =	shalt  }
0x63: {  	_ =	shalt  }
0x64: {  	_ =	shalt  }
0x65: {  	_ =	shalt  }
0x66: {  	_ =	shalt  }
0x67: {  	_ =	shalt  }
0x68: {  	_ =	shalt  }
0x69: {  	_ =	shalt  }
0x6a: {  	_ =	shalt  }
0x6b: {  	_ =	shalt  }
0x6c: {  	_ =	shalt  }
0x6d: {  	_ =	shalt  }
0x6e: {  	_ =	shalt  }
0x6f: {  	_ =	shalt  }
0x70: {  	_ =	shalt  }
0x71: {  	_ =	shalt  }
0x72: {  	_ =	shalt  }
0x73: {  	_ =	shalt  }
0x74: {  	_ =	shalt  }
0x75: {  	_ =	shalt  }
0x76: {  	_ =	shalt  }
0x77: {  	_ =	shalt  }
0x78: {  	_ =	shalt  }
0x79: {  	_ =	shalt  }
0x7a: {  	_ =	shalt  }
0x7b: {  	_ =	shalt  }
0x7c: {  	_ =	shalt  }
0x7d: {  	_ =	shalt  }
0x7e: {  	_ =	shalt  }
0x7f: {  	_ =	shalt  }
0x80: {  	_ =	shalt  }
0x81: {  	_ =	shalt  }
0x82: {  	_ =	shalt  }
0x83: {  	_ =	shalt  }
0x84: {  	_ =	shalt  }
0x85: {  	_ =	shalt  }
0x86: {  	_ =	shalt  }
0x87: {  	_ =	shalt  }
.Lfunc_end0:
.L_simem_size_0:
called_computation_lowered:
.L_overlay_start_0:
0x88: {  	s2 =	sld [smem:$0x3FD9]  }
0x89: {  	s3 =	sld [smem:$0x3FFE];
	_ =	sdelay $0x1  }
0x8a: {  	s1 =	srdreg.scid  }
0x8b: {  	s0 =	sand.u32 $0x1, s1  }
0x8c: {  	s16 =	sshll.u32 s0, $0xA;
	s2 =	sadd.s32 s3, s2  }
0x8d: {  	s2 =	sadd.s32 s2, s16  }
0x8e: {  	[smem:$0x3FC4] =	sst s2  }
0x8f: {  	_ = 	snop  }
0x90: {  	(tm) =	ssettm $0x1  }
0x91: {  	s17 =	sld [smem:$0x3FFB];
	_ =	sdelay $0x3  }
0x92: {  	_ =	strace s17  }
0x93: {  	s2 =	sld [smem:$0x3FFC];
	_ =	sdelay $0x3  }
0x94: {  	_ =	strace s2  }
0x95: {  	s2 =	sld [smem:$0x3FFD];
	_ =	sdelay $0x3  }
0x96: {  	_ =	strace s2  }
0x97: {  	_ =	strace $0x8FFFFFFF  }
0x98: {  	s18 =	sld [smem:$0x3FDB];
	_ =	sdelay $0x1  }
0x99: {  	s19 =	simm.s32 $_scs_section_size  }
0x9a: {  	s4 =	simm.s32 $_size__tile_overlayer_lowered;
	s5 =	simm.s32 $_tile_overlayer_lowered  }
0x9b: {  	s22 =	simm.s32 $0x1BFF;
	s21 =	sshll.u32 s5, $0x1;
	s2 =	sadd.s32 s19, s18  }
0x9c: {  	s6 =	simm.s32 $0x0;
	s20 =	sshll.u32 s4, $0x1;
	s4 =	sadd.s32 s21, s2  }
0x9d: {  	[timem:s6], [sflag:s22] =	dma.local [hbm:s4], s20  }
0x9e: {  	_ =	swait.ge [sflag:s22], s20  }
0x9f: {  	s3 =	ssub.s32 $0x0, s20;
	[sflag:s22] =	ssyncset.done $0x0  }
0xa0: {  	[sflag:s22] =	ssyncadd.s32 s3;
	_ =	sdelay $0x1  }
0xa1: {  	s23 =	simm.s32 $0x1B8B  }
0xa2: {  	_ =	swait.ge [sflag:s23], $0x1  }
0xa3: {  	[sflag:s23] =	ssyncset.done $0x0  }
0xa4: {  	s25 =	simm.s32 $0x1B8E;
	s24 =	sld [smem:$0x3FFE];
	[sflag:s23] =	ssyncadd.s32 $0xFFFFFFFF  }
0xa5: {  	s26 =	simm.s32 $execute0_lowered;
	[smem:$0x3FD2] =	sst s25  }
0xa6: {  	s4 =	sshll.u32 s26, $0x1;
	_ =	strace $0x80000046;
	[dreg:$0x1] =	wrdreg $0xFFFFFFFF  }
0xa7: {  	s28 =	simm.s32 $_size_execute0_lowered;
	s2 =	sadd.s32 s2, s4;
	[dreg:$0x0] =	wrdreg $0x0  }
0xa8: {  	s4 =	sshll.u32 s28, $0x1;
	[dreg:$0x2] =	wrdreg s2  }
0xa9: {  	[dreg:$0x3] =	wrdreg s4  }
0xaa: {  	[dreg:$0x4] =	wrdreg $0xC0  }
0xab: {  	_ =	task [dreg:s6], $0x5FFFF  }
0xac: {  	[dreg:$0x1] =	wrdreg $0xFFFFFFFF  }
0xad: {  	[dreg:$0x0] =	wrdreg $0x60  }
0xae: {  	[dreg:$0x2] =	wrdreg s24  }
0xaf: {  	[dreg:$0x3] =	wrdreg $0x9  }
0xb0: {  	_ =	task.clear_ibuf [dreg:s6], $0x4FFFF;
	_ =	strace $0x90000046  }
0xb1: {  	s29 =	simm.s32 $0x9;
	_ =	strace $0x80000048  }
0xb2: {  	_ =	swait.ge [sflag:s29], $0x1  }
0xb3: {  	[sflag:s29] =	ssyncadd.s32 $0xFFFFFFFF  }
0xb4: {  	_ =	strace $0x90000048  }
0xb5: {  	_ =	sfence  }
0xb6: {  	s30 =	sld [smem:$0x0];
	_ =	sdelay $0x2  }
0xb7: {  	s31 =	sshll.u32 s1, $0xD;
	s1 =	sshrl.u32 s1, $0x2  }
0xb8: {  	s3 =	sand.u32 $0x4000, s31;
	s1 =	sadd.s32 s1, s30  }
0xb9: {  	s0 =	sor.u32 s3, s0;
	s1 =	sshll.u32 s1, $0x11  }
0xba: {  	s0 =	sor.u32 s1, s0  }
0xbb: {  	s0 =	sadd.s32 $0x8F2B, s0  }
0xbc: {  	[sflag:s0] =	ssyncadd.remote.s32 $0x1  }
0xbd: {  	_ =	sfence.sel $0xFFFF  }
0xbe: {  	[dreg:$0x0] =	wrdreg $0xFFFFFFFF;
	(pc) =	sbr.abs _section_cstart, $3  }
0xbf: {  	[dreg:$0x1] =	wrdreg $0xFFFFFFFF  }
0xc0: {  	_ =	task.clear_ibuf [dreg:s6], $0x2FFFF;
	_ =	strace $0x9FFFFFFF  }
0xc1: {  	(tm) =	ssettm $0x7FFFFFFF  }
tec
execute0_lowered:
.L_overlay_start_1:
0x0: {  	(tag) =	ssettag $0x1  }
0x1: {  	s0 =	rddreg [dreg:$0x0]  }
0x2: {  	s8 =	simm.s32 $0x0;
	s1 =	srdreg.scid;
	s2 =	stileid.u32  }
0x3: {  	s15 =	simm.s32 $0x400;
	s16 =	simm.s32 $0x3;
	s17 =	simm.s32 $0x80  }
0x4: {  	s19 =	simm.s32 $0x48;
	s18 =	simm.s32 $0x12200;
	s20 =	simm.s32 $0x300  }
0x5: {  	s21 =	simm.s32 $0x13400;
	s22 =	simm.s32 $0x700;
	s23 =	simm.s32 $0x15400  }
0x6: {  	s28 =	simm.s32 $0x18600;
	s29 =	simm.s32 $0x1;
	s30 =	simm.s32 $0x2  }
0x7: {  	s13 =	simm.s32 $0x0;
	[smem:$0x7FF] =	sst s8;
	s1 =	sand.u32 $0x1, s1  }
0x8: {  	s2 =	sshll.u32 s2, $0x1;
	s3 =	sadd.s32 $0x1400, s0;
	s4 =	sadd.s32 $0x41400, s0  }
0x9: {  	s5 =	sadd.s32 $0x81400, s0;
	s2 =	sor.u32 s1, s2;
	s1 =	ssub.s32 $0x2, s1  }
0xa: {  	_ =	strace $0x80000047;
	s6 =	sshll.u32 s2, $0xC;
	s24 =	sshrl.u32 s1, $0x1  }
0xb: {  	s7 =	sshll.u32 s2, $0xD;
	s2 =	sshll.u32 s2, $0x9;
	s0 =	sadd.s32 s6, s0  }
0xc: {  	s1 =	ssub.s32 s1, s24;
	s25 =	sor.u32 $0x40, s7;
	s9 =	sadd.s32 s3, s7  }
0xd: {  	s7 =	sadd.s32 s4, s7;
	s10 =	sor.u32 $0x8, s2;
	s11 =	sor.u32 $0xC, s2  }
0xe: {  	s2 =	simm.s32 $0x680;
	s24 =	simm.s32 $0x380;
	[dreg:$0x2] =	wrdreg s9  }
0xf: {  	[dreg:$0x3] =	wrdreg s7;
	s26 =	sadd.s32 s3, s25;
	s6 =	sadd.s32 s4, s25  }
0x10: {  	s12 =	sadd.s32 $0xFC3800, s0;
	s0 =	sadd.s32 $0xFC4000, s0;
	[dreg:$0x4] =	wrdreg s26  }
0x11: {  	s31 =	smax.u32 s1, $0x1;
	s1 =	simm.s32 $0x200;
	[dreg:$0x5] =	wrdreg s6  }
0x12: {  	s7 =	simm.s32 $0x4;
	s25 =	simm.s32 $0x16600;
	[dreg:$0x6] =	wrdreg s0  }
0x13: {  	[dreg:$0x7] =	wrdreg s31;
	s6 =	simm.s32 $0x600;
	s26 =	simm.s32 $0x780  }
.LBB2_1:
0x14: {  	[dreg:$0x8] =	wrdreg s13  }
0x15: {  	s0 =	rddreg [dreg:$0x2]  }
0x16: {  	[tilespmem:s8], [sflag:$0x3] =	stream.linear.gather [hbm4b:s0+s8], $0x200, $0x38;
	[tilespmem:$0x1D800] =	vst v63  }
0x17: {  	s13 =	rddreg [dreg:$0x3]  }
0x18: {  	[tilespmem:s15], [sflag:$0x3] =	stream.linear.gather [hbm4b:s13+s8], $0x200, $0x38;
	[tilespmem:$0x1D800] =	vst v63  }
0x19: {  	_ =	swait.ge [sflag:s16], $0x200  }
0x1a: {  	[sflag:s16] =	ssyncset.done $0x0  }
0x1b: {  	[sflag:s16] =	ssyncadd.s32 $0xFFFFFE00  }
0x1c: {  	_ =	swait.ge [sflag:s16], $0x200  }
0x1d: {  	[sflag:s16] =	ssyncset.done $0x0  }
0x1e: {  	s14 =	simm.s32 $0x800;
	[sflag:s16] =	ssyncadd.s32 $0xFFFFFE00  }
0x1f: {  	[tilespmem:s14], [sflag:$0x1] =	stream.indirect.gather [hbm4b:s5+s17], $0x40, s8, s17, $0xb8;
	[tilespmem:$0x1D800] =	vst v63  }
0x20: {  	s9 =	simm.s32 $0x2800  }
0x21: {  	[tilespmem:s9], [sflag:$0x1] =	stream.indirect.gather [hbm4b:s5+s19], $0x40, s15, s19, $0xb8;
	[tilespmem:$0x1D800] =	vst v63  }
0x22: {  	s13 =	simm.s32 $0x3A00  }
0x23: {  	[tilespmem:s13], [sflag:$0x1] =	stream.indirect.gather [hbm4b:s5+s17], $0x40, s17, s17, $0xb8;
	[tilespmem:$0x1D800] =	vst v63  }
0x24: {  	s14 =	simm.s32 $0x480;
	s9 =	simm.s32 $0x5A00  }
0x25: {  	[tilespmem:s9], [sflag:$0x1] =	stream.indirect.gather [hbm4b:s5+s19], $0x40, s14, s19, $0xb8;
	[tilespmem:$0x1D800] =	vst v63  }
0x26: {  	s13 =	simm.s32 $0x100;
	s14 =	simm.s32 $0x6C00  }
0x27: {  	[tilespmem:s14], [sflag:$0x1] =	stream.indirect.gather [hbm4b:s5+s17], $0x40, s13, s17, $0xb8;
	[tilespmem:$0x1D800] =	vst v63  }
0x28: {  	s13 =	simm.s32 $0x500;
	s14 =	simm.s32 $0x8C00  }
0x29: {  	[tilespmem:s14], [sflag:$0x1] =	stream.indirect.gather [hbm4b:s5+s19], $0x40, s13, s19, $0xb8;
	[tilespmem:$0x1D800] =	vst v63  }
0x2a: {  	s13 =	simm.s32 $0x180;
	s14 =	simm.s32 $0x9E00  }
0x2b: {  	[tilespmem:s14], [sflag:$0x1] =	stream.indirect.gather [hbm4b:s5+s17], $0x40, s13, s17, $0xb8;
	[tilespmem:$0x1D800] =	vst v63  }
0x2c: {  	s13 =	simm.s32 $0x580;
	s14 =	simm.s32 $0xBE00  }
0x2d: {  	[tilespmem:s14], [sflag:$0x1] =	stream.indirect.gather [hbm4b:s5+s19], $0x40, s13, s19, $0xb8;
	[tilespmem:$0x1D800] =	vst v63  }
0x2e: {  	s13 =	rddreg [dreg:$0x4]  }
0x2f: {  	[tilespmem:s1], [sflag:$0x4] =	stream.linear.gather [hbm4b:s13+s8], $0x200, $0x38;
	[tilespmem:$0x1D800] =	vst v63  }
0x30: {  	s31 =	simm.s32 $0x0;
	s14 =	rddreg [dreg:$0x5]  }
0x31: {  	[tilespmem:s6], [sflag:$0x4] =	stream.linear.gather [hbm4b:s14+s8], $0x200, $0x38;
	[tilespmem:$0x1D800] =	vst v63  }
.LBB2_2:
0x32: {  	_ =	swait.ge [sflag:s7], $0x200  }
0x33: {  	[sflag:s7] =	ssyncset.done $0x0  }
0x34: {  	[sflag:s7] =	ssyncadd.s32 $0xFFFFFE00  }
0x35: {  	_ =	swait.ge [sflag:s7], $0x200  }
0x36: {  	[sflag:s7] =	ssyncset.done $0x0  }
0x37: {  	s0 =	simm.s32 $0xD000;
	[sflag:s7] =	ssyncadd.s32 $0xFFFFFE00  }
0x38: {  	[tilespmem:s0], [sflag:$0x2] =	stream.indirect.gather [hbm4b:s5+s17], $0x40, s1, s17, $0xb8;
	[tilespmem:$0x1D800] =	vst v63  }
0x39: {  	s8 =	simm.s32 $0xF000  }
0x3a: {  	[tilespmem:s8], [sflag:$0x2] =	stream.indirect.gather [hbm4b:s5+s19], $0x40, s6, s19, $0xb8;
	[tilespmem:$0x1D800] =	vst v63  }
0x3b: {  	s9 =	simm.s32 $0x280;
	s8 =	simm.s32 $0x10200  }
0x3c: {  	[tilespmem:s8], [sflag:$0x2] =	stream.indirect.gather [hbm4b:s5+s17], $0x40, s9, s17, $0xb8;
	[tilespmem:$0x1D800] =	vst v63  }
0x3d: {  	_ = 	snop  }
0x3e: {  	[tilespmem:s18], [sflag:$0x2] =	stream.indirect.gather [hbm4b:s5+s19], $0x40, s2, s19, $0xb8;
	[tilespmem:$0x1D800] =	vst v63  }
0x3f: {  	_ = 	snop  }
0x40: {  	[tilespmem:s21], [sflag:$0x2] =	stream.indirect.gather [hbm4b:s5+s17], $0x40, s20, s17, $0xb8;
	[tilespmem:$0x1D800] =	vst v63  }
0x41: {  	_ = 	snop  }
0x42: {  	[tilespmem:s23], [sflag:$0x2] =	stream.indirect.gather [hbm4b:s5+s19], $0x40, s22, s19, $0xb8;
	[tilespmem:$0x1D800] =	vst v63  }
0x43: {  	_ = 	snop  }
0x44: {  	[tilespmem:s25], [sflag:$0x2] =	stream.indirect.gather [hbm4b:s5+s17], $0x40, s24, s17, $0xb8;
	[tilespmem:$0x1D800] =	vst v63  }
0x45: {  	_ = 	snop  }
0x46: {  	[tilespmem:s28], [sflag:$0x2] =	stream.indirect.gather [hbm4b:s5+s19], $0x40, s26, s19, $0xb8;
	[tilespmem:$0x1D800] =	vst v63  }
0x47: {  	_ =	swait.ge [sflag:s29], $0x2000  }
0x48: {  	[sflag:s29] =	ssyncset.done $0x0  }
0x49: {  	[sflag:s29] =	ssyncadd.s32 $0xFFFFE000  }
0x4a: {  	_ =	swait.ge [sflag:s29], $0x1200  }
0x4b: {  	[sflag:s29] =	ssyncset.done $0x0  }
0x4c: {  	[sflag:s29] =	ssyncadd.s32 $0xFFFFEE00  }
0x4d: {  	_ =	swait.ge [sflag:s29], $0x2000  }
0x4e: {  	[sflag:s29] =	ssyncset.done $0x0  }
0x4f: {  	[sflag:s29] =	ssyncadd.s32 $0xFFFFE000  }
0x50: {  	_ =	swait.ge [sflag:s29], $0x1200  }
0x51: {  	[sflag:s29] =	ssyncset.done $0x0  }
0x52: {  	[sflag:s29] =	ssyncadd.s32 $0xFFFFEE00  }
0x53: {  	_ =	swait.ge [sflag:s29], $0x2000  }
0x54: {  	[sflag:s29] =	ssyncset.done $0x0  }
0x55: {  	[sflag:s29] =	ssyncadd.s32 $0xFFFFE000  }
0x56: {  	_ =	swait.ge [sflag:s29], $0x1200  }
0x57: {  	[sflag:s29] =	ssyncset.done $0x0  }
0x58: {  	[sflag:s29] =	ssyncadd.s32 $0xFFFFEE00  }
0x59: {  	_ =	swait.ge [sflag:s29], $0x2000  }
0x5a: {  	s8 =	sshll.u32 s31, $0x3;
	[sflag:s29] =	ssyncset.done $0x0  }
0x5b: {  	s13 =	sadd.s32 s8, s10;
	[sflag:s29] =	ssyncadd.s32 $0xFFFFE000  }
0x5c: {  	s0 =	sshll.u32 s13, $0x4;
	_ =	swait.ge [sflag:s29], $0x1200  }
0x5d: {  	s0 =	sand.u32 $0x1FFFFF80, s0;
	[sflag:s29] =	ssyncset.done $0x0  }
0x5e: {  	s13 =	simm.s32 $0x0;
	s9 =	sadd.s32 s3, s0;
	[sflag:s29] =	ssyncadd.s32 $0xFFFFEE00  }
0x5f: {  	[tilespmem:s13], [sflag:$0x3] =	stream.linear.gather [hbm4b:s9+s13], $0x200, $0x38;
	[tilespmem:$0x1D800] =	vst v63  }
0x60: {  	s14 =	simm.s32 $0x0;
	s0 =	sadd.s32 s4, s0  }
0x61: {  	[tilespmem:s15], [sflag:$0x3] =	stream.linear.gather [hbm4b:s0+s13], $0x200, $0x38;
	[tilespmem:$0x1D800] =	vst v63  }
0x62: {  	v0 =	vld [tilespmem:s14+$0x9E30]  }
0x63: {  	v1 =	vld [tilespmem:s14+$0x9E70]  }
0x64: {  	v2 =	vld [tilespmem:s14+$0x800]  }
0x65: {  	v3 =	vld [tilespmem:s14+$0x840]  }
0x66: {  	v4 =	vld [tilespmem:s14+$0x810]  }
0x67: {  	v5 =	vld [tilespmem:s14+$0x850]  }
0x68: {  	v6 =	vld [tilespmem:s14+$0x820]  }
0x69: {  	v7 =	vld [tilespmem:s14+$0x860]  }
0x6a: {  	v8 =	vld [tilespmem:s14+$0x830]  }
0x6b: {  	v9 =	vld [tilespmem:s14+$0x870]  }
0x6c: {  	v10 =	vld [tilespmem:s14+$0x3A00]  }
0x6d: {  	v13 =	vld [tilespmem:s14+$0x3A40]  }
0x6e: {  	v14 =	vld [tilespmem:s14+$0x3A10]  }
0x6f: {  	v16 =	vld [tilespmem:s14+$0x3A50]  }
0x70: {  	v17 =	vld [tilespmem:s14+$0x3A20]  }
0x71: {  	v18 =	vld [tilespmem:s14+$0x3A60]  }
0x72: {  	v19 =	vld [tilespmem:s14+$0x3A30]  }
0x73: {  	v20 =	vld [tilespmem:s14+$0x3A70]  }
0x74: {  	v21 =	vld [tilespmem:s14+$0x6C00]  }
0x75: {  	v22 =	vld [tilespmem:s14+$0x6C40]  }
0x76: {  	v23 =	vld [tilespmem:s14+$0x6C10]  }
0x77: {  	v24 =	vld [tilespmem:s14+$0x6C50]  }
0x78: {  	v25 =	vld [tilespmem:s14+$0x6C20]  }
0x79: {  	v26 =	vld [tilespmem:s14+$0x6C30];
	v0 =	vmax.f32 v0, v1;
	v1 =	vimm.f32 $-Inf;
	v2 =	vmax.f32 v2, v3  }
0x7a: {  	v3 =	vld [tilespmem:s14+$0x6C60];
	v4 =	vmax.f32 v4, v5;
	v5 =	vmax.f32 v6, v7;
	v6 =	vmax.f32 v14, v16  }
0x7b: {  	v7 =	vmax.f32 v19, v20;
	v0 =	vmax.f32 v1, v0;
	v11 =	vmax.f32 v1, v4;
	v4 =	vld [tilespmem:s14+$0x6C70]  }
0x7c: {  	v15 =	vmax.f32 v1, v2;
	v2 =	vmax.f32 v8, v9;
	v12 =	vmax.f32 v1, v5;
	v9 =	vld [tilespmem:s14+$0x9E00]  }
0x7d: {  	v5 =	vmax.f32 v10, v13;
	v6 =	vmax.f32 v1, v6;
	v14 =	vmax.f32 v1, v2;
	v2 =	vld [tilespmem:s14+$0x9E40]  }
0x7e: {  	v19 =	vld [tilespmem:s14+$0x9E50];
	v8 =	vmax.f32 v21, v22;
	v10 =	vmax.f32 v1, v5;
	v5 =	vmax.f32 v17, v18  }
0x7f: {  	v7 =	vmax.f32 v1, v7;
	v17 =	vld [tilespmem:s14+$0x9E10];
	v13 =	vmax.f32 v1, v5;
	v5 =	vmax.f32 v1, v8  }
0x80: {  	v20 =	vld [tilespmem:s14+$0x9E60];
	v8 =	vmax.f32 v23, v24;
	v3 =	vmax.f32 v25, v3;
	v16 =	vmax.f32 v26, v4  }
0x81: {  	s0 =	simm.s32 $0x80;
	v18 =	vld [tilespmem:s14+$0x9E20];
	v8 =	vmax.f32 v1, v8;
	v4 =	vmax.f32 v1, v3;
	v3 =	vmax.f32 v1, v16  }
0x82: {  	s9 =	simm.s32 $0x400;
	v16 =	vld [tilespmem:s0+$0x9E30];
	v21 =	vmax.f32 v9, v2;
	v9 =	vimm.f32 $-Inf;
	v2 =	vimm.f32 $-Inf  }
.LBB2_3:
0x83: {  	p0 =	sne.s32 s9, $0xC600;
	v22 =	vld [tilespmem:s0+$0x9E70];
	v1 =	vmax.f32 v1, v21  }
0x84: {  	v21 =	vld [tilespmem:s0+$0x800];
	v17 =	vmax.f32 v17, v19  }
0x85: {  	v19 =	vld [tilespmem:s0+$0x840];
	v9 =	vmax.f32 v9, v17  }
0x86: {  	v17 =	vld [tilespmem:s0+$0x810];
	v18 =	vmax.f32 v18, v20  }
0x87: {  	v20 =	vld [tilespmem:s0+$0x850];
	v2 =	vmax.f32 v2, v18  }
0x88: {  	v18 =	vld [tilespmem:s0+$0x820];
	v16 =	vmax.f32 v16, v22  }
0x89: {  	v22 =	vld [tilespmem:s0+$0x860];
	v0 =	vmax.f32 v0, v16  }
0x8a: {  	v16 =	vmax.f32 v21, v19;
	v19 =	vld [tilespmem:s0+$0x830]  }
0x8b: {  	v15 =	vmax.f32 v15, v16;
	v16 =	vld [tilespmem:s0+$0x870]  }
0x8c: {  	v17 =	vmax.f32 v17, v20;
	v20 =	vld [tilespmem:s0+$0x3A00]  }
0x8d: {  	v11 =	vmax.f32 v11, v17;
	v17 =	vld [tilespmem:s0+$0x3A40]  }
0x8e: {  	v18 =	vmax.f32 v18, v22;
	v21 =	vld [tilespmem:s0+$0x3A10]  }
0x8f: {  	v12 =	vmax.f32 v12, v18;
	v18 =	vld [tilespmem:s0+$0x3A50]  }
0x90: {  	v16 =	vmax.f32 v19, v16;
	v19 =	vld [tilespmem:s0+$0x3A20]  }
0x91: {  	v14 =	vmax.f32 v14, v16;
	v16 =	vld [tilespmem:s0+$0x3A60]  }
0x92: {  	v17 =	vmax.f32 v20, v17;
	v20 =	vld [tilespmem:s0+$0x3A30]  }
0x93: {  	v10 =	vmax.f32 v10, v17;
	v17 =	vld [tilespmem:s0+$0x3A70]  }
0x94: {  	v18 =	vmax.f32 v21, v18;
	v21 =	vld [tilespmem:s0+$0x6C00]  }
0x95: {  	v6 =	vmax.f32 v6, v18;
	v18 =	vld [tilespmem:s0+$0x6C40]  }
0x96: {  	v16 =	vmax.f32 v19, v16;
	v19 =	vld [tilespmem:s0+$0x6C10]  }
0x97: {  	v13 =	vmax.f32 v13, v16;
	v16 =	vld [tilespmem:s0+$0x6C50]  }
0x98: {  	v17 =	vmax.f32 v20, v17;
	v20 =	vld [tilespmem:s0+$0x6C20]  }
0x99: {  	v7 =	vmax.f32 v7, v17;
	v17 =	vld [tilespmem:s0+$0x6C60]  }
0x9a: {  	v18 =	vmax.f32 v21, v18;
	v21 =	vld [tilespmem:s0+$0x6C30]  }
0x9b: {  	v5 =	vmax.f32 v5, v18;
	v18 =	vld [tilespmem:s0+$0x6C70]  }
0x9c: {  	v16 =	vmax.f32 v19, v16;
	v22 =	vld [tilespmem:s0+$0x9E00]  }
0x9d: {  	v8 =	vmax.f32 v8, v16;
	v23 =	vld [tilespmem:s0+$0x9E40]  }
.Ltmp0:
0x9e: {  	v16 =	vmax.f32 v20, v17;
	v17 =	vld [tilespmem:s0+$0x9E10];
	(pc) =	sbr.rel @p0 .LBB2_3-.Ltmp0, $4  }
0x9f: {  	v4 =	vmax.f32 v4, v16;
	v19 =	vld [tilespmem:s0+$0x9E50]  }
0xa0: {  	v16 =	vmax.f32 v21, v18;
	v18 =	vld [tilespmem:s0+$0x9E20]  }
0xa1: {  	v3 =	vmax.f32 v3, v16;
	v20 =	vld [tilespmem:s0+$0x9E60];
	s0 =	sshra.s32 s9, $0x2  }
0xa2: {  	s9 =	sadd.s32 $0x200, s9;
	v16 =	vld [tilespmem:s0+$0x9E30];
	v21 =	vmax.f32 v22, v23  }
0xa3: {  	v22 =	vld [tilespmem:s0+$0x9E70]  }
0xa4: {  	v23 =	vld [tilespmem:s0+$0x800]  }
0xa5: {  	v24 =	vld [tilespmem:s0+$0x840]  }
0xa6: {  	v25 =	vld [tilespmem:s0+$0x810]  }
0xa7: {  	v26 =	vld [tilespmem:s0+$0x850]  }
0xa8: {  	v27 =	vld [tilespmem:s0+$0x820]  }
0xa9: {  	v28 =	vld [tilespmem:s0+$0x860]  }
0xaa: {  	v29 =	vld [tilespmem:s0+$0x830]  }
0xab: {  	v30 =	vld [tilespmem:s0+$0x870]  }
0xac: {  	v31 =	vld [tilespmem:s0+$0x3A00]  }
0xad: {  	v32 =	vld [tilespmem:s0+$0x3A40]  }
0xae: {  	v33 =	vld [tilespmem:s0+$0x3A10]  }
0xaf: {  	v34 =	vld [tilespmem:s0+$0x3A50]  }
0xb0: {  	v35 =	vld [tilespmem:s0+$0x3A20]  }
0xb1: {  	v36 =	vld [tilespmem:s0+$0x3A60]  }
0xb2: {  	v37 =	vld [tilespmem:s0+$0x3A30]  }
0xb3: {  	v38 =	vld [tilespmem:s0+$0x3A70]  }
0xb4: {  	v39 =	vld [tilespmem:s0+$0x6C00]  }
0xb5: {  	v40 =	vld [tilespmem:s0+$0x6C40]  }
0xb6: {  	v41 =	vld [tilespmem:s0+$0x6C10]  }
0xb7: {  	v42 =	vld [tilespmem:s0+$0x6C50]  }
0xb8: {  	v43 =	vld [tilespmem:s0+$0x6C20]  }
0xb9: {  	v44 =	vld [tilespmem:s0+$0x6C60]  }
0xba: {  	v45 =	vld [tilespmem:s0+$0x6C30]  }
0xbb: {  	v46 =	vld [tilespmem:s0+$0x6C70]  }
0xbc: {  	v47 =	vld [tilespmem:s0+$0x9E00]  }
0xbd: {  	v48 =	vld [tilespmem:s0+$0x9E40]  }
0xbe: {  	v49 =	vld [tilespmem:s0+$0x9E10]  }
0xbf: {  	v50 =	vld [tilespmem:s0+$0x9E50]  }
0xc0: {  	v59 =	vld [tilespmem:s0+$0x9E20];
	s9 =	sshll.u32 s31, $0x9;
	v23 =	vmax.f32 v23, v24  }
0xc1: {  	v60 =	vld [tilespmem:s0+$0x9E60];
	s0 =	sand.u32 $0x3E00, s9;
	v15 =	vmax.f32 v15, v23;
	v23 =	vmax.f32 v25, v26  }
0xc2: {  	v11 =	vmax.f32 v11, v23;
	v23 =	vmax.f32 v27, v28;
	[tilespmem:s0+$0x19800] =	vst v15  }
0xc3: {  	v15 =	vmax.f32 v29, v30;
	v12 =	vmax.f32 v12, v23;
	[tilespmem:s0+$0x19810] =	vst v11  }
0xc4: {  	v11 =	vmax.f32 v14, v15;
	v14 =	vmax.f32 v31, v32;
	[tilespmem:s0+$0x19820] =	vst v12  }
0xc5: {  	v10 =	vmax.f32 v10, v14;
	v12 =	vmax.f32 v33, v34;
	[tilespmem:s0+$0x19830] =	vst v11  }
0xc6: {  	v11 =	vmax.f32 v35, v36;
	v6 =	vmax.f32 v6, v12;
	[tilespmem:s0+$0x19840] =	vst v10  }
0xc7: {  	v10 =	vmax.f32 v13, v11;
	v11 =	vmax.f32 v37, v38;
	[tilespmem:s0+$0x19850] =	vst v6  }
0xc8: {  	v6 =	vmax.f32 v7, v11;
	v7 =	vmax.f32 v39, v40;
	[tilespmem:s0+$0x19860] =	vst v10  }
0xc9: {  	v5 =	vmax.f32 v5, v7;
	v7 =	vmax.f32 v41, v42;
	[tilespmem:s0+$0x19870] =	vst v6  }
0xca: {  	v1 =	vmax.f32 v1, v21;
	v6 =	vmax.f32 v8, v7;
	v7 =	vmax.f32 v43, v44;
	[tilespmem:s0+$0x19880] =	vst v5  }
0xcb: {  	v5 =	vmax.f32 v17, v19;
	v4 =	vmax.f32 v4, v7;
	v7 =	vmax.f32 v45, v46;
	[tilespmem:s0+$0x19890] =	vst v6  }
0xcc: {  	v5 =	vmax.f32 v9, v5;
	v6 =	vmax.f32 v47, v48;
	v3 =	vmax.f32 v3, v7;
	[tilespmem:s0+$0x198A0] =	vst v4  }
0xcd: {  	v4 =	vmax.f32 v18, v20;
	v1 =	vmax.f32 v1, v6;
	v6 =	vmax.f32 v49, v50;
	[tilespmem:s0+$0x198B0] =	vst v3  }
0xce: {  	v2 =	vmax.f32 v2, v4;
	v3 =	vmax.f32 v5, v6;
	v4 =	vmax.f32 v59, v60;
	[tilespmem:s0+$0x198C0] =	vst v1  }
0xcf: {  	v1 =	vmax.f32 v16, v22;
	v2 =	vmax.f32 v2, v4;
	[tilespmem:s0+$0x198D0] =	vst v3  }
0xd0: {  	v0 =	vmax.f32 v0, v1;
	[tilespmem:s0+$0x198E0] =	vst v2  }
0xd1: {  	[tilespmem:s0+$0x198F0] =	vst v0  }
0xd2: {  	_ =	swait.ge [sflag:s16], $0x200  }
0xd3: {  	[sflag:s16] =	ssyncset.done $0x0  }
0xd4: {  	[sflag:s16] =	ssyncadd.s32 $0xFFFFFE00  }
0xd5: {  	_ =	swait.ge [sflag:s16], $0x200  }
0xd6: {  	[sflag:s16] =	ssyncset.done $0x0  }
0xd7: {  	s13 =	simm.s32 $0x800;
	s9 =	simm.s32 $0x0;
	[sflag:s16] =	ssyncadd.s32 $0xFFFFFE00  }
0xd8: {  	[tilespmem:s13], [sflag:$0x1] =	stream.indirect.gather [hbm4b:s5+s17], $0x40, s9, s17, $0xb8;
	[tilespmem:$0x1D800] =	vst v63  }
0xd9: {  	s14 =	simm.s32 $0x2800  }
0xda: {  	[tilespmem:s14], [sflag:$0x1] =	stream.indirect.gather [hbm4b:s5+s19], $0x40, s15, s19, $0xb8;
	[tilespmem:$0x1D800] =	vst v63  }
0xdb: {  	s14 =	simm.s32 $0x3A00  }
0xdc: {  	[tilespmem:s14], [sflag:$0x1] =	stream.indirect.gather [hbm4b:s5+s17], $0x40, s17, s17, $0xb8;
	[tilespmem:$0x1D800] =	vst v63  }
0xdd: {  	s13 =	simm.s32 $0x480;
	s14 =	simm.s32 $0x5A00  }
0xde: {  	[tilespmem:s14], [sflag:$0x1] =	stream.indirect.gather [hbm4b:s5+s19], $0x40, s13, s19, $0xb8;
	[tilespmem:$0x1D800] =	vst v63  }
0xdf: {  	s13 =	simm.s32 $0x100;
	s14 =	simm.s32 $0x6C00  }
0xe0: {  	[tilespmem:s14], [sflag:$0x1] =	stream.indirect.gather [hbm4b:s5+s17], $0x40, s13, s17, $0xb8;
	[tilespmem:$0x1D800] =	vst v63  }
0xe1: {  	s13 =	simm.s32 $0x500;
	s14 =	simm.s32 $0x8C00  }
0xe2: {  	[tilespmem:s14], [sflag:$0x1] =	stream.indirect.gather [hbm4b:s5+s19], $0x40, s13, s19, $0xb8;
	[tilespmem:$0x1D800] =	vst v63  }
0xe3: {  	s13 =	simm.s32 $0x180;
	s14 =	simm.s32 $0x9E00  }
0xe4: {  	[tilespmem:s14], [sflag:$0x1] =	stream.indirect.gather [hbm4b:s5+s17], $0x40, s13, s17, $0xb8;
	[tilespmem:$0x1D800] =	vst v63  }
0xe5: {  	s13 =	simm.s32 $0x580;
	s14 =	simm.s32 $0xBE00  }
0xe6: {  	[tilespmem:s14], [sflag:$0x1] =	stream.indirect.gather [hbm4b:s5+s19], $0x40, s13, s19, $0xb8;
	[tilespmem:$0x1D800] =	vst v63  }
0xe7: {  	_ =	swait.ge [sflag:s30], $0x2000  }
0xe8: {  	[sflag:s30] =	ssyncset.done $0x0  }
0xe9: {  	[sflag:s30] =	ssyncadd.s32 $0xFFFFE000  }
0xea: {  	_ =	swait.ge [sflag:s30], $0x1200  }
0xeb: {  	[sflag:s30] =	ssyncset.done $0x0  }
0xec: {  	[sflag:s30] =	ssyncadd.s32 $0xFFFFEE00  }
0xed: {  	_ =	swait.ge [sflag:s30], $0x2000  }
0xee: {  	[sflag:s30] =	ssyncset.done $0x0  }
0xef: {  	[sflag:s30] =	ssyncadd.s32 $0xFFFFE000  }
0xf0: {  	_ =	swait.ge [sflag:s30], $0x1200  }
0xf1: {  	[sflag:s30] =	ssyncset.done $0x0  }
0xf2: {  	[sflag:s30] =	ssyncadd.s32 $0xFFFFEE00  }
0xf3: {  	_ =	swait.ge [sflag:s30], $0x2000  }
0xf4: {  	[sflag:s30] =	ssyncset.done $0x0  }
0xf5: {  	[sflag:s30] =	ssyncadd.s32 $0xFFFFE000  }
0xf6: {  	_ =	swait.ge [sflag:s30], $0x1200  }
0xf7: {  	[sflag:s30] =	ssyncset.done $0x0  }
0xf8: {  	[sflag:s30] =	ssyncadd.s32 $0xFFFFEE00  }
0xf9: {  	_ =	swait.ge [sflag:s30], $0x2000  }
0xfa: {  	[sflag:s30] =	ssyncset.done $0x0  }
0xfb: {  	s8 =	sadd.s32 s8, s11;
	[sflag:s30] =	ssyncadd.s32 $0xFFFFE000  }
0xfc: {  	s8 =	sshll.u32 s8, $0x4;
	_ =	swait.ge [sflag:s30], $0x1200  }
0xfd: {  	s8 =	sand.u32 $0x1FFFFFC0, s8;
	[sflag:s30] =	ssyncset.done $0x0  }
0xfe: {  	s14 =	sadd.s32 s3, s8;
	[sflag:s30] =	ssyncadd.s32 $0xFFFFEE00  }
0xff: {  	[tilespmem:s1], [sflag:$0x4] =	stream.linear.gather [hbm4b:s14+s9], $0x200, $0x38;
	[tilespmem:$0x1D800] =	vst v63  }
0x100: {  	s8 =	sadd.s32 s4, s8;
	s14 =	simm.s32 $0x0  }
0x101: {  	[tilespmem:s6], [sflag:$0x4] =	stream.linear.gather [hbm4b:s8+s9], $0x200, $0x38;
	[tilespmem:$0x1D800] =	vst v63  }
0x102: {  	v0 =	vld [tilespmem:s14+$0x16630]  }
0x103: {  	v1 =	vld [tilespmem:s14+$0x16670]  }
0x104: {  	v2 =	vld [tilespmem:s14+$0xD000]  }
0x105: {  	v3 =	vld [tilespmem:s14+$0xD040]  }
0x106: {  	v4 =	vld [tilespmem:s14+$0xD010]  }
0x107: {  	v5 =	vld [tilespmem:s14+$0xD050]  }
0x108: {  	v6 =	vld [tilespmem:s14+$0xD020]  }
0x109: {  	v7 =	vld [tilespmem:s14+$0xD060]  }
0x10a: {  	v8 =	vld [tilespmem:s14+$0xD030]  }
0x10b: {  	v9 =	vld [tilespmem:s14+$0xD070]  }
0x10c: {  	v10 =	vld [tilespmem:s14+$0x10200]  }
0x10d: {  	v11 =	vld [tilespmem:s14+$0x10240]  }
0x10e: {  	v13 =	vld [tilespmem:s14+$0x10210]  }
0x10f: {  	v14 =	vld [tilespmem:s14+$0x10250]  }
0x110: {  	v16 =	vld [tilespmem:s14+$0x10220]  }
0x111: {  	v17 =	vld [tilespmem:s14+$0x10260]  }
0x112: {  	v18 =	vld [tilespmem:s14+$0x10230]  }
0x113: {  	v19 =	vld [tilespmem:s14+$0x10270]  }
0x114: {  	v20 =	vld [tilespmem:s14+$0x13400]  }
0x115: {  	v21 =	vld [tilespmem:s14+$0x13440]  }
0x116: {  	v22 =	vld [tilespmem:s14+$0x13410]  }
0x117: {  	v23 =	vld [tilespmem:s14+$0x13450]  }
0x118: {  	v61 =	vld [tilespmem:s14+$0x13420]  }
0x119: {  	v62 =	vld [tilespmem:s14+$0x13430]  }
0x11a: {  	v63 =	vld [tilespmem:s14+$0x16640];
	v0 =	vmax.f32 v0, v1;
	v1 =	vimm.f32 $-Inf;
	v2 =	vmax.f32 v2, v3  }
0x11b: {  	v3 =	vld [tilespmem:s14+$0x13460];
	v4 =	vmax.f32 v4, v5;
	v5 =	vmax.f32 v6, v7;
	v6 =	vmax.f32 v13, v14  }
0x11c: {  	v0 =	vmax.f32 v1, v0;
	v15 =	vmax.f32 v1, v2;
	v12 =	vmax.f32 v1, v4;
	v2 =	vld [tilespmem:s14+$0x13470]  }
0x11d: {  	v7 =	vmax.f32 v1, v5;
	v4 =	vmax.f32 v8, v9;
	v5 =	vmax.f32 v10, v11;
	v10 =	vld [tilespmem:s14+$0x16600]  }
0x11e: {  	v6 =	vmax.f32 v1, v6;
	v9 =	vmax.f32 v20, v21;
	v14 =	vmax.f32 v1, v4  }
0x11f: {  	v11 =	vmax.f32 v1, v5;
	v4 =	vmax.f32 v16, v17;
	v5 =	vmax.f32 v18, v19;
	v17 =	vld [tilespmem:s14+$0x16610]  }
0x120: {  	v19 =	vld [tilespmem:s14+$0x16650];
	v13 =	vmax.f32 v1, v4;
	v8 =	vmax.f32 v1, v5;
	v4 =	vmax.f32 v22, v23  }
0x121: {  	v20 =	vld [tilespmem:s14+$0x16660];
	v5 =	vmax.f32 v1, v9;
	v9 =	vmax.f32 v1, v4;
	v3 =	vmax.f32 v61, v3  }
0x122: {  	s8 =	simm.s32 $0x80;
	v18 =	vld [tilespmem:s14+$0x16620];
	v2 =	vmax.f32 v62, v2;
	v4 =	vmax.f32 v1, v3;
	v21 =	vmax.f32 v10, v63  }
0x123: {  	s9 =	simm.s32 $0x400;
	v16 =	vld [tilespmem:s8+$0x16630];
	v10 =	vimm.f32 $-Inf;
	v3 =	vmax.f32 v1, v2;
	v2 =	vimm.f32 $-Inf  }
.LBB2_5:
0x124: {  	p0 =	sne.s32 s9, $0xC600;
	v22 =	vld [tilespmem:s8+$0x16670];
	v1 =	vmax.f32 v1, v21  }
0x125: {  	v21 =	vld [tilespmem:s8+$0xD000];
	v17 =	vmax.f32 v17, v19  }
0x126: {  	v19 =	vld [tilespmem:s8+$0xD040];
	v10 =	vmax.f32 v10, v17  }
0x127: {  	v17 =	vld [tilespmem:s8+$0xD010];
	v18 =	vmax.f32 v18, v20  }
0x128: {  	v20 =	vld [tilespmem:s8+$0xD050];
	v2 =	vmax.f32 v2, v18  }
0x129: {  	v18 =	vld [tilespmem:s8+$0xD020];
	v16 =	vmax.f32 v16, v22  }
0x12a: {  	v22 =	vld [tilespmem:s8+$0xD060];
	v0 =	vmax.f32 v0, v16  }
0x12b: {  	v16 =	vmax.f32 v21, v19;
	v19 =	vld [tilespmem:s8+$0xD030]  }
0x12c: {  	v15 =	vmax.f32 v15, v16;
	v16 =	vld [tilespmem:s8+$0xD070]  }
0x12d: {  	v17 =	vmax.f32 v17, v20;
	v20 =	vld [tilespmem:s8+$0x10200]  }
0x12e: {  	v12 =	vmax.f32 v12, v17;
	v17 =	vld [tilespmem:s8+$0x10240]  }
0x12f: {  	v18 =	vmax.f32 v18, v22;
	v21 =	vld [tilespmem:s8+$0x10210]  }
0x130: {  	v7 =	vmax.f32 v7, v18;
	v18 =	vld [tilespmem:s8+$0x10250]  }
0x131: {  	v16 =	vmax.f32 v19, v16;
	v19 =	vld [tilespmem:s8+$0x10220]  }
0x132: {  	v14 =	vmax.f32 v14, v16;
	v16 =	vld [tilespmem:s8+$0x10260]  }
0x133: {  	v17 =	vmax.f32 v20, v17;
	v20 =	vld [tilespmem:s8+$0x10230]  }
0x134: {  	v11 =	vmax.f32 v11, v17;
	v17 =	vld [tilespmem:s8+$0x10270]  }
0x135: {  	v18 =	vmax.f32 v21, v18;
	v21 =	vld [tilespmem:s8+$0x13400]  }
0x136: {  	v6 =	vmax.f32 v6, v18;
	v18 =	vld [tilespmem:s8+$0x13440]  }
0x137: {  	v16 =	vmax.f32 v19, v16;
	v19 =	vld [tilespmem:s8+$0x13410]  }
0x138: {  	v13 =	vmax.f32 v13, v16;
	v16 =	vld [tilespmem:s8+$0x13450]  }
0x139: {  	v17 =	vmax.f32 v20, v17;
	v20 =	vld [tilespmem:s8+$0x13420]  }
0x13a: {  	v8 =	vmax.f32 v8, v17;
	v17 =	vld [tilespmem:s8+$0x13460]  }
0x13b: {  	v18 =	vmax.f32 v21, v18;
	v21 =	vld [tilespmem:s8+$0x13430]  }
0x13c: {  	v5 =	vmax.f32 v5, v18;
	v18 =	vld [tilespmem:s8+$0x13470]  }
0x13d: {  	v16 =	vmax.f32 v19, v16;
	v22 =	vld [tilespmem:s8+$0x16600]  }
0x13e: {  	v9 =	vmax.f32 v9, v16;
	v23 =	vld [tilespmem:s8+$0x16640]  }
.Ltmp1:
0x13f: {  	v16 =	vmax.f32 v20, v17;
	v17 =	vld [tilespmem:s8+$0x16610];
	(pc) =	sbr.rel @p0 .LBB2_5-.Ltmp1, $4  }
0x140: {  	v4 =	vmax.f32 v4, v16;
	v19 =	vld [tilespmem:s8+$0x16650]  }
0x141: {  	v16 =	vmax.f32 v21, v18;
	v18 =	vld [tilespmem:s8+$0x16620]  }
0x142: {  	v3 =	vmax.f32 v3, v16;
	v20 =	vld [tilespmem:s8+$0x16660];
	s8 =	sshra.s32 s9, $0x2  }
0x143: {  	s9 =	sadd.s32 $0x200, s9;
	v16 =	vld [tilespmem:s8+$0x16630];
	v21 =	vmax.f32 v22, v23  }
0x144: {  	v22 =	vld [tilespmem:s8+$0x16670]  }
0x145: {  	v23 =	vld [tilespmem:s8+$0xD000]  }
0x146: {  	v24 =	vld [tilespmem:s8+$0xD040]  }
0x147: {  	v25 =	vld [tilespmem:s8+$0xD010]  }
0x148: {  	v26 =	vld [tilespmem:s8+$0xD050]  }
0x149: {  	v27 =	vld [tilespmem:s8+$0xD020]  }
0x14a: {  	v28 =	vld [tilespmem:s8+$0xD060]  }
0x14b: {  	v29 =	vld [tilespmem:s8+$0xD030]  }
0x14c: {  	v30 =	vld [tilespmem:s8+$0xD070]  }
0x14d: {  	v31 =	vld [tilespmem:s8+$0x10200]  }
0x14e: {  	v32 =	vld [tilespmem:s8+$0x10240]  }
0x14f: {  	v33 =	vld [tilespmem:s8+$0x10210]  }
0x150: {  	v34 =	vld [tilespmem:s8+$0x10250]  }
0x151: {  	v35 =	vld [tilespmem:s8+$0x10220]  }
0x152: {  	v36 =	vld [tilespmem:s8+$0x10260]  }
0x153: {  	v37 =	vld [tilespmem:s8+$0x10230]  }
0x154: {  	v38 =	vld [tilespmem:s8+$0x10270]  }
0x155: {  	v39 =	vld [tilespmem:s8+$0x13400]  }
0x156: {  	v40 =	vld [tilespmem:s8+$0x13440]  }
0x157: {  	v41 =	vld [tilespmem:s8+$0x13410]  }
0x158: {  	v42 =	vld [tilespmem:s8+$0x13450]  }
0x159: {  	v43 =	vld [tilespmem:s8+$0x13420]  }
0x15a: {  	v44 =	vld [tilespmem:s8+$0x13460]  }
0x15b: {  	v45 =	vld [tilespmem:s8+$0x13430]  }
0x15c: {  	v46 =	vld [tilespmem:s8+$0x13470]  }
0x15d: {  	v47 =	vld [tilespmem:s8+$0x16600]  }
0x15e: {  	v48 =	vld [tilespmem:s8+$0x16640]  }
0x15f: {  	v49 =	vld [tilespmem:s8+$0x16610]  }
0x160: {  	v50 =	vld [tilespmem:s8+$0x16650];
	v23 =	vmax.f32 v23, v24  }
0x161: {  	v63 =	vld [tilespmem:s8+$0x16660];
	v62 =	vmax.f32 v25, v26;
	v15 =	vmax.f32 v15, v23  }
0x162: {  	v24 =	vld [tilespmem:s8+$0x16620];
	v28 =	vmax.f32 v27, v28;
	v12 =	vmax.f32 v12, v62;
	[tilespmem:s0+$0x19900] =	vst v15  }
0x163: {  	v29 =	vmax.f32 v29, v30;
	v7 =	vmax.f32 v7, v28;
	[tilespmem:s0+$0x19910] =	vst v12  }
0x164: {  	v31 =	vmax.f32 v31, v32;
	v30 =	vmax.f32 v14, v29;
	[tilespmem:s0+$0x19920] =	vst v7  }
0x165: {  	v34 =	vmax.f32 v33, v34;
	v32 =	vmax.f32 v11, v31;
	[tilespmem:s0+$0x19930] =	vst v30  }
0x166: {  	v35 =	vmax.f32 v35, v36;
	v6 =	vmax.f32 v6, v34;
	[tilespmem:s0+$0x19940] =	vst v32  }
0x167: {  	v38 =	vmax.f32 v37, v38;
	v36 =	vmax.f32 v13, v35;
	[tilespmem:s0+$0x19950] =	vst v6  }
0x168: {  	v52 =	vmax.f32 v39, v40;
	v51 =	vmax.f32 v8, v38;
	[tilespmem:s0+$0x19960] =	vst v36  }
0x169: {  	v53 =	vmax.f32 v41, v42;
	v5 =	vmax.f32 v5, v52;
	[tilespmem:s0+$0x19970] =	vst v51  }
0x16a: {  	v1 =	vmax.f32 v1, v21;
	v55 =	vmax.f32 v43, v44;
	v54 =	vmax.f32 v9, v53;
	[tilespmem:s0+$0x19980] =	vst v5  }
0x16b: {  	v56 =	vmax.f32 v17, v19;
	v57 =	vmax.f32 v45, v46;
	v4 =	vmax.f32 v4, v55;
	[tilespmem:s0+$0x19990] =	vst v54  }
0x16c: {  	v59 =	vmax.f32 v18, v20;
	v58 =	vmax.f32 v47, v48;
	v3 =	vmax.f32 v3, v57;
	[tilespmem:s0+$0x199A0] =	vst v4  }
0x16d: {  	v60 =	vmax.f32 v49, v50;
	v1 =	vmax.f32 v1, v58;
	v5 =	vmax.f32 v10, v56;
	[tilespmem:s0+$0x199B0] =	vst v3  }
0x16e: {  	v2 =	vmax.f32 v2, v59;
	[tilespmem:s0+$0x199C0] =	vst v1;
	v61 =	vmax.f32 v5, v60;
	v62 =	vmax.f32 v24, v63  }
0x16f: {  	[tilespmem:s0+$0x199D0] =	vst v61;
	v63 =	vmax.f32 v16, v22;
	v2 =	vmax.f32 v2, v62  }
0x170: {  	p0 =	sne.s32 s31, $0x1F;
	s31 =	sadd.s32 $0x1, s31;
	v0 =	vmax.f32 v0, v63;
	[tilespmem:s0+$0x199E0] =	vst v2  }
0x171: {  	p1 =	sne.s32 s31, $0x3F;
	s8 =	simm.s32 @!p0 $0x19800;
	[tilespmem:s0+$0x199F0] =	vst v0;
	s0 =	simm.s32 @!p0 $0x0  }
0x172: {  	[hbm4b:s12+s0] =	stream.linear.scatter @!p0 [tilespmem:s8], [sflag:$0x5], $0x4000, $0x38;
	[tilespmem:$0x1D800] =	vst v63  }
.Ltmp2:
0x173: {  	_ = 	snop;
	(pc) =	sbr.rel @p1 .LBB2_2-.Ltmp2, $4  }
0x174: {  	s0 =	simm.s32 @!p0 $0x5  }
0x175: {  	_ =	swait.ge @!p0 [sflag:s0], $0x4000  }
0x176: {  	[sflag:s0] =	ssyncset.done @!p0 $0x0  }
0x177: {  	[sflag:s0] =	ssyncadd.s32 @!p0 $0xFFFFC000  }
0x178: {  	_ =	swait.ge [sflag:s29], $0x2000  }
0x179: {  	[sflag:s29] =	ssyncset.done $0x0  }
0x17a: {  	[sflag:s29] =	ssyncadd.s32 $0xFFFFE000  }
0x17b: {  	_ =	swait.ge [sflag:s29], $0x1200  }
0x17c: {  	[sflag:s29] =	ssyncset.done $0x0  }
0x17d: {  	[sflag:s29] =	ssyncadd.s32 $0xFFFFEE00  }
0x17e: {  	_ =	swait.ge [sflag:s29], $0x2000  }
0x17f: {  	[sflag:s29] =	ssyncset.done $0x0  }
0x180: {  	[sflag:s29] =	ssyncadd.s32 $0xFFFFE000  }
0x181: {  	_ =	swait.ge [sflag:s29], $0x1200  }
0x182: {  	[sflag:s29] =	ssyncset.done $0x0  }
0x183: {  	[sflag:s29] =	ssyncadd.s32 $0xFFFFEE00  }
0x184: {  	_ =	swait.ge [sflag:s29], $0x2000  }
0x185: {  	[sflag:s29] =	ssyncset.done $0x0  }
0x186: {  	[sflag:s29] =	ssyncadd.s32 $0xFFFFE000  }
0x187: {  	_ =	swait.ge [sflag:s29], $0x1200  }
0x188: {  	[sflag:s29] =	ssyncset.done $0x0  }
0x189: {  	[sflag:s29] =	ssyncadd.s32 $0xFFFFEE00  }
0x18a: {  	_ =	swait.ge [sflag:s29], $0x2000  }
0x18b: {  	[sflag:s29] =	ssyncset.done $0x0  }
0x18c: {  	[sflag:s29] =	ssyncadd.s32 $0xFFFFE000  }
0x18d: {  	_ =	swait.ge [sflag:s29], $0x1200  }
0x18e: {  	[sflag:s29] =	ssyncset.done $0x0  }
0x18f: {  	[sflag:s29] =	ssyncadd.s32 $0xFFFFEE00  }
0x190: {  	_ =	swait.ge [sflag:s7], $0x200  }
0x191: {  	[sflag:s7] =	ssyncset.done $0x0  }
0x192: {  	[sflag:s7] =	ssyncadd.s32 $0xFFFFFE00  }
0x193: {  	_ =	swait.ge [sflag:s7], $0x200  }
0x194: {  	[sflag:s7] =	ssyncset.done $0x0  }
0x195: {  	s0 =	simm.s32 $0xD000;
	[sflag:s7] =	ssyncadd.s32 $0xFFFFFE00  }
0x196: {  	[tilespmem:s0], [sflag:$0x2] =	stream.indirect.gather [hbm4b:s5+s17], $0x40, s1, s17, $0xb8;
	[tilespmem:$0x1D800] =	vst v63  }
0x197: {  	s13 =	simm.s32 $0xF000  }
0x198: {  	[tilespmem:s13], [sflag:$0x2] =	stream.indirect.gather [hbm4b:s5+s19], $0x40, s6, s19, $0xb8;
	[tilespmem:$0x1D800] =	vst v63  }
0x199: {  	s14 =	simm.s32 $0x280;
	s8 =	simm.s32 $0x10200  }
0x19a: {  	[tilespmem:s8], [sflag:$0x2] =	stream.indirect.gather [hbm4b:s5+s17], $0x40, s14, s17, $0xb8;
	[tilespmem:$0x1D800] =	vst v63  }
0x19b: {  	_ = 	snop  }
0x19c: {  	[tilespmem:s18], [sflag:$0x2] =	stream.indirect.gather [hbm4b:s5+s19], $0x40, s2, s19, $0xb8;
	[tilespmem:$0x1D800] =	vst v63  }
0x19d: {  	_ = 	snop  }
0x19e: {  	[tilespmem:s21], [sflag:$0x2] =	stream.indirect.gather [hbm4b:s5+s17], $0x40, s20, s17, $0xb8;
	[tilespmem:$0x1D800] =	vst v63  }
0x19f: {  	_ = 	snop  }
0x1a0: {  	[tilespmem:s23], [sflag:$0x2] =	stream.indirect.gather [hbm4b:s5+s19], $0x40, s22, s19, $0xb8;
	[tilespmem:$0x1D800] =	vst v63  }
0x1a1: {  	_ = 	snop  }
0x1a2: {  	[tilespmem:s25], [sflag:$0x2] =	stream.indirect.gather [hbm4b:s5+s17], $0x40, s24, s17, $0xb8;
	[tilespmem:$0x1D800] =	vst v63  }
0x1a3: {  	s31 =	simm.s32 $0x0  }
0x1a4: {  	[tilespmem:s28], [sflag:$0x2] =	stream.indirect.gather [hbm4b:s5+s19], $0x40, s26, s19, $0xb8;
	[tilespmem:$0x1D800] =	vst v63  }
0x1a5: {  	v0 =	vld [tilespmem:s31+$0x9E30]  }
0x1a6: {  	v1 =	vld [tilespmem:s31+$0x9E70]  }
0x1a7: {  	v2 =	vld [tilespmem:s31+$0x800]  }
0x1a8: {  	v3 =	vld [tilespmem:s31+$0x840]  }
0x1a9: {  	v4 =	vld [tilespmem:s31+$0x810]  }
0x1aa: {  	v5 =	vld [tilespmem:s31+$0x850]  }
0x1ab: {  	v6 =	vld [tilespmem:s31+$0x820]  }
0x1ac: {  	v7 =	vld [tilespmem:s31+$0x860]  }
0x1ad: {  	v8 =	vld [tilespmem:s31+$0x830]  }
0x1ae: {  	v9 =	vld [tilespmem:s31+$0x870]  }
0x1af: {  	v10 =	vld [tilespmem:s31+$0x3A00]  }
0x1b0: {  	v13 =	vld [tilespmem:s31+$0x3A40]  }
0x1b1: {  	v14 =	vld [tilespmem:s31+$0x3A10]  }
0x1b2: {  	v16 =	vld [tilespmem:s31+$0x3A50]  }
0x1b3: {  	v17 =	vld [tilespmem:s31+$0x3A20]  }
0x1b4: {  	v18 =	vld [tilespmem:s31+$0x3A60]  }
0x1b5: {  	v19 =	vld [tilespmem:s31+$0x3A30]  }
0x1b6: {  	v20 =	vld [tilespmem:s31+$0x3A70]  }
0x1b7: {  	v21 =	vld [tilespmem:s31+$0x6C00]  }
0x1b8: {  	v22 =	vld [tilespmem:s31+$0x6C40]  }
0x1b9: {  	v23 =	vld [tilespmem:s31+$0x6C10]  }
0x1ba: {  	v24 =	vld [tilespmem:s31+$0x6C50]  }
0x1bb: {  	v25 =	vld [tilespmem:s31+$0x6C20]  }
0x1bc: {  	v26 =	vld [tilespmem:s31+$0x6C30];
	v0 =	vmax.f32 v0, v1;
	v1 =	vimm.f32 $-Inf;
	v2 =	vmax.f32 v2, v3  }
0x1bd: {  	v3 =	vld [tilespmem:s31+$0x6C60];
	v4 =	vmax.f32 v4, v5;
	v5 =	vmax.f32 v6, v7;
	v6 =	vmax.f32 v14, v16  }
0x1be: {  	v7 =	vmax.f32 v19, v20;
	v0 =	vmax.f32 v1, v0;
	v11 =	vmax.f32 v1, v4;
	v4 =	vld [tilespmem:s31+$0x6C70]  }
0x1bf: {  	v15 =	vmax.f32 v1, v2;
	v2 =	vmax.f32 v8, v9;
	v12 =	vmax.f32 v1, v5;
	v9 =	vld [tilespmem:s31+$0x9E00]  }
0x1c0: {  	v5 =	vmax.f32 v10, v13;
	v6 =	vmax.f32 v1, v6;
	v14 =	vmax.f32 v1, v2;
	v2 =	vld [tilespmem:s31+$0x9E40]  }
0x1c1: {  	v19 =	vld [tilespmem:s31+$0x9E50];
	v8 =	vmax.f32 v21, v22;
	v10 =	vmax.f32 v1, v5;
	v5 =	vmax.f32 v17, v18  }
0x1c2: {  	v7 =	vmax.f32 v1, v7;
	v17 =	vld [tilespmem:s31+$0x9E10];
	v13 =	vmax.f32 v1, v5;
	v5 =	vmax.f32 v1, v8  }
0x1c3: {  	v20 =	vld [tilespmem:s31+$0x9E60];
	v8 =	vmax.f32 v23, v24;
	v3 =	vmax.f32 v25, v3;
	v16 =	vmax.f32 v26, v4  }
0x1c4: {  	s0 =	simm.s32 $0x80;
	v18 =	vld [tilespmem:s31+$0x9E20];
	v8 =	vmax.f32 v1, v8;
	v4 =	vmax.f32 v1, v3;
	v3 =	vmax.f32 v1, v16  }
0x1c5: {  	s8 =	simm.s32 $0x400;
	v16 =	vld [tilespmem:s0+$0x9E30];
	v21 =	vmax.f32 v9, v2;
	v9 =	vimm.f32 $-Inf;
	v2 =	vimm.f32 $-Inf  }
.LBB2_8:
0x1c6: {  	p0 =	sne.s32 s8, $0xC600;
	v22 =	vld [tilespmem:s0+$0x9E70];
	v1 =	vmax.f32 v1, v21  }
0x1c7: {  	v21 =	vld [tilespmem:s0+$0x800];
	v17 =	vmax.f32 v17, v19  }
0x1c8: {  	v19 =	vld [tilespmem:s0+$0x840];
	v9 =	vmax.f32 v9, v17  }
0x1c9: {  	v17 =	vld [tilespmem:s0+$0x810];
	v18 =	vmax.f32 v18, v20  }
0x1ca: {  	v20 =	vld [tilespmem:s0+$0x850];
	v2 =	vmax.f32 v2, v18  }
0x1cb: {  	v18 =	vld [tilespmem:s0+$0x820];
	v16 =	vmax.f32 v16, v22  }
0x1cc: {  	v22 =	vld [tilespmem:s0+$0x860];
	v0 =	vmax.f32 v0, v16  }
0x1cd: {  	v16 =	vmax.f32 v21, v19;
	v19 =	vld [tilespmem:s0+$0x830]  }
0x1ce: {  	v15 =	vmax.f32 v15, v16;
	v16 =	vld [tilespmem:s0+$0x870]  }
0x1cf: {  	v17 =	vmax.f32 v17, v20;
	v20 =	vld [tilespmem:s0+$0x3A00]  }
0x1d0: {  	v11 =	vmax.f32 v11, v17;
	v17 =	vld [tilespmem:s0+$0x3A40]  }
0x1d1: {  	v18 =	vmax.f32 v18, v22;
	v21 =	vld [tilespmem:s0+$0x3A10]  }
0x1d2: {  	v12 =	vmax.f32 v12, v18;
	v18 =	vld [tilespmem:s0+$0x3A50]  }
0x1d3: {  	v16 =	vmax.f32 v19, v16;
	v19 =	vld [tilespmem:s0+$0x3A20]  }
0x1d4: {  	v14 =	vmax.f32 v14, v16;
	v16 =	vld [tilespmem:s0+$0x3A60]  }
0x1d5: {  	v17 =	vmax.f32 v20, v17;
	v20 =	vld [tilespmem:s0+$0x3A30]  }
0x1d6: {  	v10 =	vmax.f32 v10, v17;
	v17 =	vld [tilespmem:s0+$0x3A70]  }
0x1d7: {  	v18 =	vmax.f32 v21, v18;
	v21 =	vld [tilespmem:s0+$0x6C00]  }
0x1d8: {  	v6 =	vmax.f32 v6, v18;
	v18 =	vld [tilespmem:s0+$0x6C40]  }
0x1d9: {  	v16 =	vmax.f32 v19, v16;
	v19 =	vld [tilespmem:s0+$0x6C10]  }
0x1da: {  	v13 =	vmax.f32 v13, v16;
	v16 =	vld [tilespmem:s0+$0x6C50]  }
0x1db: {  	v17 =	vmax.f32 v20, v17;
	v20 =	vld [tilespmem:s0+$0x6C20]  }
0x1dc: {  	v7 =	vmax.f32 v7, v17;
	v17 =	vld [tilespmem:s0+$0x6C60]  }
0x1dd: {  	v18 =	vmax.f32 v21, v18;
	v21 =	vld [tilespmem:s0+$0x6C30]  }
0x1de: {  	v5 =	vmax.f32 v5, v18;
	v18 =	vld [tilespmem:s0+$0x6C70]  }
0x1df: {  	v16 =	vmax.f32 v19, v16;
	v22 =	vld [tilespmem:s0+$0x9E00]  }
0x1e0: {  	v8 =	vmax.f32 v8, v16;
	v23 =	vld [tilespmem:s0+$0x9E40]  }
.Ltmp3:
0x1e1: {  	v16 =	vmax.f32 v20, v17;
	v17 =	vld [tilespmem:s0+$0x9E10];
	(pc) =	sbr.rel @p0 .LBB2_8-.Ltmp3, $4  }
0x1e2: {  	v4 =	vmax.f32 v4, v16;
	v19 =	vld [tilespmem:s0+$0x9E50]  }
0x1e3: {  	v16 =	vmax.f32 v21, v18;
	v18 =	vld [tilespmem:s0+$0x9E20]  }
0x1e4: {  	v3 =	vmax.f32 v3, v16;
	v20 =	vld [tilespmem:s0+$0x9E60];
	s0 =	sshra.s32 s8, $0x2  }
0x1e5: {  	s8 =	sadd.s32 $0x200, s8;
	v16 =	vld [tilespmem:s0+$0x9E30];
	v21 =	vmax.f32 v22, v23  }
0x1e6: {  	v22 =	vld [tilespmem:s0+$0x9E70]  }
0x1e7: {  	v23 =	vld [tilespmem:s0+$0x800]  }
0x1e8: {  	v24 =	vld [tilespmem:s0+$0x840]  }
0x1e9: {  	v25 =	vld [tilespmem:s0+$0x810]  }
0x1ea: {  	v26 =	vld [tilespmem:s0+$0x850]  }
0x1eb: {  	v27 =	vld [tilespmem:s0+$0x820]  }
0x1ec: {  	v28 =	vld [tilespmem:s0+$0x860]  }
0x1ed: {  	v29 =	vld [tilespmem:s0+$0x830]  }
0x1ee: {  	v30 =	vld [tilespmem:s0+$0x870]  }
0x1ef: {  	v31 =	vld [tilespmem:s0+$0x3A00]  }
0x1f0: {  	v32 =	vld [tilespmem:s0+$0x3A40]  }
0x1f1: {  	v33 =	vld [tilespmem:s0+$0x3A10]  }
0x1f2: {  	v34 =	vld [tilespmem:s0+$0x3A50]  }
0x1f3: {  	v35 =	vld [tilespmem:s0+$0x3A20]  }
0x1f4: {  	v36 =	vld [tilespmem:s0+$0x3A60]  }
0x1f5: {  	v37 =	vld [tilespmem:s0+$0x3A30]  }
0x1f6: {  	v38 =	vld [tilespmem:s0+$0x3A70]  }
0x1f7: {  	v39 =	vld [tilespmem:s0+$0x6C00]  }
0x1f8: {  	v40 =	vld [tilespmem:s0+$0x6C40]  }
0x1f9: {  	v41 =	vld [tilespmem:s0+$0x6C10]  }
0x1fa: {  	v42 =	vld [tilespmem:s0+$0x6C50]  }
0x1fb: {  	v43 =	vld [tilespmem:s0+$0x6C20]  }
0x1fc: {  	v44 =	vld [tilespmem:s0+$0x6C60]  }
0x1fd: {  	v45 =	vld [tilespmem:s0+$0x6C30]  }
0x1fe: {  	v46 =	vld [tilespmem:s0+$0x6C70]  }
0x1ff: {  	v47 =	vld [tilespmem:s0+$0x9E00]  }
0x200: {  	v48 =	vld [tilespmem:s0+$0x9E40]  }
0x201: {  	v49 =	vld [tilespmem:s0+$0x9E10]  }
0x202: {  	v50 =	vld [tilespmem:s0+$0x9E50];
	v23 =	vmax.f32 v23, v24  }
0x203: {  	v59 =	vld [tilespmem:s0+$0x9E20];
	v15 =	vmax.f32 v15, v23;
	v23 =	vmax.f32 v25, v26  }
0x204: {  	v60 =	vld [tilespmem:s0+$0x9E60];
	v11 =	vmax.f32 v11, v23;
	v23 =	vmax.f32 v27, v28;
	[tilespmem:$0x1D600] =	vst v15  }
0x205: {  	v15 =	vmax.f32 v29, v30;
	v12 =	vmax.f32 v12, v23;
	[tilespmem:$0x1D610] =	vst v11  }
0x206: {  	v11 =	vmax.f32 v14, v15;
	v14 =	vmax.f32 v31, v32;
	[tilespmem:$0x1D620] =	vst v12  }
0x207: {  	v10 =	vmax.f32 v10, v14;
	v12 =	vmax.f32 v33, v34;
	[tilespmem:$0x1D630] =	vst v11  }
0x208: {  	v11 =	vmax.f32 v35, v36;
	v6 =	vmax.f32 v6, v12;
	[tilespmem:$0x1D640] =	vst v10  }
0x209: {  	v10 =	vmax.f32 v13, v11;
	v11 =	vmax.f32 v37, v38;
	[tilespmem:$0x1D650] =	vst v6  }
0x20a: {  	v6 =	vmax.f32 v7, v11;
	v7 =	vmax.f32 v39, v40;
	[tilespmem:$0x1D660] =	vst v10  }
0x20b: {  	v5 =	vmax.f32 v5, v7;
	v7 =	vmax.f32 v41, v42;
	[tilespmem:$0x1D670] =	vst v6  }
0x20c: {  	v1 =	vmax.f32 v1, v21;
	v6 =	vmax.f32 v8, v7;
	v7 =	vmax.f32 v43, v44;
	[tilespmem:$0x1D680] =	vst v5  }
0x20d: {  	v5 =	vmax.f32 v17, v19;
	v4 =	vmax.f32 v4, v7;
	v7 =	vmax.f32 v45, v46;
	[tilespmem:$0x1D690] =	vst v6  }
0x20e: {  	v5 =	vmax.f32 v9, v5;
	v6 =	vmax.f32 v47, v48;
	v3 =	vmax.f32 v3, v7;
	[tilespmem:$0x1D6A0] =	vst v4  }
0x20f: {  	v4 =	vmax.f32 v18, v20;
	v1 =	vmax.f32 v1, v6;
	v6 =	vmax.f32 v49, v50;
	[tilespmem:$0x1D6B0] =	vst v3  }
0x210: {  	v2 =	vmax.f32 v2, v4;
	v3 =	vmax.f32 v5, v6;
	v4 =	vmax.f32 v59, v60;
	[tilespmem:$0x1D6C0] =	vst v1  }
0x211: {  	v1 =	vmax.f32 v16, v22;
	v2 =	vmax.f32 v2, v4;
	[tilespmem:$0x1D6D0] =	vst v3  }
0x212: {  	v0 =	vmax.f32 v0, v1;
	[tilespmem:$0x1D6E0] =	vst v2  }
0x213: {  	[tilespmem:$0x1D6F0] =	vst v0  }
0x214: {  	_ =	swait.ge [sflag:s30], $0x2000  }
0x215: {  	[sflag:s30] =	ssyncset.done $0x0  }
0x216: {  	[sflag:s30] =	ssyncadd.s32 $0xFFFFE000  }
0x217: {  	_ =	swait.ge [sflag:s30], $0x1200  }
0x218: {  	[sflag:s30] =	ssyncset.done $0x0  }
0x219: {  	[sflag:s30] =	ssyncadd.s32 $0xFFFFEE00  }
0x21a: {  	_ =	swait.ge [sflag:s30], $0x2000  }
0x21b: {  	[sflag:s30] =	ssyncset.done $0x0  }
0x21c: {  	[sflag:s30] =	ssyncadd.s32 $0xFFFFE000  }
0x21d: {  	_ =	swait.ge [sflag:s30], $0x1200  }
0x21e: {  	[sflag:s30] =	ssyncset.done $0x0  }
0x21f: {  	[sflag:s30] =	ssyncadd.s32 $0xFFFFEE00  }
0x220: {  	_ =	swait.ge [sflag:s30], $0x2000  }
0x221: {  	[sflag:s30] =	ssyncset.done $0x0  }
0x222: {  	[sflag:s30] =	ssyncadd.s32 $0xFFFFE000  }
0x223: {  	_ =	swait.ge [sflag:s30], $0x1200  }
0x224: {  	[sflag:s30] =	ssyncset.done $0x0  }
0x225: {  	[sflag:s30] =	ssyncadd.s32 $0xFFFFEE00  }
0x226: {  	_ =	swait.ge [sflag:s30], $0x2000  }
0x227: {  	[sflag:s30] =	ssyncset.done $0x0  }
0x228: {  	[sflag:s30] =	ssyncadd.s32 $0xFFFFE000  }
0x229: {  	_ =	swait.ge [sflag:s30], $0x1200  }
0x22a: {  	[sflag:s30] =	ssyncset.done $0x0  }
0x22b: {  	s8 =	simm.s32 $0x0;
	[sflag:s30] =	ssyncadd.s32 $0xFFFFEE00  }
0x22c: {  	v0 =	vld [tilespmem:s8+$0x16630]  }
0x22d: {  	v1 =	vld [tilespmem:s8+$0x16670]  }
0x22e: {  	v2 =	vld [tilespmem:s8+$0xD000]  }
0x22f: {  	v3 =	vld [tilespmem:s8+$0xD040]  }
0x230: {  	v4 =	vld [tilespmem:s8+$0xD010]  }
0x231: {  	v5 =	vld [tilespmem:s8+$0xD050]  }
0x232: {  	v6 =	vld [tilespmem:s8+$0xD020]  }
0x233: {  	v7 =	vld [tilespmem:s8+$0xD060]  }
0x234: {  	v8 =	vld [tilespmem:s8+$0xD030]  }
0x235: {  	v9 =	vld [tilespmem:s8+$0xD070]  }
0x236: {  	v10 =	vld [tilespmem:s8+$0x10200]  }
0x237: {  	v11 =	vld [tilespmem:s8+$0x10240]  }
0x238: {  	v13 =	vld [tilespmem:s8+$0x10210]  }
0x239: {  	v14 =	vld [tilespmem:s8+$0x10250]  }
0x23a: {  	v16 =	vld [tilespmem:s8+$0x10220]  }
0x23b: {  	v17 =	vld [tilespmem:s8+$0x10260]  }
0x23c: {  	v18 =	vld [tilespmem:s8+$0x10230]  }
0x23d: {  	v19 =	vld [tilespmem:s8+$0x10270]  }
0x23e: {  	v20 =	vld [tilespmem:s8+$0x13400]  }
0x23f: {  	v21 =	vld [tilespmem:s8+$0x13440]  }
0x240: {  	v22 =	vld [tilespmem:s8+$0x13410]  }
0x241: {  	v23 =	vld [tilespmem:s8+$0x13450]  }
0x242: {  	v61 =	vld [tilespmem:s8+$0x13420]  }
0x243: {  	v62 =	vld [tilespmem:s8+$0x13430]  }
0x244: {  	v63 =	vld [tilespmem:s8+$0x16640];
	v0 =	vmax.f32 v0, v1;
	v1 =	vimm.f32 $-Inf;
	v2 =	vmax.f32 v2, v3  }
0x245: {  	v3 =	vld [tilespmem:s8+$0x13460];
	v4 =	vmax.f32 v4, v5;
	v5 =	vmax.f32 v6, v7;
	v6 =	vmax.f32 v13, v14  }
0x246: {  	v0 =	vmax.f32 v1, v0;
	v15 =	vmax.f32 v1, v2;
	v12 =	vmax.f32 v1, v4;
	v2 =	vld [tilespmem:s8+$0x13470]  }
0x247: {  	v7 =	vmax.f32 v1, v5;
	v4 =	vmax.f32 v8, v9;
	v5 =	vmax.f32 v10, v11;
	v10 =	vld [tilespmem:s8+$0x16600]  }
0x248: {  	v6 =	vmax.f32 v1, v6;
	v9 =	vmax.f32 v20, v21;
	v14 =	vmax.f32 v1, v4  }
0x249: {  	v11 =	vmax.f32 v1, v5;
	v4 =	vmax.f32 v16, v17;
	v5 =	vmax.f32 v18, v19;
	v17 =	vld [tilespmem:s8+$0x16610]  }
0x24a: {  	v19 =	vld [tilespmem:s8+$0x16650];
	v13 =	vmax.f32 v1, v4;
	v8 =	vmax.f32 v1, v5;
	v4 =	vmax.f32 v22, v23  }
0x24b: {  	v20 =	vld [tilespmem:s8+$0x16660];
	v5 =	vmax.f32 v1, v9;
	v9 =	vmax.f32 v1, v4;
	v3 =	vmax.f32 v61, v3  }
0x24c: {  	s0 =	simm.s32 $0x80;
	v18 =	vld [tilespmem:s8+$0x16620];
	v2 =	vmax.f32 v62, v2;
	v4 =	vmax.f32 v1, v3;
	v21 =	vmax.f32 v10, v63  }
0x24d: {  	s13 =	rddreg [dreg:$0x8];
	v16 =	vld [tilespmem:s0+$0x16630];
	s8 =	simm.s32 $0x400;
	v10 =	vimm.f32 $-Inf;
	v3 =	vmax.f32 v1, v2;
	v2 =	vimm.f32 $-Inf  }
.LBB2_10:
0x24e: {  	p0 =	sne.s32 s8, $0xC600;
	v22 =	vld [tilespmem:s0+$0x16670];
	v1 =	vmax.f32 v1, v21  }
0x24f: {  	v21 =	vld [tilespmem:s0+$0xD000];
	v17 =	vmax.f32 v17, v19  }
0x250: {  	v19 =	vld [tilespmem:s0+$0xD040];
	v10 =	vmax.f32 v10, v17  }
0x251: {  	v17 =	vld [tilespmem:s0+$0xD010];
	v18 =	vmax.f32 v18, v20  }
0x252: {  	v20 =	vld [tilespmem:s0+$0xD050];
	v2 =	vmax.f32 v2, v18  }
0x253: {  	v18 =	vld [tilespmem:s0+$0xD020];
	v16 =	vmax.f32 v16, v22  }
0x254: {  	v22 =	vld [tilespmem:s0+$0xD060];
	v0 =	vmax.f32 v0, v16  }
0x255: {  	v16 =	vmax.f32 v21, v19;
	v19 =	vld [tilespmem:s0+$0xD030]  }
0x256: {  	v15 =	vmax.f32 v15, v16;
	v16 =	vld [tilespmem:s0+$0xD070]  }
0x257: {  	v17 =	vmax.f32 v17, v20;
	v20 =	vld [tilespmem:s0+$0x10200]  }
0x258: {  	v12 =	vmax.f32 v12, v17;
	v17 =	vld [tilespmem:s0+$0x10240]  }
0x259: {  	v18 =	vmax.f32 v18, v22;
	v21 =	vld [tilespmem:s0+$0x10210]  }
0x25a: {  	v7 =	vmax.f32 v7, v18;
	v18 =	vld [tilespmem:s0+$0x10250]  }
0x25b: {  	v16 =	vmax.f32 v19, v16;
	v19 =	vld [tilespmem:s0+$0x10220]  }
0x25c: {  	v14 =	vmax.f32 v14, v16;
	v16 =	vld [tilespmem:s0+$0x10260]  }
0x25d: {  	v17 =	vmax.f32 v20, v17;
	v20 =	vld [tilespmem:s0+$0x10230]  }
0x25e: {  	v11 =	vmax.f32 v11, v17;
	v17 =	vld [tilespmem:s0+$0x10270]  }
0x25f: {  	v18 =	vmax.f32 v21, v18;
	v21 =	vld [tilespmem:s0+$0x13400]  }
0x260: {  	v6 =	vmax.f32 v6, v18;
	v18 =	vld [tilespmem:s0+$0x13440]  }
0x261: {  	v16 =	vmax.f32 v19, v16;
	v19 =	vld [tilespmem:s0+$0x13410]  }
0x262: {  	v13 =	vmax.f32 v13, v16;
	v16 =	vld [tilespmem:s0+$0x13450]  }
0x263: {  	v17 =	vmax.f32 v20, v17;
	v20 =	vld [tilespmem:s0+$0x13420]  }
0x264: {  	v8 =	vmax.f32 v8, v17;
	v17 =	vld [tilespmem:s0+$0x13460]  }
0x265: {  	v18 =	vmax.f32 v21, v18;
	v21 =	vld [tilespmem:s0+$0x13430]  }
0x266: {  	v5 =	vmax.f32 v5, v18;
	v18 =	vld [tilespmem:s0+$0x13470]  }
0x267: {  	v16 =	vmax.f32 v19, v16;
	v22 =	vld [tilespmem:s0+$0x16600]  }
0x268: {  	v9 =	vmax.f32 v9, v16;
	v23 =	vld [tilespmem:s0+$0x16640]  }
.Ltmp4:
0x269: {  	v16 =	vmax.f32 v20, v17;
	v17 =	vld [tilespmem:s0+$0x16610];
	(pc) =	sbr.rel @p0 .LBB2_10-.Ltmp4, $4  }
0x26a: {  	v4 =	vmax.f32 v4, v16;
	v19 =	vld [tilespmem:s0+$0x16650]  }
0x26b: {  	v16 =	vmax.f32 v21, v18;
	v18 =	vld [tilespmem:s0+$0x16620]  }
0x26c: {  	v3 =	vmax.f32 v3, v16;
	v20 =	vld [tilespmem:s0+$0x16660];
	s0 =	sshra.s32 s8, $0x2  }
0x26d: {  	s8 =	sadd.s32 $0x200, s8;
	v16 =	vld [tilespmem:s0+$0x16630];
	v21 =	vmax.f32 v22, v23  }
0x26e: {  	v22 =	vld [tilespmem:s0+$0x16670]  }
0x26f: {  	v23 =	vld [tilespmem:s0+$0xD000]  }
0x270: {  	v24 =	vld [tilespmem:s0+$0xD040]  }
0x271: {  	v25 =	vld [tilespmem:s0+$0xD010]  }
0x272: {  	v26 =	vld [tilespmem:s0+$0xD050]  }
0x273: {  	v27 =	vld [tilespmem:s0+$0xD020]  }
0x274: {  	v28 =	vld [tilespmem:s0+$0xD060]  }
0x275: {  	v29 =	vld [tilespmem:s0+$0xD030]  }
0x276: {  	v30 =	vld [tilespmem:s0+$0xD070]  }
0x277: {  	v31 =	vld [tilespmem:s0+$0x10200]  }
0x278: {  	v32 =	vld [tilespmem:s0+$0x10240]  }
0x279: {  	v33 =	vld [tilespmem:s0+$0x10210]  }
0x27a: {  	v34 =	vld [tilespmem:s0+$0x10250]  }
0x27b: {  	v35 =	vld [tilespmem:s0+$0x10220]  }
0x27c: {  	v36 =	vld [tilespmem:s0+$0x10260]  }
0x27d: {  	v37 =	vld [tilespmem:s0+$0x10230]  }
0x27e: {  	v38 =	vld [tilespmem:s0+$0x10270]  }
0x27f: {  	v39 =	vld [tilespmem:s0+$0x13400]  }
0x280: {  	v40 =	vld [tilespmem:s0+$0x13440]  }
0x281: {  	v41 =	vld [tilespmem:s0+$0x13410]  }
0x282: {  	v42 =	vld [tilespmem:s0+$0x13450]  }
0x283: {  	v43 =	vld [tilespmem:s0+$0x13420]  }
0x284: {  	v44 =	vld [tilespmem:s0+$0x13460]  }
0x285: {  	v45 =	vld [tilespmem:s0+$0x13430]  }
0x286: {  	v46 =	vld [tilespmem:s0+$0x13470]  }
0x287: {  	v47 =	vld [tilespmem:s0+$0x16600]  }
0x288: {  	v48 =	vld [tilespmem:s0+$0x16640]  }
0x289: {  	v49 =	vld [tilespmem:s0+$0x16610]  }
0x28a: {  	v50 =	vld [tilespmem:s0+$0x16650];
	v23 =	vmax.f32 v23, v24  }
0x28b: {  	v63 =	vld [tilespmem:s0+$0x16660];
	v62 =	vmax.f32 v25, v26;
	v15 =	vmax.f32 v15, v23  }
0x28c: {  	v24 =	vld [tilespmem:s0+$0x16620];
	v28 =	vmax.f32 v27, v28;
	v12 =	vmax.f32 v12, v62;
	[tilespmem:$0x1D700] =	vst v15  }
0x28d: {  	v29 =	vmax.f32 v29, v30;
	v7 =	vmax.f32 v7, v28;
	[tilespmem:$0x1D710] =	vst v12  }
0x28e: {  	v31 =	vmax.f32 v31, v32;
	v30 =	vmax.f32 v14, v29;
	[tilespmem:$0x1D720] =	vst v7  }
0x28f: {  	v34 =	vmax.f32 v33, v34;
	v32 =	vmax.f32 v11, v31;
	[tilespmem:$0x1D730] =	vst v30  }
0x290: {  	v35 =	vmax.f32 v35, v36;
	v6 =	vmax.f32 v6, v34;
	[tilespmem:$0x1D740] =	vst v32  }
0x291: {  	v38 =	vmax.f32 v37, v38;
	v36 =	vmax.f32 v13, v35;
	[tilespmem:$0x1D750] =	vst v6  }
0x292: {  	v52 =	vmax.f32 v39, v40;
	v51 =	vmax.f32 v8, v38;
	[tilespmem:$0x1D760] =	vst v36  }
0x293: {  	v53 =	vmax.f32 v41, v42;
	v5 =	vmax.f32 v5, v52;
	[tilespmem:$0x1D770] =	vst v51  }
0x294: {  	v1 =	vmax.f32 v1, v21;
	v55 =	vmax.f32 v43, v44;
	v54 =	vmax.f32 v9, v53;
	[tilespmem:$0x1D780] =	vst v5  }
0x295: {  	v56 =	vmax.f32 v17, v19;
	v57 =	vmax.f32 v45, v46;
	v4 =	vmax.f32 v4, v55;
	[tilespmem:$0x1D790] =	vst v54  }
0x296: {  	v59 =	vmax.f32 v18, v20;
	v58 =	vmax.f32 v47, v48;
	v3 =	vmax.f32 v3, v57;
	[tilespmem:$0x1D7A0] =	vst v4  }
0x297: {  	v60 =	vmax.f32 v49, v50;
	v1 =	vmax.f32 v1, v58;
	v5 =	vmax.f32 v10, v56;
	[tilespmem:$0x1D7B0] =	vst v3  }
0x298: {  	v2 =	vmax.f32 v2, v59;
	[tilespmem:$0x1D7C0] =	vst v1;
	v61 =	vmax.f32 v5, v60;
	v62 =	vmax.f32 v24, v63  }
0x299: {  	[tilespmem:$0x1D7D0] =	vst v61;
	v63 =	vmax.f32 v16, v22;
	v2 =	vmax.f32 v2, v62  }
0x29a: {  	s8 =	simm.s32 $0x0;
	v0 =	vmax.f32 v0, v63;
	[tilespmem:$0x1D7E0] =	vst v2  }
0x29b: {  	s31 =	rddreg [dreg:$0x6];
	s9 =	simm.s32 $0x19800;
	s14 =	simm.s32 $0x5;
	[tilespmem:$0x1D7F0] =	vst v0  }
0x29c: {  	[hbm4b:s31+s8] =	stream.linear.scatter [tilespmem:s9], [sflag:$0x5], $0x4000, $0x38;
	[tilespmem:$0x1D800] =	vst v63  }
0x29d: {  	_ =	swait.ge [sflag:s14], $0x4000  }
0x29e: {  	s13 =	sadd.s32 $0x1, s13;
	s31 =	rddreg [dreg:$0x7]  }
0x29f: {  	p0 =	sne.s32 s13, s31  }
.Ltmp5:
0x2a0: {  	_ = 	snop;
	(pc) =	sbr.rel @p0 .LBB2_1-.Ltmp5, $3  }
0x2a1: {  	_ =	sdelay $0x1  }
0x2a2: {  	[sflag:s14] =	ssyncset.done $0x0  }
0x2a3: {  	[sflag:s14] =	ssyncadd.s32 $0xFFFFC000  }
0x2a4: {  	_ =	sfence.sel $0x180000  }
0x2a5: {  	[bflag:$0x0] =	sbarrier.arrive $0xFFFF  }
0x2a6: {  	_ =	strace $0x90000047  }
0x2a7: {  	s0 =	stileid.u32;
	[bflag:$0x2] =	sbarrier.arrive $0xFFFF  }
0x2a8: {  	p0 =	sne.s32 s0, $0x0;
	s0 =	rddreg [dreg:$0x1]  }
0x2a9: {  	s0 =	sadd.s32 @!p0 $0x100000, s0  }
0x2aa: {  	[sflag:s0] =	ssyncadd.tile.s32 @!p0 $0x1;
	_ =	shalt  }
.Lfunc_end2:
_tile_overlayer_lowered:
.L_overlay_start_2:
0x2ab: {  	(tag) =	ssettag $0x2  }
0x2ac: {  	s0 =	rddreg [dreg:$0x0];
	s2 =	stileid.u32  }
0x2ad: {  	s1 =	rddreg [dreg:$0x1];
	p0 =	sne.s32 s2, $0x0  }
0x2ae: {  	s3 =	rddreg [dreg:$0x2];
	[bflag:$0x3] =	sbarrier.arrive $0xFFFF;
	s2 =	simm.s32 @!p0 $0x1C05  }
0x2af: {  	[timem:s3], [sflag:s2] =	dma.local @!p0 [hbm:s0], s1  }
0x2b0: {  	s0 =	simm.s32 @!p0 $0x5  }
0x2b1: {  	_ =	swait.ge @!p0 [sflag:s0], s1  }
0x2b2: {  	s1 =	ssub.s32 @!p0 $0x0, s1;
	[sflag:s0] =	ssyncset.done @!p0 $0x0  }
0x2b3: {  	[sflag:s0] =	ssyncadd.s32 @!p0 s1  }
0x2b4: {  	[bflag:$0x3] =	sbarrier.arrive $0xFFFF  }
0x2b5: {  	_ =	shalt  }

</sc_bundles>
